<compile_context>
chip_gen: v7x
topology: tpu7x:2x2x1
jax: 0.10.2.dev20260603
libtpu: 0.0.44.dev20260713+nightly
codegen_flags: <defaults>
</compile_context>

<pallas_src>
import functools

import jax
import jax.numpy as jnp
import numpy as np
from jax import lax
from jax.experimental import pallas as pl
from jax.experimental.pallas import tpu as pltpu
from jax.experimental.pallas import tpu_sc as plsc

_B = 16384
_C = 256
_M = 3
_BR_HI = 1024
_BR_LO = 1024
_B_SC = 4096

_NC = 2
_NS = 16
_NW = _NC * _NS
_NW_ELEMS = _B_SC * _C // _NW

_TINY = np.float32(np.finfo(np.float32).tiny)
_SCALE = np.float32(1.0) - _TINY

_K0 = np.uint32(0)
_K1 = np.uint32(42)
_K2 = _K0 ^ _K1 ^ np.uint32(0x1BD11BDA)
_KS = (_K0, _K1, _K2)
_ROTS = ((13, 15, 26, 6), (17, 29, 16, 24))


def _threefry_bits(j):
    x0 = jnp.zeros_like(j) + _K0
    x1 = j + _K1
    for i in range(5):
        for r in _ROTS[i % 2]:
            x0 = x0 + x1
            x1 = (x1 << np.uint32(r)) | (x1 >> np.uint32(32 - r))
            x1 = x1 ^ x0
        x0 = x0 + _KS[(i + 1) % 3]
        x1 = x1 + _KS[(i + 2) % 3] + np.uint32(i + 1)
    return x0 ^ x1


def _uniform_from_bits(bits):
    fb = (bits >> np.uint32(9)) | np.uint32(0x3F800000)
    f = jax.lax.bitcast_convert_type(fb, jnp.float32) - np.float32(1.0)
    return f + _TINY


def _neglog_u_from_count(j):
    return -jnp.log(_uniform_from_bits(_threefry_bits(j)))


def _sc_noise_body(u0_hbm, u1_hbm, u2_hbm, v0, v1, v2):
    wid = lax.axis_index("s") * _NC + lax.axis_index("c")
    base = wid * _NW_ELEMS
    lane3 = lax.iota(jnp.int32, 16) * 3

    def body(i, carry):
        jv = ((base + i * 16) * 3 + lane3).astype(jnp.uint32)
        sl = pl.ds(i * 16, 16)
        v0[sl] = _uniform_from_bits(_threefry_bits(jv))
        v1[sl] = _uniform_from_bits(_threefry_bits(jv + np.uint32(1)))
        v2[sl] = _uniform_from_bits(_threefry_bits(jv + np.uint32(2)))
        return carry

    lax.fori_loop(0, _NW_ELEMS // 16, body, 0)
    pltpu.sync_copy(v0, u0_hbm.at[pl.ds(base, _NW_ELEMS)])
    pltpu.sync_copy(v1, u1_hbm.at[pl.ds(base, _NW_ELEMS)])
    pltpu.sync_copy(v2, u2_hbm.at[pl.ds(base, _NW_ELEMS)])


_sc_noise = functools.partial(
    pl.kernel,
    out_type=[jax.ShapeDtypeStruct((_B_SC * _C,), jnp.float32)] * 3,
    mesh=plsc.VectorSubcoreMesh(core_axis_name="c", subcore_axis_name="s"),
    scratch_types=[pltpu.VMEM((_NW_ELEMS,), jnp.float32)] * 3,
)(_sc_noise_body)


def _docking(x0_ref, x1_ref, x2_ref, w0_ref, w1_ref, w2_ref, b_ref):
    return (_dock(x0_ref, w0_ref, b_ref, 0),
            _dock(x1_ref, w1_ref, b_ref, 1),
            _dock(x2_ref, w2_ref, b_ref, 2))


def _select(p, l0, l1, l2, d0, d1, d2):
    p0 = p[:, 0:1]
    p1 = p[:, 1:2]
    p2 = p[:, 2:3]
    pick0 = (p0 * l1 >= p1 * l0) & (p0 * l2 >= p2 * l0)
    pick1 = p1 * l2 >= p2 * l1
    return jnp.where(pick0, d0, jnp.where(pick1, d1, d2))


def _probs(sp_ref, av_ref):
    w = sp_ref[...] * av_ref[...]
    return w / jnp.sum(w, axis=1, keepdims=True) + np.float32(1e-20)


def _dock(x_ref, w_ref, b_ref, row):
    return jnp.maximum(
        lax.dot_general(x_ref[...], w_ref[...],
                        (((1,), (1,)), ((), ())),
                        preferred_element_type=jnp.float32)
        + b_ref[row:row + 1, :], 0.0)


def _hi_kernel(x0_ref, x1_ref, x2_ref, sp_ref, av_ref,
               w0_ref, w1_ref, w2_ref, b_ref, out_ref):
    d0, d1, d2 = _docking(x0_ref, x1_ref, x2_ref, w0_ref, w1_ref, w2_ref,
                          b_ref)
    p = _probs(sp_ref, av_ref)
    base = (_B_SC + pl.program_id(0) * _BR_HI) * (_C * _M)
    r = jax.lax.broadcasted_iota(jnp.int32, (_BR_HI, _C), 0)
    c = jax.lax.broadcasted_iota(jnp.int32, (_BR_HI, _C), 1)
    q = base + r * (_C * _M) + c * _M
    l0 = _neglog_u_from_count(q.astype(jnp.uint32))
    l1 = _neglog_u_from_count((q + 1).astype(jnp.uint32))
    l2 = _neglog_u_from_count((q + 2).astype(jnp.uint32))
    out_ref[...] = _select(p, l0, l1, l2, d0, d1, d2)


def _lo_kernel(x0_ref, x1_ref, x2_ref, sp_ref, av_ref,
               w0_ref, w1_ref, w2_ref, b_ref,
               u0_ref, u1_ref, u2_ref, buf_ref, out_ref):
    del buf_ref
    d0, d1, d2 = _docking(x0_ref, x1_ref, x2_ref, w0_ref, w1_ref, w2_ref,
                          b_ref)
    p = _probs(sp_ref, av_ref)
    l0 = -jnp.log(u0_ref[...])
    l1 = -jnp.log(u1_ref[...])
    l2 = -jnp.log(u2_ref[...])
    out_ref[...] = _select(p, l0, l1, l2, d0, d1, d2)


def _row_specs(br, off):
    def rows(i, _off=off):
        return (i + _off, 0)

    return [
        pl.BlockSpec((br, 512), rows),
        pl.BlockSpec((br, 256), rows),
        pl.BlockSpec((br, 128), rows),
        pl.BlockSpec((br, 3), rows),
        pl.BlockSpec((br, 3), rows),
        pl.BlockSpec((256, 512), lambda i: (0, 0)),
        pl.BlockSpec((256, 256), lambda i: (0, 0)),
        pl.BlockSpec((256, 128), lambda i: (0, 0)),
        pl.BlockSpec((3, 256), lambda i: (0, 0)),
    ]


def kernel(input_0, input_1, input_2, availabilities, selection_probabilities,
           W0, b0, W1, b1, W2, b2):
    sp3 = selection_probabilities.astype(jnp.float32)
    av3 = availabilities.astype(jnp.float32)
    bstack = jnp.stack([b0, b1, b2], axis=0)

    u0, u1, u2 = _sc_noise()
    u0 = u0.reshape(_B_SC, _C)
    u1 = u1.reshape(_B_SC, _C)
    u2 = u2.reshape(_B_SC, _C)

    nsc = _B_SC // _BR_HI
    buf = pl.pallas_call(
        _hi_kernel,
        grid=((_B - _B_SC) // _BR_HI,),
        in_specs=_row_specs(_BR_HI, nsc),
        out_specs=pl.BlockSpec((_BR_HI, _C), lambda i, _off=nsc: (i + _off, 0)),
        out_shape=jax.ShapeDtypeStruct((_B, _C), jnp.float32),
        compiler_params=pltpu.CompilerParams(
            dimension_semantics=("parallel",)),
    )(input_0, input_1, input_2, sp3, av3, W0, W1, W2, bstack)

    return pl.pallas_call(
        _lo_kernel,
        grid=(_B_SC // _BR_LO,),
        in_specs=_row_specs(_BR_LO, 0) + [
            pl.BlockSpec((_BR_LO, _C), lambda i: (i, 0)),
            pl.BlockSpec((_BR_LO, _C), lambda i: (i, 0)),
            pl.BlockSpec((_BR_LO, _C), lambda i: (i, 0)),
            pl.BlockSpec(memory_space=pltpu.MemorySpace.HBM),
        ],
        out_specs=pl.BlockSpec((_BR_LO, _C), lambda i: (i, 0)),
        out_shape=jax.ShapeDtypeStruct((_B, _C), jnp.float32),
        input_output_aliases={12: 0},
        compiler_params=pltpu.CompilerParams(
            dimension_semantics=("parallel",)),
    )(input_0, input_1, input_2, sp3, av3, W0, W1, W2, bstack,
      u0, u1, u2, buf)

# --- scband reference (transcript-rebuilt; emitter-appended) ---
"""Pipeline reference for scband-embrace-net-85736137163363 (READ-ONLY COPY).

The authoritative reference and input builder live on the scoring server;
editing this copy changes nothing except your own understanding.
"""

import jax, jax.numpy as jnp
import numpy as np

B = 16384
C = 256
M = 3

def setup_inputs(seed: int = 0) -> dict:
    key = jax.random.key(seed)
    ks = jax.random.split(key, 10)
    input_0 = jax.random.normal(ks[0], (B, 512), dtype=jnp.float32)
    input_1 = jax.random.normal(ks[1], (B, 256), dtype=jnp.float32)
    input_2 = jax.random.normal(ks[2], (B, 128), dtype=jnp.float32)
    availabilities = jnp.ones((B, M), dtype=jnp.float32)
    selection_probabilities = jax.random.uniform(ks[3], (B, M), dtype=jnp.float32)
    W0 = jax.random.normal(ks[4], (C, 512), dtype=jnp.float32) * 0.02
    b0 = jnp.zeros((C,), dtype=jnp.float32)
    W1 = jax.random.normal(ks[5], (C, 256), dtype=jnp.float32) * 0.02
    b1 = jnp.zeros((C,), dtype=jnp.float32)
    W2 = jax.random.normal(ks[6], (C, 128), dtype=jnp.float32) * 0.02
    b2 = jnp.zeros((C,), dtype=jnp.float32)
    return {
        'input_0': input_0, 'input_1': input_1, 'input_2': input_2,
        'availabilities': availabilities,
        'selection_probabilities': selection_probabilities,
        'W0': W0, 'b0': b0, 'W1': W1, 'b1': b1, 'W2': W2, 'b2': b2,
    }

def reference(input_0, input_1, input_2, availabilities, selection_probabilities,
              W0, b0, W1, b1, W2, b2):
    # docking layers: Linear + ReLU
    d0 = jax.nn.relu(input_0 @ W0.T + b0)
    d1 = jax.nn.relu(input_1 @ W1.T + b1)
    d2 = jax.nn.relu(input_2 @ W2.T + b2)
    avail = availabilities.astype(jnp.float32)
    sp = selection_probabilities * avail
    prob_sum = jnp.sum(sp, axis=-1, keepdims=True)
    sp = sp / prob_sum
    # stack docking outputs: [B, C, M]
    docking_stack = jnp.stack([d0, d1, d2], axis=-1)
    # multinomial with replacement, num_samples = embracement_size
    logits = jnp.log(sp + 1e-20)  # [B, M]
    skey = jax.random.key(42)
    modality_indices = jax.random.categorical(skey, logits[:, None, :], axis=-1, shape=(B, C))
    modality_toggles = jax.nn.one_hot(modality_indices, M, dtype=jnp.float32)  # [B, C, M]
    embracement_output = jnp.sum(docking_stack * modality_toggles, axis=-1)  # [B, C]
    return embracement_output

if __name__ == "__main__":
    import jax
    _d = setup_inputs()
    print(jax.jit(kernel)(*tuple(_d.values())))

</pallas_src>

<mosaic_0001>
#map = affine_map<(d0, d1) -> (0)>
module attributes {stable_mosaic.version = 14 : i64} {
  func.func @_sc_noise_body(%arg0: i32, %arg1: i32, %arg2: memref<1048576xf32, #tpu.memory_space<hbm>>, %arg3: memref<1048576xf32, #tpu.memory_space<hbm>>, %arg4: memref<1048576xf32, #tpu.memory_space<hbm>>, %arg5: memref<32768xf32, #tpu.memory_space<vmem>>, %arg6: memref<32768xf32, #tpu.memory_space<vmem>>, %arg7: memref<32768xf32, #tpu.memory_space<vmem>>) attributes {dimension_semantics = [#tpu.dimension_semantics<core_parallel>, #tpu.dimension_semantics<subcore_parallel>], iteration_bounds = array<i64: 2, 16>, scalar_prefetch = 0 : i64, scratch_operands = 3 : i64, tpu.core_type = #tpu.core_type<sc_vector_subcore>, window_params = [{transform_indices = #map}, {transform_indices = #map}, {transform_indices = #map}]} {
    %mul3A = arith.constant 2 : i32
    %mul3A_0 = arith.muli %arg1, %mul3A : i32
    %add3A = arith.addi %mul3A_0, %arg0 : i32
    %mul3A_1 = arith.constant 32768 : i32
    %mul3A_2 = arith.muli %add3A, %mul3A_1 : i32
    %iota3A = tpu.iota {dimensions = array<i32: 0>} : vector<16xi32>
    %mul3A_3 = arith.constant 3 : i32
    %mul3A_4 = vector.broadcast %mul3A_3 : i32 to vector<16xi32>
    %mul3A_5 = arith.muli %iota3A, %mul3A_4 : vector<16xi32>
    %scan3A = arith.constant 0 : i32
    %scan3A_6 = arith.constant 0 : i32
    %scan3A_7 = arith.constant 2048 : i32
    %scan3A_8 = arith.addi %scan3A_6, %scan3A_7 : i32
    %scan3A_9 = arith.constant 1 : i32
    scf.for %scan3A_11 = %scan3A_6 to %scan3A_8 step %scan3A_9  : i32 {
      %mul3A_12 = arith.constant 16 : i32
      %mul3A_13 = arith.muli %scan3A_11, %mul3A_12 : i32
      %add3A_14 = arith.addi %mul3A_2, %mul3A_13 : i32
      %mul3A_15 = arith.constant 3 : i32
      %mul3A_16 = arith.muli %add3A_14, %mul3A_15 : i32
      %add3A_17 = vector.broadcast %mul3A_16 : i32 to vector<16xi32>
      %add3A_18 = arith.addi %add3A_17, %mul3A_5 : vector<16xi32>
      %mul3A_19 = arith.constant 16 : i32
      %mul3A_20 = arith.muli %scan3A_11, %mul3A_19 : i32
      %broadcast_in_dim3A = arith.constant 0 : i32
      %broadcast_in_dim3A_21 = vector.broadcast %broadcast_in_dim3A : i32 to vector<16xi32>
      %add3A_22 = arith.constant 0 : i32
      %add3A_23 = vector.broadcast %add3A_22 : i32 to vector<16xi32>
      %add3A_24 = arith.addi %broadcast_in_dim3A_21, %add3A_23 : vector<16xi32>
      %add3A_25 = arith.constant 42 : i32
      %add3A_26 = vector.broadcast %add3A_25 : i32 to vector<16xi32>
      %add3A_27 = arith.addi %add3A_18, %add3A_26 : vector<16xi32>
      %add3A_28 = arith.addi %add3A_24, %add3A_27 : vector<16xi32>
      %shift_left3A = arith.constant 13 : i32
      %shift_left3A_29 = vector.broadcast %shift_left3A : i32 to vector<16xi32>
      %shift_left3A_30 = arith.shli %add3A_27, %shift_left3A_29 : vector<16xi32>
      %shift_right_logical3A = arith.constant 19 : i32
      %shift_right_logical3A_31 = vector.broadcast %shift_right_logical3A : i32 to vector<16xi32>
      %shift_right_logical3A_32 = arith.shrui %add3A_27, %shift_right_logical3A_31 : vector<16xi32>
      %or3A = arith.ori %shift_left3A_30, %shift_right_logical3A_32 : vector<16xi32>
      %xor3A = arith.xori %or3A, %add3A_28 : vector<16xi32>
      %add3A_33 = arith.addi %add3A_28, %xor3A : vector<16xi32>
      %shift_left3A_34 = arith.constant 15 : i32
      %shift_left3A_35 = vector.broadcast %shift_left3A_34 : i32 to vector<16xi32>
      %shift_left3A_36 = arith.shli %xor3A, %shift_left3A_35 : vector<16xi32>
      %shift_right_logical3A_37 = arith.constant 17 : i32
      %shift_right_logical3A_38 = vector.broadcast %shift_right_logical3A_37 : i32 to vector<16xi32>
      %shift_right_logical3A_39 = arith.shrui %xor3A, %shift_right_logical3A_38 : vector<16xi32>
      %or3A_40 = arith.ori %shift_left3A_36, %shift_right_logical3A_39 : vector<16xi32>
      %xor3A_41 = arith.xori %or3A_40, %add3A_33 : vector<16xi32>
      %add3A_42 = arith.addi %add3A_33, %xor3A_41 : vector<16xi32>
      %shift_left3A_43 = arith.constant 26 : i32
      %shift_left3A_44 = vector.broadcast %shift_left3A_43 : i32 to vector<16xi32>
      %shift_left3A_45 = arith.shli %xor3A_41, %shift_left3A_44 : vector<16xi32>
      %shift_right_logical3A_46 = arith.constant 6 : i32
      %shift_right_logical3A_47 = vector.broadcast %shift_right_logical3A_46 : i32 to vector<16xi32>
      %shift_right_logical3A_48 = arith.shrui %xor3A_41, %shift_right_logical3A_47 : vector<16xi32>
      %or3A_49 = arith.ori %shift_left3A_45, %shift_right_logical3A_48 : vector<16xi32>
      %xor3A_50 = arith.xori %or3A_49, %add3A_42 : vector<16xi32>
      %add3A_51 = arith.addi %add3A_42, %xor3A_50 : vector<16xi32>
      %shift_left3A_52 = arith.constant 6 : i32
      %shift_left3A_53 = vector.broadcast %shift_left3A_52 : i32 to vector<16xi32>
      %shift_left3A_54 = arith.shli %xor3A_50, %shift_left3A_53 : vector<16xi32>
      %shift_right_logical3A_55 = arith.constant 26 : i32
      %shift_right_logical3A_56 = vector.broadcast %shift_right_logical3A_55 : i32 to vector<16xi32>
      %shift_right_logical3A_57 = arith.shrui %xor3A_50, %shift_right_logical3A_56 : vector<16xi32>
      %or3A_58 = arith.ori %shift_left3A_54, %shift_right_logical3A_57 : vector<16xi32>
      %xor3A_59 = arith.xori %or3A_58, %add3A_51 : vector<16xi32>
      %add3A_60 = arith.constant 42 : i32
      %add3A_61 = vector.broadcast %add3A_60 : i32 to vector<16xi32>
      %add3A_62 = arith.addi %add3A_51, %add3A_61 : vector<16xi32>
      %add3A_63 = arith.constant 466689008 : i32
      %add3A_64 = vector.broadcast %add3A_63 : i32 to vector<16xi32>
      %add3A_65 = arith.addi %xor3A_59, %add3A_64 : vector<16xi32>
      %add3A_66 = arith.constant 1 : i32
      %add3A_67 = vector.broadcast %add3A_66 : i32 to vector<16xi32>
      %add3A_68 = arith.addi %add3A_65, %add3A_67 : vector<16xi32>
      %add3A_69 = arith.addi %add3A_62, %add3A_68 : vector<16xi32>
      %shift_left3A_70 = arith.constant 17 : i32
      %shift_left3A_71 = vector.broadcast %shift_left3A_70 : i32 to vector<16xi32>
      %shift_left3A_72 = arith.shli %add3A_68, %shift_left3A_71 : vector<16xi32>
      %shift_right_logical3A_73 = arith.constant 15 : i32
      %shift_right_logical3A_74 = vector.broadcast %shift_right_logical3A_73 : i32 to vector<16xi32>
      %shift_right_logical3A_75 = arith.shrui %add3A_68, %shift_right_logical3A_74 : vector<16xi32>
      %or3A_76 = arith.ori %shift_left3A_72, %shift_right_logical3A_75 : vector<16xi32>
      %xor3A_77 = arith.xori %or3A_76, %add3A_69 : vector<16xi32>
      %add3A_78 = arith.addi %add3A_69, %xor3A_77 : vector<16xi32>
      %shift_left3A_79 = arith.constant 29 : i32
      %shift_left3A_80 = vector.broadcast %shift_left3A_79 : i32 to vector<16xi32>
      %shift_left3A_81 = arith.shli %xor3A_77, %shift_left3A_80 : vector<16xi32>
      %shift_right_logical3A_82 = arith.constant 3 : i32
      %shift_right_logical3A_83 = vector.broadcast %shift_right_logical3A_82 : i32 to vector<16xi32>
      %shift_right_logical3A_84 = arith.shrui %xor3A_77, %shift_right_logical3A_83 : vector<16xi32>
      %or3A_85 = arith.ori %shift_left3A_81, %shift_right_logical3A_84 : vector<16xi32>
      %xor3A_86 = arith.xori %or3A_85, %add3A_78 : vector<16xi32>
      %add3A_87 = arith.addi %add3A_78, %xor3A_86 : vector<16xi32>
      %shift_left3A_88 = arith.constant 16 : i32
      %shift_left3A_89 = vector.broadcast %shift_left3A_88 : i32 to vector<16xi32>
      %shift_left3A_90 = arith.shli %xor3A_86, %shift_left3A_89 : vector<16xi32>
      %shift_right_logical3A_91 = arith.constant 16 : i32
      %shift_right_logical3A_92 = vector.broadcast %shift_right_logical3A_91 : i32 to vector<16xi32>
      %shift_right_logical3A_93 = arith.shrui %xor3A_86, %shift_right_logical3A_92 : vector<16xi32>
      %or3A_94 = arith.ori %shift_left3A_90, %shift_right_logical3A_93 : vector<16xi32>
      %xor3A_95 = arith.xori %or3A_94, %add3A_87 : vector<16xi32>
      %add3A_96 = arith.addi %add3A_87, %xor3A_95 : vector<16xi32>
      %shift_left3A_97 = arith.constant 24 : i32
      %shift_left3A_98 = vector.broadcast %shift_left3A_97 : i32 to vector<16xi32>
      %shift_left3A_99 = arith.shli %xor3A_95, %shift_left3A_98 : vector<16xi32>
      %shift_right_logical3A_100 = arith.constant 8 : i32
      %shift_right_logical3A_101 = vector.broadcast %shift_right_logical3A_100 : i32 to vector<16xi32>
      %shift_right_logical3A_102 = arith.shrui %xor3A_95, %shift_right_logical3A_101 : vector<16xi32>
      %or3A_103 = arith.ori %shift_left3A_99, %shift_right_logical3A_102 : vector<16xi32>
      %xor3A_104 = arith.xori %or3A_103, %add3A_96 : vector<16xi32>
      %add3A_105 = arith.constant 466689008 : i32
      %add3A_106 = vector.broadcast %add3A_105 : i32 to vector<16xi32>
      %add3A_107 = arith.addi %add3A_96, %add3A_106 : vector<16xi32>
      %add3A_108 = arith.constant 0 : i32
      %add3A_109 = vector.broadcast %add3A_108 : i32 to vector<16xi32>
      %add3A_110 = arith.addi %xor3A_104, %add3A_109 : vector<16xi32>
      %add3A_111 = arith.constant 2 : i32
      %add3A_112 = vector.broadcast %add3A_111 : i32 to vector<16xi32>
      %add3A_113 = arith.addi %add3A_110, %add3A_112 : vector<16xi32>
      %add3A_114 = arith.addi %add3A_107, %add3A_113 : vector<16xi32>
      %shift_left3A_115 = arith.constant 13 : i32
      %shift_left3A_116 = vector.broadcast %shift_left3A_115 : i32 to vector<16xi32>
      %shift_left3A_117 = arith.shli %add3A_113, %shift_left3A_116 : vector<16xi32>
      %shift_right_logical3A_118 = arith.constant 19 : i32
      %shift_right_logical3A_119 = vector.broadcast %shift_right_logical3A_118 : i32 to vector<16xi32>
      %shift_right_logical3A_120 = arith.shrui %add3A_113, %shift_right_logical3A_119 : vector<16xi32>
      %or3A_121 = arith.ori %shift_left3A_117, %shift_right_logical3A_120 : vector<16xi32>
      %xor3A_122 = arith.xori %or3A_121, %add3A_114 : vector<16xi32>
      %add3A_123 = arith.addi %add3A_114, %xor3A_122 : vector<16xi32>
      %shift_left3A_124 = arith.constant 15 : i32
      %shift_left3A_125 = vector.broadcast %shift_left3A_124 : i32 to vector<16xi32>
      %shift_left3A_126 = arith.shli %xor3A_122, %shift_left3A_125 : vector<16xi32>
      %shift_right_logical3A_127 = arith.constant 17 : i32
      %shift_right_logical3A_128 = vector.broadcast %shift_right_logical3A_127 : i32 to vector<16xi32>
      %shift_right_logical3A_129 = arith.shrui %xor3A_122, %shift_right_logical3A_128 : vector<16xi32>
      %or3A_130 = arith.ori %shift_left3A_126, %shift_right_logical3A_129 : vector<16xi32>
      %xor3A_131 = arith.xori %or3A_130, %add3A_123 : vector<16xi32>
      %add3A_132 = arith.addi %add3A_123, %xor3A_131 : vector<16xi32>
      %shift_left3A_133 = arith.constant 26 : i32
      %shift_left3A_134 = vector.broadcast %shift_left3A_133 : i32 to vector<16xi32>
      %shift_left3A_135 = arith.shli %xor3A_131, %shift_left3A_134 : vector<16xi32>
      %shift_right_logical3A_136 = arith.constant 6 : i32
      %shift_right_logical3A_137 = vector.broadcast %shift_right_logical3A_136 : i32 to vector<16xi32>
      %shift_right_logical3A_138 = arith.shrui %xor3A_131, %shift_right_logical3A_137 : vector<16xi32>
      %or3A_139 = arith.ori %shift_left3A_135, %shift_right_logical3A_138 : vector<16xi32>
      %xor3A_140 = arith.xori %or3A_139, %add3A_132 : vector<16xi32>
      %add3A_141 = arith.addi %add3A_132, %xor3A_140 : vector<16xi32>
      %shift_left3A_142 = arith.constant 6 : i32
      %shift_left3A_143 = vector.broadcast %shift_left3A_142 : i32 to vector<16xi32>
      %shift_left3A_144 = arith.shli %xor3A_140, %shift_left3A_143 : vector<16xi32>
      %shift_right_logical3A_145 = arith.constant 26 : i32
      %shift_right_logical3A_146 = vector.broadcast %shift_right_logical3A_145 : i32 to vector<16xi32>
      %shift_right_logical3A_147 = arith.shrui %xor3A_140, %shift_right_logical3A_146 : vector<16xi32>
      %or3A_148 = arith.ori %shift_left3A_144, %shift_right_logical3A_147 : vector<16xi32>
      %xor3A_149 = arith.xori %or3A_148, %add3A_141 : vector<16xi32>
      %add3A_150 = arith.constant 0 : i32
      %add3A_151 = vector.broadcast %add3A_150 : i32 to vector<16xi32>
      %add3A_152 = arith.addi %add3A_141, %add3A_151 : vector<16xi32>
      %add3A_153 = arith.constant 42 : i32
      %add3A_154 = vector.broadcast %add3A_153 : i32 to vector<16xi32>
      %add3A_155 = arith.addi %xor3A_149, %add3A_154 : vector<16xi32>
      %add3A_156 = arith.constant 3 : i32
      %add3A_157 = vector.broadcast %add3A_156 : i32 to vector<16xi32>
      %add3A_158 = arith.addi %add3A_155, %add3A_157 : vector<16xi32>
      %add3A_159 = arith.addi %add3A_152, %add3A_158 : vector<16xi32>
      %shift_left3A_160 = arith.constant 17 : i32
      %shift_left3A_161 = vector.broadcast %shift_left3A_160 : i32 to vector<16xi32>
      %shift_left3A_162 = arith.shli %add3A_158, %shift_left3A_161 : vector<16xi32>
      %shift_right_logical3A_163 = arith.constant 15 : i32
      %shift_right_logical3A_164 = vector.broadcast %shift_right_logical3A_163 : i32 to vector<16xi32>
      %shift_right_logical3A_165 = arith.shrui %add3A_158, %shift_right_logical3A_164 : vector<16xi32>
      %or3A_166 = arith.ori %shift_left3A_162, %shift_right_logical3A_165 : vector<16xi32>
      %xor3A_167 = arith.xori %or3A_166, %add3A_159 : vector<16xi32>
      %add3A_168 = arith.addi %add3A_159, %xor3A_167 : vector<16xi32>
      %shift_left3A_169 = arith.constant 29 : i32
      %shift_left3A_170 = vector.broadcast %shift_left3A_169 : i32 to vector<16xi32>
      %shift_left3A_171 = arith.shli %xor3A_167, %shift_left3A_170 : vector<16xi32>
      %shift_right_logical3A_172 = arith.constant 3 : i32
      %shift_right_logical3A_173 = vector.broadcast %shift_right_logical3A_172 : i32 to vector<16xi32>
      %shift_right_logical3A_174 = arith.shrui %xor3A_167, %shift_right_logical3A_173 : vector<16xi32>
      %or3A_175 = arith.ori %shift_left3A_171, %shift_right_logical3A_174 : vector<16xi32>
      %xor3A_176 = arith.xori %or3A_175, %add3A_168 : vector<16xi32>
      %add3A_177 = arith.addi %add3A_168, %xor3A_176 : vector<16xi32>
      %shift_left3A_178 = arith.constant 16 : i32
      %shift_left3A_179 = vector.broadcast %shift_left3A_178 : i32 to vector<16xi32>
      %shift_left3A_180 = arith.shli %xor3A_176, %shift_left3A_179 : vector<16xi32>
      %shift_right_logical3A_181 = arith.constant 16 : i32
      %shift_right_logical3A_182 = vector.broadcast %shift_right_logical3A_181 : i32 to vector<16xi32>
      %shift_right_logical3A_183 = arith.shrui %xor3A_176, %shift_right_logical3A_182 : vector<16xi32>
      %or3A_184 = arith.ori %shift_left3A_180, %shift_right_logical3A_183 : vector<16xi32>
      %xor3A_185 = arith.xori %or3A_184, %add3A_177 : vector<16xi32>
      %add3A_186 = arith.addi %add3A_177, %xor3A_185 : vector<16xi32>
      %shift_left3A_187 = arith.constant 24 : i32
      %shift_left3A_188 = vector.broadcast %shift_left3A_187 : i32 to vector<16xi32>
      %shift_left3A_189 = arith.shli %xor3A_185, %shift_left3A_188 : vector<16xi32>
      %shift_right_logical3A_190 = arith.constant 8 : i32
      %shift_right_logical3A_191 = vector.broadcast %shift_right_logical3A_190 : i32 to vector<16xi32>
      %shift_right_logical3A_192 = arith.shrui %xor3A_185, %shift_right_logical3A_191 : vector<16xi32>
      %or3A_193 = arith.ori %shift_left3A_189, %shift_right_logical3A_192 : vector<16xi32>
      %xor3A_194 = arith.xori %or3A_193, %add3A_186 : vector<16xi32>
      %add3A_195 = arith.constant 42 : i32
      %add3A_196 = vector.broadcast %add3A_195 : i32 to vector<16xi32>
      %add3A_197 = arith.addi %add3A_186, %add3A_196 : vector<16xi32>
      %add3A_198 = arith.constant 466689008 : i32
      %add3A_199 = vector.broadcast %add3A_198 : i32 to vector<16xi32>
      %add3A_200 = arith.addi %xor3A_194, %add3A_199 : vector<16xi32>
      %add3A_201 = arith.constant 4 : i32
      %add3A_202 = vector.broadcast %add3A_201 : i32 to vector<16xi32>
      %add3A_203 = arith.addi %add3A_200, %add3A_202 : vector<16xi32>
      %add3A_204 = arith.addi %add3A_197, %add3A_203 : vector<16xi32>
      %shift_left3A_205 = arith.constant 13 : i32
      %shift_left3A_206 = vector.broadcast %shift_left3A_205 : i32 to vector<16xi32>
      %shift_left3A_207 = arith.shli %add3A_203, %shift_left3A_206 : vector<16xi32>
      %shift_right_logical3A_208 = arith.constant 19 : i32
      %shift_right_logical3A_209 = vector.broadcast %shift_right_logical3A_208 : i32 to vector<16xi32>
      %shift_right_logical3A_210 = arith.shrui %add3A_203, %shift_right_logical3A_209 : vector<16xi32>
      %or3A_211 = arith.ori %shift_left3A_207, %shift_right_logical3A_210 : vector<16xi32>
      %xor3A_212 = arith.xori %or3A_211, %add3A_204 : vector<16xi32>
      %add3A_213 = arith.addi %add3A_204, %xor3A_212 : vector<16xi32>
      %shift_left3A_214 = arith.constant 15 : i32
      %shift_left3A_215 = vector.broadcast %shift_left3A_214 : i32 to vector<16xi32>
      %shift_left3A_216 = arith.shli %xor3A_212, %shift_left3A_215 : vector<16xi32>
      %shift_right_logical3A_217 = arith.constant 17 : i32
      %shift_right_logical3A_218 = vector.broadcast %shift_right_logical3A_217 : i32 to vector<16xi32>
      %shift_right_logical3A_219 = arith.shrui %xor3A_212, %shift_right_logical3A_218 : vector<16xi32>
      %or3A_220 = arith.ori %shift_left3A_216, %shift_right_logical3A_219 : vector<16xi32>
      %xor3A_221 = arith.xori %or3A_220, %add3A_213 : vector<16xi32>
      %add3A_222 = arith.addi %add3A_213, %xor3A_221 : vector<16xi32>
      %shift_left3A_223 = arith.constant 26 : i32
      %shift_left3A_224 = vector.broadcast %shift_left3A_223 : i32 to vector<16xi32>
      %shift_left3A_225 = arith.shli %xor3A_221, %shift_left3A_224 : vector<16xi32>
      %shift_right_logical3A_226 = arith.constant 6 : i32
      %shift_right_logical3A_227 = vector.broadcast %shift_right_logical3A_226 : i32 to vector<16xi32>
      %shift_right_logical3A_228 = arith.shrui %xor3A_221, %shift_right_logical3A_227 : vector<16xi32>
      %or3A_229 = arith.ori %shift_left3A_225, %shift_right_logical3A_228 : vector<16xi32>
      %xor3A_230 = arith.xori %or3A_229, %add3A_222 : vector<16xi32>
      %add3A_231 = arith.addi %add3A_222, %xor3A_230 : vector<16xi32>
      %shift_left3A_232 = arith.constant 6 : i32
      %shift_left3A_233 = vector.broadcast %shift_left3A_232 : i32 to vector<16xi32>
      %shift_left3A_234 = arith.shli %xor3A_230, %shift_left3A_233 : vector<16xi32>
      %shift_right_logical3A_235 = arith.constant 26 : i32
      %shift_right_logical3A_236 = vector.broadcast %shift_right_logical3A_235 : i32 to vector<16xi32>
      %shift_right_logical3A_237 = arith.shrui %xor3A_230, %shift_right_logical3A_236 : vector<16xi32>
      %or3A_238 = arith.ori %shift_left3A_234, %shift_right_logical3A_237 : vector<16xi32>
      %xor3A_239 = arith.xori %or3A_238, %add3A_231 : vector<16xi32>
      %add3A_240 = arith.constant 466689008 : i32
      %add3A_241 = vector.broadcast %add3A_240 : i32 to vector<16xi32>
      %add3A_242 = arith.addi %add3A_231, %add3A_241 : vector<16xi32>
      %add3A_243 = arith.constant 0 : i32
      %add3A_244 = vector.broadcast %add3A_243 : i32 to vector<16xi32>
      %add3A_245 = arith.addi %xor3A_239, %add3A_244 : vector<16xi32>
      %add3A_246 = arith.constant 5 : i32
      %add3A_247 = vector.broadcast %add3A_246 : i32 to vector<16xi32>
      %add3A_248 = arith.addi %add3A_245, %add3A_247 : vector<16xi32>
      %xor3A_249 = arith.xori %add3A_242, %add3A_248 : vector<16xi32>
      %shift_right_logical3A_250 = arith.constant 9 : i32
      %shift_right_logical3A_251 = vector.broadcast %shift_right_logical3A_250 : i32 to vector<16xi32>
      %shift_right_logical3A_252 = arith.shrui %xor3A_249, %shift_right_logical3A_251 : vector<16xi32>
      %or3A_253 = arith.constant 1065353216 : i32
      %or3A_254 = vector.broadcast %or3A_253 : i32 to vector<16xi32>
      %or3A_255 = arith.ori %shift_right_logical3A_252, %or3A_254 : vector<16xi32>
      %bitcast_convert_type3A = tpu.bitcast %or3A_255 : vector<16xi32> -> vector<16xf32>
      %sub3A = arith.constant 1.000000e+00 : f32
      %sub3A_256 = vector.broadcast %sub3A : f32 to vector<16xf32>
      %sub3A_257 = arith.subf %bitcast_convert_type3A, %sub3A_256 : vector<16xf32>
      %add3A_258 = arith.constant 1.17549435E-38 : f32
      %add3A_259 = vector.broadcast %add3A_258 : f32 to vector<16xf32>
      %add3A_260 = arith.addf %sub3A_257, %add3A_259 : vector<16xf32>
      %swap3A = arith.index_cast %mul3A_20 : i32 to index
      %swap3A_261 = tpu.vector_load %arg5[%swap3A] {strides = array<i32>} : memref<32768xf32, #tpu.memory_space<vmem>>, vector<16xf32>,
      %swap3A_262 = vector.shape_cast %swap3A_261 : vector<16xf32> to vector<16xf32>
      %swap3A_263 = vector.shape_cast %add3A_260 : vector<16xf32> to vector<16xf32>
      tpu.vector_store %arg5[%swap3A], %swap3A_263 {strides = array<i32>} : memref<32768xf32, #tpu.memory_space<vmem>>, vector<16xf32>,
      %add3A_264 = arith.constant 1 : i32
      %add3A_265 = vector.broadcast %add3A_264 : i32 to vector<16xi32>
      %add3A_266 = arith.addi %add3A_18, %add3A_265 : vector<16xi32>
      %broadcast_in_dim3A_267 = arith.constant 0 : i32
      %broadcast_in_dim3A_268 = vector.broadcast %broadcast_in_dim3A_267 : i32 to vector<16xi32>
      %add3A_269 = arith.constant 0 : i32
      %add3A_270 = vector.broadcast %add3A_269 : i32 to vector<16xi32>
      %add3A_271 = arith.addi %broadcast_in_dim3A_268, %add3A_270 : vector<16xi32>
      %add3A_272 = arith.constant 42 : i32
      %add3A_273 = vector.broadcast %add3A_272 : i32 to vector<16xi32>
      %add3A_274 = arith.addi %add3A_266, %add3A_273 : vector<16xi32>
      %add3A_275 = arith.addi %add3A_271, %add3A_274 : vector<16xi32>
      %shift_left3A_276 = arith.constant 13 : i32
      %shift_left3A_277 = vector.broadcast %shift_left3A_276 : i32 to vector<16xi32>
      %shift_left3A_278 = arith.shli %add3A_274, %shift_left3A_277 : vector<16xi32>
      %shift_right_logical3A_279 = arith.constant 19 : i32
      %shift_right_logical3A_280 = vector.broadcast %shift_right_logical3A_279 : i32 to vector<16xi32>
      %shift_right_logical3A_281 = arith.shrui %add3A_274, %shift_right_logical3A_280 : vector<16xi32>
      %or3A_282 = arith.ori %shift_left3A_278, %shift_right_logical3A_281 : vector<16xi32>
      %xor3A_283 = arith.xori %or3A_282, %add3A_275 : vector<16xi32>
      %add3A_284 = arith.addi %add3A_275, %xor3A_283 : vector<16xi32>
      %shift_left3A_285 = arith.constant 15 : i32
      %shift_left3A_286 = vector.broadcast %shift_left3A_285 : i32 to vector<16xi32>
      %shift_left3A_287 = arith.shli %xor3A_283, %shift_left3A_286 : vector<16xi32>
      %shift_right_logical3A_288 = arith.constant 17 : i32
      %shift_right_logical3A_289 = vector.broadcast %shift_right_logical3A_288 : i32 to vector<16xi32>
      %shift_right_logical3A_290 = arith.shrui %xor3A_283, %shift_right_logical3A_289 : vector<16xi32>
      %or3A_291 = arith.ori %shift_left3A_287, %shift_right_logical3A_290 : vector<16xi32>
      %xor3A_292 = arith.xori %or3A_291, %add3A_284 : vector<16xi32>
      %add3A_293 = arith.addi %add3A_284, %xor3A_292 : vector<16xi32>
      %shift_left3A_294 = arith.constant 26 : i32
      %shift_left3A_295 = vector.broadcast %shift_left3A_294 : i32 to vector<16xi32>
      %shift_left3A_296 = arith.shli %xor3A_292, %shift_left3A_295 : vector<16xi32>
      %shift_right_logical3A_297 = arith.constant 6 : i32
      %shift_right_logical3A_298 = vector.broadcast %shift_right_logical3A_297 : i32 to vector<16xi32>
      %shift_right_logical3A_299 = arith.shrui %xor3A_292, %shift_right_logical3A_298 : vector<16xi32>
      %or3A_300 = arith.ori %shift_left3A_296, %shift_right_logical3A_299 : vector<16xi32>
      %xor3A_301 = arith.xori %or3A_300, %add3A_293 : vector<16xi32>
      %add3A_302 = arith.addi %add3A_293, %xor3A_301 : vector<16xi32>
      %shift_left3A_303 = arith.constant 6 : i32
      %shift_left3A_304 = vector.broadcast %shift_left3A_303 : i32 to vector<16xi32>
      %shift_left3A_305 = arith.shli %xor3A_301, %shift_left3A_304 : vector<16xi32>
      %shift_right_logical3A_306 = arith.constant 26 : i32
      %shift_right_logical3A_307 = vector.broadcast %shift_right_logical3A_306 : i32 to vector<16xi32>
      %shift_right_logical3A_308 = arith.shrui %xor3A_301, %shift_right_logical3A_307 : vector<16xi32>
      %or3A_309 = arith.ori %shift_left3A_305, %shift_right_logical3A_308 : vector<16xi32>
      %xor3A_310 = arith.xori %or3A_309, %add3A_302 : vector<16xi32>
      %add3A_311 = arith.constant 42 : i32
      %add3A_312 = vector.broadcast %add3A_311 : i32 to vector<16xi32>
      %add3A_313 = arith.addi %add3A_302, %add3A_312 : vector<16xi32>
      %add3A_314 = arith.constant 466689008 : i32
      %add3A_315 = vector.broadcast %add3A_314 : i32 to vector<16xi32>
      %add3A_316 = arith.addi %xor3A_310, %add3A_315 : vector<16xi32>
      %add3A_317 = arith.constant 1 : i32
      %add3A_318 = vector.broadcast %add3A_317 : i32 to vector<16xi32>
      %add3A_319 = arith.addi %add3A_316, %add3A_318 : vector<16xi32>
      %add3A_320 = arith.addi %add3A_313, %add3A_319 : vector<16xi32>
      %shift_left3A_321 = arith.constant 17 : i32
      %shift_left3A_322 = vector.broadcast %shift_left3A_321 : i32 to vector<16xi32>
      %shift_left3A_323 = arith.shli %add3A_319, %shift_left3A_322 : vector<16xi32>
      %shift_right_logical3A_324 = arith.constant 15 : i32
      %shift_right_logical3A_325 = vector.broadcast %shift_right_logical3A_324 : i32 to vector<16xi32>
      %shift_right_logical3A_326 = arith.shrui %add3A_319, %shift_right_logical3A_325 : vector<16xi32>
      %or3A_327 = arith.ori %shift_left3A_323, %shift_right_logical3A_326 : vector<16xi32>
      %xor3A_328 = arith.xori %or3A_327, %add3A_320 : vector<16xi32>
      %add3A_329 = arith.addi %add3A_320, %xor3A_328 : vector<16xi32>
      %shift_left3A_330 = arith.constant 29 : i32
      %shift_left3A_331 = vector.broadcast %shift_left3A_330 : i32 to vector<16xi32>
      %shift_left3A_332 = arith.shli %xor3A_328, %shift_left3A_331 : vector<16xi32>
      %shift_right_logical3A_333 = arith.constant 3 : i32
      %shift_right_logical3A_334 = vector.broadcast %shift_right_logical3A_333 : i32 to vector<16xi32>
      %shift_right_logical3A_335 = arith.shrui %xor3A_328, %shift_right_logical3A_334 : vector<16xi32>
      %or3A_336 = arith.ori %shift_left3A_332, %shift_right_logical3A_335 : vector<16xi32>
      %xor3A_337 = arith.xori %or3A_336, %add3A_329 : vector<16xi32>
      %add3A_338 = arith.addi %add3A_329, %xor3A_337 : vector<16xi32>
      %shift_left3A_339 = arith.constant 16 : i32
      %shift_left3A_340 = vector.broadcast %shift_left3A_339 : i32 to vector<16xi32>
      %shift_left3A_341 = arith.shli %xor3A_337, %shift_left3A_340 : vector<16xi32>
      %shift_right_logical3A_342 = arith.constant 16 : i32
      %shift_right_logical3A_343 = vector.broadcast %shift_right_logical3A_342 : i32 to vector<16xi32>
      %shift_right_logical3A_344 = arith.shrui %xor3A_337, %shift_right_logical3A_343 : vector<16xi32>
      %or3A_345 = arith.ori %shift_left3A_341, %shift_right_logical3A_344 : vector<16xi32>
      %xor3A_346 = arith.xori %or3A_345, %add3A_338 : vector<16xi32>
      %add3A_347 = arith.addi %add3A_338, %xor3A_346 : vector<16xi32>
      %shift_left3A_348 = arith.constant 24 : i32
      %shift_left3A_349 = vector.broadcast %shift_left3A_348 : i32 to vector<16xi32>
      %shift_left3A_350 = arith.shli %xor3A_346, %shift_left3A_349 : vector<16xi32>
      %shift_right_logical3A_351 = arith.constant 8 : i32
      %shift_right_logical3A_352 = vector.broadcast %shift_right_logical3A_351 : i32 to vector<16xi32>
      %shift_right_logical3A_353 = arith.shrui %xor3A_346, %shift_right_logical3A_352 : vector<16xi32>
      %or3A_354 = arith.ori %shift_left3A_350, %shift_right_logical3A_353 : vector<16xi32>
      %xor3A_355 = arith.xori %or3A_354, %add3A_347 : vector<16xi32>
      %add3A_356 = arith.constant 466689008 : i32
      %add3A_357 = vector.broadcast %add3A_356 : i32 to vector<16xi32>
      %add3A_358 = arith.addi %add3A_347, %add3A_357 : vector<16xi32>
      %add3A_359 = arith.constant 0 : i32
      %add3A_360 = vector.broadcast %add3A_359 : i32 to vector<16xi32>
      %add3A_361 = arith.addi %xor3A_355, %add3A_360 : vector<16xi32>
      %add3A_362 = arith.constant 2 : i32
      %add3A_363 = vector.broadcast %add3A_362 : i32 to vector<16xi32>
      %add3A_364 = arith.addi %add3A_361, %add3A_363 : vector<16xi32>
      %add3A_365 = arith.addi %add3A_358, %add3A_364 : vector<16xi32>
      %shift_left3A_366 = arith.constant 13 : i32
      %shift_left3A_367 = vector.broadcast %shift_left3A_366 : i32 to vector<16xi32>
      %shift_left3A_368 = arith.shli %add3A_364, %shift_left3A_367 : vector<16xi32>
      %shift_right_logical3A_369 = arith.constant 19 : i32
      %shift_right_logical3A_370 = vector.broadcast %shift_right_logical3A_369 : i32 to vector<16xi32>
      %shift_right_logical3A_371 = arith.shrui %add3A_364, %shift_right_logical3A_370 : vector<16xi32>
      %or3A_372 = arith.ori %shift_left3A_368, %shift_right_logical3A_371 : vector<16xi32>
      %xor3A_373 = arith.xori %or3A_372, %add3A_365 : vector<16xi32>
      %add3A_374 = arith.addi %add3A_365, %xor3A_373 : vector<16xi32>
      %shift_left3A_375 = arith.constant 15 : i32
      %shift_left3A_376 = vector.broadcast %shift_left3A_375 : i32 to vector<16xi32>
      %shift_left3A_377 = arith.shli %xor3A_373, %shift_left3A_376 : vector<16xi32>
      %shift_right_logical3A_378 = arith.constant 17 : i32
      %shift_right_logical3A_379 = vector.broadcast %shift_right_logical3A_378 : i32 to vector<16xi32>
      %shift_right_logical3A_380 = arith.shrui %xor3A_373, %shift_right_logical3A_379 : vector<16xi32>
      %or3A_381 = arith.ori %shift_left3A_377, %shift_right_logical3A_380 : vector<16xi32>
      %xor3A_382 = arith.xori %or3A_381, %add3A_374 : vector<16xi32>
      %add3A_383 = arith.addi %add3A_374, %xor3A_382 : vector<16xi32>
      %shift_left3A_384 = arith.constant 26 : i32
      %shift_left3A_385 = vector.broadcast %shift_left3A_384 : i32 to vector<16xi32>
      %shift_left3A_386 = arith.shli %xor3A_382, %shift_left3A_385 : vector<16xi32>
      %shift_right_logical3A_387 = arith.constant 6 : i32
      %shift_right_logical3A_388 = vector.broadcast %shift_right_logical3A_387 : i32 to vector<16xi32>
      %shift_right_logical3A_389 = arith.shrui %xor3A_382, %shift_right_logical3A_388 : vector<16xi32>
      %or3A_390 = arith.ori %shift_left3A_386, %shift_right_logical3A_389 : vector<16xi32>
      %xor3A_391 = arith.xori %or3A_390, %add3A_383 : vector<16xi32>
      %add3A_392 = arith.addi %add3A_383, %xor3A_391 : vector<16xi32>
      %shift_left3A_393 = arith.constant 6 : i32
      %shift_left3A_394 = vector.broadcast %shift_left3A_393 : i32 to vector<16xi32>
      %shift_left3A_395 = arith.shli %xor3A_391, %shift_left3A_394 : vector<16xi32>
      %shift_right_logical3A_396 = arith.constant 26 : i32
      %shift_right_logical3A_397 = vector.broadcast %shift_right_logical3A_396 : i32 to vector<16xi32>
      %shift_right_logical3A_398 = arith.shrui %xor3A_391, %shift_right_logical3A_397 : vector<16xi32>
      %or3A_399 = arith.ori %shift_left3A_395, %shift_right_logical3A_398 : vector<16xi32>
      %xor3A_400 = arith.xori %or3A_399, %add3A_392 : vector<16xi32>
      %add3A_401 = arith.constant 0 : i32
      %add3A_402 = vector.broadcast %add3A_401 : i32 to vector<16xi32>
      %add3A_403 = arith.addi %add3A_392, %add3A_402 : vector<16xi32>
      %add3A_404 = arith.constant 42 : i32
      %add3A_405 = vector.broadcast %add3A_404 : i32 to vector<16xi32>
      %add3A_406 = arith.addi %xor3A_400, %add3A_405 : vector<16xi32>
      %add3A_407 = arith.constant 3 : i32
      %add3A_408 = vector.broadcast %add3A_407 : i32 to vector<16xi32>
      %add3A_409 = arith.addi %add3A_406, %add3A_408 : vector<16xi32>
      %add3A_410 = arith.addi %add3A_403, %add3A_409 : vector<16xi32>
      %shift_left3A_411 = arith.constant 17 : i32
      %shift_left3A_412 = vector.broadcast %shift_left3A_411 : i32 to vector<16xi32>
      %shift_left3A_413 = arith.shli %add3A_409, %shift_left3A_412 : vector<16xi32>
      %shift_right_logical3A_414 = arith.constant 15 : i32
      %shift_right_logical3A_415 = vector.broadcast %shift_right_logical3A_414 : i32 to vector<16xi32>
      %shift_right_logical3A_416 = arith.shrui %add3A_409, %shift_right_logical3A_415 : vector<16xi32>
      %or3A_417 = arith.ori %shift_left3A_413, %shift_right_logical3A_416 : vector<16xi32>
      %xor3A_418 = arith.xori %or3A_417, %add3A_410 : vector<16xi32>
      %add3A_419 = arith.addi %add3A_410, %xor3A_418 : vector<16xi32>
      %shift_left3A_420 = arith.constant 29 : i32
      %shift_left3A_421 = vector.broadcast %shift_left3A_420 : i32 to vector<16xi32>
      %shift_left3A_422 = arith.shli %xor3A_418, %shift_left3A_421 : vector<16xi32>
      %shift_right_logical3A_423 = arith.constant 3 : i32
      %shift_right_logical3A_424 = vector.broadcast %shift_right_logical3A_423 : i32 to vector<16xi32>
      %shift_right_logical3A_425 = arith.shrui %xor3A_418, %shift_right_logical3A_424 : vector<16xi32>
      %or3A_426 = arith.ori %shift_left3A_422, %shift_right_logical3A_425 : vector<16xi32>
      %xor3A_427 = arith.xori %or3A_426, %add3A_419 : vector<16xi32>
      %add3A_428 = arith.addi %add3A_419, %xor3A_427 : vector<16xi32>
      %shift_left3A_429 = arith.constant 16 : i32
      %shift_left3A_430 = vector.broadcast %shift_left3A_429 : i32 to vector<16xi32>
      %shift_left3A_431 = arith.shli %xor3A_427, %shift_left3A_430 : vector<16xi32>
      %shift_right_logical3A_432 = arith.constant 16 : i32
      %shift_right_logical3A_433 = vector.broadcast %shift_right_logical3A_432 : i32 to vector<16xi32>
      %shift_right_logical3A_434 = arith.shrui %xor3A_427, %shift_right_logical3A_433 : vector<16xi32>
      %or3A_435 = arith.ori %shift_left3A_431, %shift_right_logical3A_434 : vector<16xi32>
      %xor3A_436 = arith.xori %or3A_435, %add3A_428 : vector<16xi32>
      %add3A_437 = arith.addi %add3A_428, %xor3A_436 : vector<16xi32>
      %shift_left3A_438 = arith.constant 24 : i32
      %shift_left3A_439 = vector.broadcast %shift_left3A_438 : i32 to vector<16xi32>
      %shift_left3A_440 = arith.shli %xor3A_436, %shift_left3A_439 : vector<16xi32>
      %shift_right_logical3A_441 = arith.constant 8 : i32
      %shift_right_logical3A_442 = vector.broadcast %shift_right_logical3A_441 : i32 to vector<16xi32>
      %shift_right_logical3A_443 = arith.shrui %xor3A_436, %shift_right_logical3A_442 : vector<16xi32>
      %or3A_444 = arith.ori %shift_left3A_440, %shift_right_logical3A_443 : vector<16xi32>
      %xor3A_445 = arith.xori %or3A_444, %add3A_437 : vector<16xi32>
      %add3A_446 = arith.constant 42 : i32
      %add3A_447 = vector.broadcast %add3A_446 : i32 to vector<16xi32>
      %add3A_448 = arith.addi %add3A_437, %add3A_447 : vector<16xi32>
      %add3A_449 = arith.constant 466689008 : i32
      %add3A_450 = vector.broadcast %add3A_449 : i32 to vector<16xi32>
      %add3A_451 = arith.addi %xor3A_445, %add3A_450 : vector<16xi32>
      %add3A_452 = arith.constant 4 : i32
      %add3A_453 = vector.broadcast %add3A_452 : i32 to vector<16xi32>
      %add3A_454 = arith.addi %add3A_451, %add3A_453 : vector<16xi32>
      %add3A_455 = arith.addi %add3A_448, %add3A_454 : vector<16xi32>
      %shift_left3A_456 = arith.constant 13 : i32
      %shift_left3A_457 = vector.broadcast %shift_left3A_456 : i32 to vector<16xi32>
      %shift_left3A_458 = arith.shli %add3A_454, %shift_left3A_457 : vector<16xi32>
      %shift_right_logical3A_459 = arith.constant 19 : i32
      %shift_right_logical3A_460 = vector.broadcast %shift_right_logical3A_459 : i32 to vector<16xi32>
      %shift_right_logical3A_461 = arith.shrui %add3A_454, %shift_right_logical3A_460 : vector<16xi32>
      %or3A_462 = arith.ori %shift_left3A_458, %shift_right_logical3A_461 : vector<16xi32>
      %xor3A_463 = arith.xori %or3A_462, %add3A_455 : vector<16xi32>
      %add3A_464 = arith.addi %add3A_455, %xor3A_463 : vector<16xi32>
      %shift_left3A_465 = arith.constant 15 : i32
      %shift_left3A_466 = vector.broadcast %shift_left3A_465 : i32 to vector<16xi32>
      %shift_left3A_467 = arith.shli %xor3A_463, %shift_left3A_466 : vector<16xi32>
      %shift_right_logical3A_468 = arith.constant 17 : i32
      %shift_right_logical3A_469 = vector.broadcast %shift_right_logical3A_468 : i32 to vector<16xi32>
      %shift_right_logical3A_470 = arith.shrui %xor3A_463, %shift_right_logical3A_469 : vector<16xi32>
      %or3A_471 = arith.ori %shift_left3A_467, %shift_right_logical3A_470 : vector<16xi32>
      %xor3A_472 = arith.xori %or3A_471, %add3A_464 : vector<16xi32>
      %add3A_473 = arith.addi %add3A_464, %xor3A_472 : vector<16xi32>
      %shift_left3A_474 = arith.constant 26 : i32
      %shift_left3A_475 = vector.broadcast %shift_left3A_474 : i32 to vector<16xi32>
      %shift_left3A_476 = arith.shli %xor3A_472, %shift_left3A_475 : vector<16xi32>
      %shift_right_logical3A_477 = arith.constant 6 : i32
      %shift_right_logical3A_478 = vector.broadcast %shift_right_logical3A_477 : i32 to vector<16xi32>
      %shift_right_logical3A_479 = arith.shrui %xor3A_472, %shift_right_logical3A_478 : vector<16xi32>
      %or3A_480 = arith.ori %shift_left3A_476, %shift_right_logical3A_479 : vector<16xi32>
      %xor3A_481 = arith.xori %or3A_480, %add3A_473 : vector<16xi32>
      %add3A_482 = arith.addi %add3A_473, %xor3A_481 : vector<16xi32>
      %shift_left3A_483 = arith.constant 6 : i32
      %shift_left3A_484 = vector.broadcast %shift_left3A_483 : i32 to vector<16xi32>
      %shift_left3A_485 = arith.shli %xor3A_481, %shift_left3A_484 : vector<16xi32>
      %shift_right_logical3A_486 = arith.constant 26 : i32
      %shift_right_logical3A_487 = vector.broadcast %shift_right_logical3A_486 : i32 to vector<16xi32>
      %shift_right_logical3A_488 = arith.shrui %xor3A_481, %shift_right_logical3A_487 : vector<16xi32>
      %or3A_489 = arith.ori %shift_left3A_485, %shift_right_logical3A_488 : vector<16xi32>
      %xor3A_490 = arith.xori %or3A_489, %add3A_482 : vector<16xi32>
      %add3A_491 = arith.constant 466689008 : i32
      %add3A_492 = vector.broadcast %add3A_491 : i32 to vector<16xi32>
      %add3A_493 = arith.addi %add3A_482, %add3A_492 : vector<16xi32>
      %add3A_494 = arith.constant 0 : i32
      %add3A_495 = vector.broadcast %add3A_494 : i32 to vector<16xi32>
      %add3A_496 = arith.addi %xor3A_490, %add3A_495 : vector<16xi32>
      %add3A_497 = arith.constant 5 : i32
      %add3A_498 = vector.broadcast %add3A_497 : i32 to vector<16xi32>
      %add3A_499 = arith.addi %add3A_496, %add3A_498 : vector<16xi32>
      %xor3A_500 = arith.xori %add3A_493, %add3A_499 : vector<16xi32>
      %shift_right_logical3A_501 = arith.constant 9 : i32
      %shift_right_logical3A_502 = vector.broadcast %shift_right_logical3A_501 : i32 to vector<16xi32>
      %shift_right_logical3A_503 = arith.shrui %xor3A_500, %shift_right_logical3A_502 : vector<16xi32>
      %or3A_504 = arith.constant 1065353216 : i32
      %or3A_505 = vector.broadcast %or3A_504 : i32 to vector<16xi32>
      %or3A_506 = arith.ori %shift_right_logical3A_503, %or3A_505 : vector<16xi32>
      %bitcast_convert_type3A_507 = tpu.bitcast %or3A_506 : vector<16xi32> -> vector<16xf32>
      %sub3A_508 = arith.constant 1.000000e+00 : f32
      %sub3A_509 = vector.broadcast %sub3A_508 : f32 to vector<16xf32>
      %sub3A_510 = arith.subf %bitcast_convert_type3A_507, %sub3A_509 : vector<16xf32>
      %add3A_511 = arith.constant 1.17549435E-38 : f32
      %add3A_512 = vector.broadcast %add3A_511 : f32 to vector<16xf32>
      %add3A_513 = arith.addf %sub3A_510, %add3A_512 : vector<16xf32>
      %swap3A_514 = arith.index_cast %mul3A_20 : i32 to index
      %swap3A_515 = tpu.vector_load %arg6[%swap3A_514] {strides = array<i32>} : memref<32768xf32, #tpu.memory_space<vmem>>, vector<16xf32>,
      %swap3A_516 = vector.shape_cast %swap3A_515 : vector<16xf32> to vector<16xf32>
      %swap3A_517 = vector.shape_cast %add3A_513 : vector<16xf32> to vector<16xf32>
      tpu.vector_store %arg6[%swap3A_514], %swap3A_517 {strides = array<i32>} : memref<32768xf32, #tpu.memory_space<vmem>>, vector<16xf32>,
      %add3A_518 = arith.constant 2 : i32
      %add3A_519 = vector.broadcast %add3A_518 : i32 to vector<16xi32>
      %add3A_520 = arith.addi %add3A_18, %add3A_519 : vector<16xi32>
      %broadcast_in_dim3A_521 = arith.constant 0 : i32
      %broadcast_in_dim3A_522 = vector.broadcast %broadcast_in_dim3A_521 : i32 to vector<16xi32>
      %add3A_523 = arith.constant 0 : i32
      %add3A_524 = vector.broadcast %add3A_523 : i32 to vector<16xi32>
      %add3A_525 = arith.addi %broadcast_in_dim3A_522, %add3A_524 : vector<16xi32>
      %add3A_526 = arith.constant 42 : i32
      %add3A_527 = vector.broadcast %add3A_526 : i32 to vector<16xi32>
      %add3A_528 = arith.addi %add3A_520, %add3A_527 : vector<16xi32>
      %add3A_529 = arith.addi %add3A_525, %add3A_528 : vector<16xi32>
      %shift_left3A_530 = arith.constant 13 : i32
      %shift_left3A_531 = vector.broadcast %shift_left3A_530 : i32 to vector<16xi32>
      %shift_left3A_532 = arith.shli %add3A_528, %shift_left3A_531 : vector<16xi32>
      %shift_right_logical3A_533 = arith.constant 19 : i32
      %shift_right_logical3A_534 = vector.broadcast %shift_right_logical3A_533 : i32 to vector<16xi32>
      %shift_right_logical3A_535 = arith.shrui %add3A_528, %shift_right_logical3A_534 : vector<16xi32>
      %or3A_536 = arith.ori %shift_left3A_532, %shift_right_logical3A_535 : vector<16xi32>
      %xor3A_537 = arith.xori %or3A_536, %add3A_529 : vector<16xi32>
      %add3A_538 = arith.addi %add3A_529, %xor3A_537 : vector<16xi32>
      %shift_left3A_539 = arith.constant 15 : i32
      %shift_left3A_540 = vector.broadcast %shift_left3A_539 : i32 to vector<16xi32>
      %shift_left3A_541 = arith.shli %xor3A_537, %shift_left3A_540 : vector<16xi32>
      %shift_right_logical3A_542 = arith.constant 17 : i32
      %shift_right_logical3A_543 = vector.broadcast %shift_right_logical3A_542 : i32 to vector<16xi32>
      %shift_right_logical3A_544 = arith.shrui %xor3A_537, %shift_right_logical3A_543 : vector<16xi32>
      %or3A_545 = arith.ori %shift_left3A_541, %shift_right_logical3A_544 : vector<16xi32>
      %xor3A_546 = arith.xori %or3A_545, %add3A_538 : vector<16xi32>
      %add3A_547 = arith.addi %add3A_538, %xor3A_546 : vector<16xi32>
      %shift_left3A_548 = arith.constant 26 : i32
      %shift_left3A_549 = vector.broadcast %shift_left3A_548 : i32 to vector<16xi32>
      %shift_left3A_550 = arith.shli %xor3A_546, %shift_left3A_549 : vector<16xi32>
      %shift_right_logical3A_551 = arith.constant 6 : i32
      %shift_right_logical3A_552 = vector.broadcast %shift_right_logical3A_551 : i32 to vector<16xi32>
      %shift_right_logical3A_553 = arith.shrui %xor3A_546, %shift_right_logical3A_552 : vector<16xi32>
      %or3A_554 = arith.ori %shift_left3A_550, %shift_right_logical3A_553 : vector<16xi32>
      %xor3A_555 = arith.xori %or3A_554, %add3A_547 : vector<16xi32>
      %add3A_556 = arith.addi %add3A_547, %xor3A_555 : vector<16xi32>
      %shift_left3A_557 = arith.constant 6 : i32
      %shift_left3A_558 = vector.broadcast %shift_left3A_557 : i32 to vector<16xi32>
      %shift_left3A_559 = arith.shli %xor3A_555, %shift_left3A_558 : vector<16xi32>
      %shift_right_logical3A_560 = arith.constant 26 : i32
      %shift_right_logical3A_561 = vector.broadcast %shift_right_logical3A_560 : i32 to vector<16xi32>
      %shift_right_logical3A_562 = arith.shrui %xor3A_555, %shift_right_logical3A_561 : vector<16xi32>
      %or3A_563 = arith.ori %shift_left3A_559, %shift_right_logical3A_562 : vector<16xi32>
      %xor3A_564 = arith.xori %or3A_563, %add3A_556 : vector<16xi32>
      %add3A_565 = arith.constant 42 : i32
      %add3A_566 = vector.broadcast %add3A_565 : i32 to vector<16xi32>
      %add3A_567 = arith.addi %add3A_556, %add3A_566 : vector<16xi32>
      %add3A_568 = arith.constant 466689008 : i32
      %add3A_569 = vector.broadcast %add3A_568 : i32 to vector<16xi32>
      %add3A_570 = arith.addi %xor3A_564, %add3A_569 : vector<16xi32>
      %add3A_571 = arith.constant 1 : i32
      %add3A_572 = vector.broadcast %add3A_571 : i32 to vector<16xi32>
      %add3A_573 = arith.addi %add3A_570, %add3A_572 : vector<16xi32>
      %add3A_574 = arith.addi %add3A_567, %add3A_573 : vector<16xi32>
      %shift_left3A_575 = arith.constant 17 : i32
      %shift_left3A_576 = vector.broadcast %shift_left3A_575 : i32 to vector<16xi32>
      %shift_left3A_577 = arith.shli %add3A_573, %shift_left3A_576 : vector<16xi32>
      %shift_right_logical3A_578 = arith.constant 15 : i32
      %shift_right_logical3A_579 = vector.broadcast %shift_right_logical3A_578 : i32 to vector<16xi32>
      %shift_right_logical3A_580 = arith.shrui %add3A_573, %shift_right_logical3A_579 : vector<16xi32>
      %or3A_581 = arith.ori %shift_left3A_577, %shift_right_logical3A_580 : vector<16xi32>
      %xor3A_582 = arith.xori %or3A_581, %add3A_574 : vector<16xi32>
      %add3A_583 = arith.addi %add3A_574, %xor3A_582 : vector<16xi32>
      %shift_left3A_584 = arith.constant 29 : i32
      %shift_left3A_585 = vector.broadcast %shift_left3A_584 : i32 to vector<16xi32>
      %shift_left3A_586 = arith.shli %xor3A_582, %shift_left3A_585 : vector<16xi32>
      %shift_right_logical3A_587 = arith.constant 3 : i32
      %shift_right_logical3A_588 = vector.broadcast %shift_right_logical3A_587 : i32 to vector<16xi32>
      %shift_right_logical3A_589 = arith.shrui %xor3A_582, %shift_right_logical3A_588 : vector<16xi32>
      %or3A_590 = arith.ori %shift_left3A_586, %shift_right_logical3A_589 : vector<16xi32>
      %xor3A_591 = arith.xori %or3A_590, %add3A_583 : vector<16xi32>
      %add3A_592 = arith.addi %add3A_583, %xor3A_591 : vector<16xi32>
      %shift_left3A_593 = arith.constant 16 : i32
      %shift_left3A_594 = vector.broadcast %shift_left3A_593 : i32 to vector<16xi32>
      %shift_left3A_595 = arith.shli %xor3A_591, %shift_left3A_594 : vector<16xi32>
      %shift_right_logical3A_596 = arith.constant 16 : i32
      %shift_right_logical3A_597 = vector.broadcast %shift_right_logical3A_596 : i32 to vector<16xi32>
      %shift_right_logical3A_598 = arith.shrui %xor3A_591, %shift_right_logical3A_597 : vector<16xi32>
      %or3A_599 = arith.ori %shift_left3A_595, %shift_right_logical3A_598 : vector<16xi32>
      %xor3A_600 = arith.xori %or3A_599, %add3A_592 : vector<16xi32>
      %add3A_601 = arith.addi %add3A_592, %xor3A_600 : vector<16xi32>
      %shift_left3A_602 = arith.constant 24 : i32
      %shift_left3A_603 = vector.broadcast %shift_left3A_602 : i32 to vector<16xi32>
      %shift_left3A_604 = arith.shli %xor3A_600, %shift_left3A_603 : vector<16xi32>
      %shift_right_logical3A_605 = arith.constant 8 : i32
      %shift_right_logical3A_606 = vector.broadcast %shift_right_logical3A_605 : i32 to vector<16xi32>
      %shift_right_logical3A_607 = arith.shrui %xor3A_600, %shift_right_logical3A_606 : vector<16xi32>
      %or3A_608 = arith.ori %shift_left3A_604, %shift_right_logical3A_607 : vector<16xi32>
      %xor3A_609 = arith.xori %or3A_608, %add3A_601 : vector<16xi32>
      %add3A_610 = arith.constant 466689008 : i32
      %add3A_611 = vector.broadcast %add3A_610 : i32 to vector<16xi32>
      %add3A_612 = arith.addi %add3A_601, %add3A_611 : vector<16xi32>
      %add3A_613 = arith.constant 0 : i32
      %add3A_614 = vector.broadcast %add3A_613 : i32 to vector<16xi32>
      %add3A_615 = arith.addi %xor3A_609, %add3A_614 : vector<16xi32>
      %add3A_616 = arith.constant 2 : i32
      %add3A_617 = vector.broadcast %add3A_616 : i32 to vector<16xi32>
      %add3A_618 = arith.addi %add3A_615, %add3A_617 : vector<16xi32>
      %add3A_619 = arith.addi %add3A_612, %add3A_618 : vector<16xi32>
      %shift_left3A_620 = arith.constant 13 : i32
      %shift_left3A_621 = vector.broadcast %shift_left3A_620 : i32 to vector<16xi32>
      %shift_left3A_622 = arith.shli %add3A_618, %shift_left3A_621 : vector<16xi32>
      %shift_right_logical3A_623 = arith.constant 19 : i32
      %shift_right_logical3A_624 = vector.broadcast %shift_right_logical3A_623 : i32 to vector<16xi32>
      %shift_right_logical3A_625 = arith.shrui %add3A_618, %shift_right_logical3A_624 : vector<16xi32>
      %or3A_626 = arith.ori %shift_left3A_622, %shift_right_logical3A_625 : vector<16xi32>
      %xor3A_627 = arith.xori %or3A_626, %add3A_619 : vector<16xi32>
      %add3A_628 = arith.addi %add3A_619, %xor3A_627 : vector<16xi32>
      %shift_left3A_629 = arith.constant 15 : i32
      %shift_left3A_630 = vector.broadcast %shift_left3A_629 : i32 to vector<16xi32>
      %shift_left3A_631 = arith.shli %xor3A_627, %shift_left3A_630 : vector<16xi32>
      %shift_right_logical3A_632 = arith.constant 17 : i32
      %shift_right_logical3A_633 = vector.broadcast %shift_right_logical3A_632 : i32 to vector<16xi32>
      %shift_right_logical3A_634 = arith.shrui %xor3A_627, %shift_right_logical3A_633 : vector<16xi32>
      %or3A_635 = arith.ori %shift_left3A_631, %shift_right_logical3A_634 : vector<16xi32>
      %xor3A_636 = arith.xori %or3A_635, %add3A_628 : vector<16xi32>
      %add3A_637 = arith.addi %add3A_628, %xor3A_636 : vector<16xi32>
      %shift_left3A_638 = arith.constant 26 : i32
      %shift_left3A_639 = vector.broadcast %shift_left3A_638 : i32 to vector<16xi32>
      %shift_left3A_640 = arith.shli %xor3A_636, %shift_left3A_639 : vector<16xi32>
      %shift_right_logical3A_641 = arith.constant 6 : i32
      %shift_right_logical3A_642 = vector.broadcast %shift_right_logical3A_641 : i32 to vector<16xi32>
      %shift_right_logical3A_643 = arith.shrui %xor3A_636, %shift_right_logical3A_642 : vector<16xi32>
      %or3A_644 = arith.ori %shift_left3A_640, %shift_right_logical3A_643 : vector<16xi32>
      %xor3A_645 = arith.xori %or3A_644, %add3A_637 : vector<16xi32>
      %add3A_646 = arith.addi %add3A_637, %xor3A_645 : vector<16xi32>
      %shift_left3A_647 = arith.constant 6 : i32
      %shift_left3A_648 = vector.broadcast %shift_left3A_647 : i32 to vector<16xi32>
      %shift_left3A_649 = arith.shli %xor3A_645, %shift_left3A_648 : vector<16xi32>
      %shift_right_logical3A_650 = arith.constant 26 : i32
      %shift_right_logical3A_651 = vector.broadcast %shift_right_logical3A_650 : i32 to vector<16xi32>
      %shift_right_logical3A_652 = arith.shrui %xor3A_645, %shift_right_logical3A_651 : vector<16xi32>
      %or3A_653 = arith.ori %shift_left3A_649, %shift_right_logical3A_652 : vector<16xi32>
      %xor3A_654 = arith.xori %or3A_653, %add3A_646 : vector<16xi32>
      %add3A_655 = arith.constant 0 : i32
      %add3A_656 = vector.broadcast %add3A_655 : i32 to vector<16xi32>
      %add3A_657 = arith.addi %add3A_646, %add3A_656 : vector<16xi32>
      %add3A_658 = arith.constant 42 : i32
      %add3A_659 = vector.broadcast %add3A_658 : i32 to vector<16xi32>
      %add3A_660 = arith.addi %xor3A_654, %add3A_659 : vector<16xi32>
      %add3A_661 = arith.constant 3 : i32
      %add3A_662 = vector.broadcast %add3A_661 : i32 to vector<16xi32>
      %add3A_663 = arith.addi %add3A_660, %add3A_662 : vector<16xi32>
      %add3A_664 = arith.addi %add3A_657, %add3A_663 : vector<16xi32>
      %shift_left3A_665 = arith.constant 17 : i32
      %shift_left3A_666 = vector.broadcast %shift_left3A_665 : i32 to vector<16xi32>
      %shift_left3A_667 = arith.shli %add3A_663, %shift_left3A_666 : vector<16xi32>
      %shift_right_logical3A_668 = arith.constant 15 : i32
      %shift_right_logical3A_669 = vector.broadcast %shift_right_logical3A_668 : i32 to vector<16xi32>
      %shift_right_logical3A_670 = arith.shrui %add3A_663, %shift_right_logical3A_669 : vector<16xi32>
      %or3A_671 = arith.ori %shift_left3A_667, %shift_right_logical3A_670 : vector<16xi32>
      %xor3A_672 = arith.xori %or3A_671, %add3A_664 : vector<16xi32>
      %add3A_673 = arith.addi %add3A_664, %xor3A_672 : vector<16xi32>
      %shift_left3A_674 = arith.constant 29 : i32
      %shift_left3A_675 = vector.broadcast %shift_left3A_674 : i32 to vector<16xi32>
      %shift_left3A_676 = arith.shli %xor3A_672, %shift_left3A_675 : vector<16xi32>
      %shift_right_logical3A_677 = arith.constant 3 : i32
      %shift_right_logical3A_678 = vector.broadcast %shift_right_logical3A_677 : i32 to vector<16xi32>
      %shift_right_logical3A_679 = arith.shrui %xor3A_672, %shift_right_logical3A_678 : vector<16xi32>
      %or3A_680 = arith.ori %shift_left3A_676, %shift_right_logical3A_679 : vector<16xi32>
      %xor3A_681 = arith.xori %or3A_680, %add3A_673 : vector<16xi32>
      %add3A_682 = arith.addi %add3A_673, %xor3A_681 : vector<16xi32>
      %shift_left3A_683 = arith.constant 16 : i32
      %shift_left3A_684 = vector.broadcast %shift_left3A_683 : i32 to vector<16xi32>
      %shift_left3A_685 = arith.shli %xor3A_681, %shift_left3A_684 : vector<16xi32>
      %shift_right_logical3A_686 = arith.constant 16 : i32
      %shift_right_logical3A_687 = vector.broadcast %shift_right_logical3A_686 : i32 to vector<16xi32>
      %shift_right_logical3A_688 = arith.shrui %xor3A_681, %shift_right_logical3A_687 : vector<16xi32>
      %or3A_689 = arith.ori %shift_left3A_685, %shift_right_logical3A_688 : vector<16xi32>
      %xor3A_690 = arith.xori %or3A_689, %add3A_682 : vector<16xi32>
      %add3A_691 = arith.addi %add3A_682, %xor3A_690 : vector<16xi32>
      %shift_left3A_692 = arith.constant 24 : i32
      %shift_left3A_693 = vector.broadcast %shift_left3A_692 : i32 to vector<16xi32>
      %shift_left3A_694 = arith.shli %xor3A_690, %shift_left3A_693 : vector<16xi32>
      %shift_right_logical3A_695 = arith.constant 8 : i32
      %shift_right_logical3A_696 = vector.broadcast %shift_right_logical3A_695 : i32 to vector<16xi32>
      %shift_right_logical3A_697 = arith.shrui %xor3A_690, %shift_right_logical3A_696 : vector<16xi32>
      %or3A_698 = arith.ori %shift_left3A_694, %shift_right_logical3A_697 : vector<16xi32>
      %xor3A_699 = arith.xori %or3A_698, %add3A_691 : vector<16xi32>
      %add3A_700 = arith.constant 42 : i32
      %add3A_701 = vector.broadcast %add3A_700 : i32 to vector<16xi32>
      %add3A_702 = arith.addi %add3A_691, %add3A_701 : vector<16xi32>
      %add3A_703 = arith.constant 466689008 : i32
      %add3A_704 = vector.broadcast %add3A_703 : i32 to vector<16xi32>
      %add3A_705 = arith.addi %xor3A_699, %add3A_704 : vector<16xi32>
      %add3A_706 = arith.constant 4 : i32
      %add3A_707 = vector.broadcast %add3A_706 : i32 to vector<16xi32>
      %add3A_708 = arith.addi %add3A_705, %add3A_707 : vector<16xi32>
      %add3A_709 = arith.addi %add3A_702, %add3A_708 : vector<16xi32>
      %shift_left3A_710 = arith.constant 13 : i32
      %shift_left3A_711 = vector.broadcast %shift_left3A_710 : i32 to vector<16xi32>
      %shift_left3A_712 = arith.shli %add3A_708, %shift_left3A_711 : vector<16xi32>
      %shift_right_logical3A_713 = arith.constant 19 : i32
      %shift_right_logical3A_714 = vector.broadcast %shift_right_logical3A_713 : i32 to vector<16xi32>
      %shift_right_logical3A_715 = arith.shrui %add3A_708, %shift_right_logical3A_714 : vector<16xi32>
      %or3A_716 = arith.ori %shift_left3A_712, %shift_right_logical3A_715 : vector<16xi32>
      %xor3A_717 = arith.xori %or3A_716, %add3A_709 : vector<16xi32>
      %add3A_718 = arith.addi %add3A_709, %xor3A_717 : vector<16xi32>
      %shift_left3A_719 = arith.constant 15 : i32
      %shift_left3A_720 = vector.broadcast %shift_left3A_719 : i32 to vector<16xi32>
      %shift_left3A_721 = arith.shli %xor3A_717, %shift_left3A_720 : vector<16xi32>
      %shift_right_logical3A_722 = arith.constant 17 : i32
      %shift_right_logical3A_723 = vector.broadcast %shift_right_logical3A_722 : i32 to vector<16xi32>
      %shift_right_logical3A_724 = arith.shrui %xor3A_717, %shift_right_logical3A_723 : vector<16xi32>
      %or3A_725 = arith.ori %shift_left3A_721, %shift_right_logical3A_724 : vector<16xi32>
      %xor3A_726 = arith.xori %or3A_725, %add3A_718 : vector<16xi32>
      %add3A_727 = arith.addi %add3A_718, %xor3A_726 : vector<16xi32>
      %shift_left3A_728 = arith.constant 26 : i32
      %shift_left3A_729 = vector.broadcast %shift_left3A_728 : i32 to vector<16xi32>
      %shift_left3A_730 = arith.shli %xor3A_726, %shift_left3A_729 : vector<16xi32>
      %shift_right_logical3A_731 = arith.constant 6 : i32
      %shift_right_logical3A_732 = vector.broadcast %shift_right_logical3A_731 : i32 to vector<16xi32>
      %shift_right_logical3A_733 = arith.shrui %xor3A_726, %shift_right_logical3A_732 : vector<16xi32>
      %or3A_734 = arith.ori %shift_left3A_730, %shift_right_logical3A_733 : vector<16xi32>
      %xor3A_735 = arith.xori %or3A_734, %add3A_727 : vector<16xi32>
      %add3A_736 = arith.addi %add3A_727, %xor3A_735 : vector<16xi32>
      %shift_left3A_737 = arith.constant 6 : i32
      %shift_left3A_738 = vector.broadcast %shift_left3A_737 : i32 to vector<16xi32>
      %shift_left3A_739 = arith.shli %xor3A_735, %shift_left3A_738 : vector<16xi32>
      %shift_right_logical3A_740 = arith.constant 26 : i32
      %shift_right_logical3A_741 = vector.broadcast %shift_right_logical3A_740 : i32 to vector<16xi32>
      %shift_right_logical3A_742 = arith.shrui %xor3A_735, %shift_right_logical3A_741 : vector<16xi32>
      %or3A_743 = arith.ori %shift_left3A_739, %shift_right_logical3A_742 : vector<16xi32>
      %xor3A_744 = arith.xori %or3A_743, %add3A_736 : vector<16xi32>
      %add3A_745 = arith.constant 466689008 : i32
      %add3A_746 = vector.broadcast %add3A_745 : i32 to vector<16xi32>
      %add3A_747 = arith.addi %add3A_736, %add3A_746 : vector<16xi32>
      %add3A_748 = arith.constant 0 : i32
      %add3A_749 = vector.broadcast %add3A_748 : i32 to vector<16xi32>
      %add3A_750 = arith.addi %xor3A_744, %add3A_749 : vector<16xi32>
      %add3A_751 = arith.constant 5 : i32
      %add3A_752 = vector.broadcast %add3A_751 : i32 to vector<16xi32>
      %add3A_753 = arith.addi %add3A_750, %add3A_752 : vector<16xi32>
      %xor3A_754 = arith.xori %add3A_747, %add3A_753 : vector<16xi32>
      %shift_right_logical3A_755 = arith.constant 9 : i32
      %shift_right_logical3A_756 = vector.broadcast %shift_right_logical3A_755 : i32 to vector<16xi32>
      %shift_right_logical3A_757 = arith.shrui %xor3A_754, %shift_right_logical3A_756 : vector<16xi32>
      %or3A_758 = arith.constant 1065353216 : i32
      %or3A_759 = vector.broadcast %or3A_758 : i32 to vector<16xi32>
      %or3A_760 = arith.ori %shift_right_logical3A_757, %or3A_759 : vector<16xi32>
      %bitcast_convert_type3A_761 = tpu.bitcast %or3A_760 : vector<16xi32> -> vector<16xf32>
      %sub3A_762 = arith.constant 1.000000e+00 : f32
      %sub3A_763 = vector.broadcast %sub3A_762 : f32 to vector<16xf32>
      %sub3A_764 = arith.subf %bitcast_convert_type3A_761, %sub3A_763 : vector<16xf32>
      %add3A_765 = arith.constant 1.17549435E-38 : f32
      %add3A_766 = vector.broadcast %add3A_765 : f32 to vector<16xf32>
      %add3A_767 = arith.addf %sub3A_764, %add3A_766 : vector<16xf32>
      %swap3A_768 = arith.index_cast %mul3A_20 : i32 to index
      %swap3A_769 = tpu.vector_load %arg7[%swap3A_768] {strides = array<i32>} : memref<32768xf32, #tpu.memory_space<vmem>>, vector<16xf32>,
      %swap3A_770 = vector.shape_cast %swap3A_769 : vector<16xf32> to vector<16xf32>
      %swap3A_771 = vector.shape_cast %add3A_767 : vector<16xf32> to vector<16xf32>
      tpu.vector_store %arg7[%swap3A_768], %swap3A_771 {strides = array<i32>} : memref<32768xf32, #tpu.memory_space<vmem>>, vector<16xf32>,
    }
    %scan3A_10 = arith.constant 2048 : i32
    "tpu.region"() ({
      %run_scoped3A = tpu.sem_alloc : memref<!tpu.dma_semaphore, #tpu.memory_space<semaphore_mem>>
      %dma_start3A = tpu.memref_slice %arg2[%mul3A_2] : memref<1048576xf32, #tpu.memory_space<hbm>> -> memref<32768xf32, #tpu.memory_space<hbm>>
      %dma_start3A_11 = tpu.memref_slice %arg2[%mul3A_2] : memref<1048576xf32, #tpu.memory_space<hbm>> -> memref<32768xf32, #tpu.memory_space<hbm>>
      tpu.enqueue_dma source(%arg5 : memref<32768xf32, #tpu.memory_space<vmem>>) target(%dma_start3A_11 : memref<32768xf32, #tpu.memory_space<hbm>>) target_semaphore(%run_scoped3A : memref<!tpu.dma_semaphore, #tpu.memory_space<semaphore_mem>>)
      %dma_wait3A = tpu.memref_slice %arg2[%mul3A_2] : memref<1048576xf32, #tpu.memory_space<hbm>> -> memref<32768xf32, #tpu.memory_space<hbm>>
      %dma_wait3A_12 = tpu.memref_slice %arg2[%mul3A_2] : memref<1048576xf32, #tpu.memory_space<hbm>> -> memref<32768xf32, #tpu.memory_space<hbm>>
      tpu.wait_dma2 semaphore(%run_scoped3A : memref<!tpu.dma_semaphore, #tpu.memory_space<semaphore_mem>>) src(%arg5 : memref<32768xf32, #tpu.memory_space<vmem>>) dst(%dma_wait3A_12 : memref<32768xf32, #tpu.memory_space<hbm>>)
      tpu.yield
    }) : () -> ()
    "tpu.region"() ({
      %run_scoped3A = tpu.sem_alloc : memref<!tpu.dma_semaphore, #tpu.memory_space<semaphore_mem>>
      %dma_start3A = tpu.memref_slice %arg3[%mul3A_2] : memref<1048576xf32, #tpu.memory_space<hbm>> -> memref<32768xf32, #tpu.memory_space<hbm>>
      %dma_start3A_11 = tpu.memref_slice %arg3[%mul3A_2] : memref<1048576xf32, #tpu.memory_space<hbm>> -> memref<32768xf32, #tpu.memory_space<hbm>>
      tpu.enqueue_dma source(%arg6 : memref<32768xf32, #tpu.memory_space<vmem>>) target(%dma_start3A_11 : memref<32768xf32, #tpu.memory_space<hbm>>) target_semaphore(%run_scoped3A : memref<!tpu.dma_semaphore, #tpu.memory_space<semaphore_mem>>)
      %dma_wait3A = tpu.memref_slice %arg3[%mul3A_2] : memref<1048576xf32, #tpu.memory_space<hbm>> -> memref<32768xf32, #tpu.memory_space<hbm>>
      %dma_wait3A_12 = tpu.memref_slice %arg3[%mul3A_2] : memref<1048576xf32, #tpu.memory_space<hbm>> -> memref<32768xf32, #tpu.memory_space<hbm>>
      tpu.wait_dma2 semaphore(%run_scoped3A : memref<!tpu.dma_semaphore, #tpu.memory_space<semaphore_mem>>) src(%arg6 : memref<32768xf32, #tpu.memory_space<vmem>>) dst(%dma_wait3A_12 : memref<32768xf32, #tpu.memory_space<hbm>>)
      tpu.yield
    }) : () -> ()
    "tpu.region"() ({
      %run_scoped3A = tpu.sem_alloc : memref<!tpu.dma_semaphore, #tpu.memory_space<semaphore_mem>>
      %dma_start3A = tpu.memref_slice %arg4[%mul3A_2] : memref<1048576xf32, #tpu.memory_space<hbm>> -> memref<32768xf32, #tpu.memory_space<hbm>>
      %dma_start3A_11 = tpu.memref_slice %arg4[%mul3A_2] : memref<1048576xf32, #tpu.memory_space<hbm>> -> memref<32768xf32, #tpu.memory_space<hbm>>
      tpu.enqueue_dma source(%arg7 : memref<32768xf32, #tpu.memory_space<vmem>>) target(%dma_start3A_11 : memref<32768xf32, #tpu.memory_space<hbm>>) target_semaphore(%run_scoped3A : memref<!tpu.dma_semaphore, #tpu.memory_space<semaphore_mem>>)
      %dma_wait3A = tpu.memref_slice %arg4[%mul3A_2] : memref<1048576xf32, #tpu.memory_space<hbm>> -> memref<32768xf32, #tpu.memory_space<hbm>>
      %dma_wait3A_12 = tpu.memref_slice %arg4[%mul3A_2] : memref<1048576xf32, #tpu.memory_space<hbm>> -> memref<32768xf32, #tpu.memory_space<hbm>>
      tpu.wait_dma2 semaphore(%run_scoped3A : memref<!tpu.dma_semaphore, #tpu.memory_space<semaphore_mem>>) src(%arg7 : memref<32768xf32, #tpu.memory_space<vmem>>) dst(%dma_wait3A_12 : memref<32768xf32, #tpu.memory_space<hbm>>)
      tpu.yield
    }) : () -> ()
    return
  }
}

module attributes {stable_mosaic.version = 14 : i64} {
  func.func @_hi_kernel(%arg0: i32, %arg1: memref<1024x512xf32, #tpu.memory_space<vmem>>, %arg2: memref<1024x256xf32, #tpu.memory_space<vmem>>, %arg3: memref<1024x128xf32, #tpu.memory_space<vmem>>, %arg4: memref<1024x3xf32, #tpu.memory_space<vmem>>, %arg5: memref<1024x3xf32, #tpu.memory_space<vmem>>, %arg6: memref<256x512xf32, #tpu.memory_space<vmem>>, %arg7: memref<256x256xf32, #tpu.memory_space<vmem>>, %arg8: memref<256x128xf32, #tpu.memory_space<vmem>>, %arg9: memref<3x256xf32, #tpu.memory_space<vmem>>, %arg10: memref<1024x256xf32, #tpu.memory_space<vmem>>) attributes {dimension_semantics = [#tpu.dimension_semantics<parallel>], iteration_bounds = array<i64: 12>, scalar_prefetch = 0 : i64, scratch_operands = 0 : i64, tpu.core_type = #tpu.core_type<tc>, window_params = [{transform_indices = @transform_0, window_bounds = array<i64: 1024, 512>}, {transform_indices = @transform_1, window_bounds = array<i64: 1024, 256>}, {transform_indices = @transform_2, window_bounds = array<i64: 1024, 128>}, {transform_indices = @transform_3, window_bounds = array<i64: 1024, 3>}, {transform_indices = @transform_4, window_bounds = array<i64: 1024, 3>}, {pipeline_mode = #tpu.pipeline_mode<synchronous>, transform_indices = @transform_5, window_bounds = array<i64: 256, 512>}, {pipeline_mode = #tpu.pipeline_mode<synchronous>, transform_indices = @transform_6, window_bounds = array<i64: 256, 256>}, {pipeline_mode = #tpu.pipeline_mode<synchronous>, transform_indices = @transform_7, window_bounds = array<i64: 256, 128>}, {pipeline_mode = #tpu.pipeline_mode<synchronous>, transform_indices = @transform_8, window_bounds = array<i64: 3, 256>}, {transform_indices = @transform_9, window_bounds = array<i64: 1024, 256>}]} {
    %get3A = arith.constant 0 : index
    %get3A_0 = arith.constant 0 : index
    %get3A_1 = vector.load %arg1[%get3A, %get3A_0] : memref<1024x512xf32, #tpu.memory_space<vmem>>, vector<1024x512xf32>
    %get3A_2 = arith.constant 0 : index
    %get3A_3 = arith.constant 0 : index
    %get3A_4 = vector.load %arg6[%get3A_2, %get3A_3] : memref<256x512xf32, #tpu.memory_space<vmem>>, vector<256x512xf32>
    %dot_general3A = arith.constant dense<0.000000e+00> : vector<1024x256xf32>
    %dot_general3A_5 = tpu.matmul %get3A_1, %get3A_4, %dot_general3A {dimension_numbers = #tpu.dot_dimension_numbers<[1], [1], [0], [0], [0, 0, 1, 0], [], []>, transpose_lhs_hint = false} : vector<1024x512xf32>, vector<256x512xf32>, vector<1024x256xf32> -> vector<1024x256xf32>
    %get3A_6 = arith.constant 0 : index
    %get3A_7 = arith.constant 0 : index
    %get3A_8 = vector.load %arg9[%get3A_6, %get3A_7] : memref<3x256xf32, #tpu.memory_space<vmem>>, vector<1x256xf32>
    %add3A = vector.broadcast %get3A_8 : vector<1x256xf32> to vector<1024x256xf32>
    %add3A_9 = arith.addf %dot_general3A_5, %add3A : vector<1024x256xf32>
    %max3A = arith.constant 0.000000e+00 : f32
    %max3A_10 = vector.broadcast %max3A : f32 to vector<1024x256xf32>
    %max3A_11 = arith.maximumf %add3A_9, %max3A_10 : vector<1024x256xf32>
    %get3A_12 = arith.constant 0 : index
    %get3A_13 = arith.constant 0 : index
    %get3A_14 = vector.load %arg2[%get3A_12, %get3A_13] : memref<1024x256xf32, #tpu.memory_space<vmem>>, vector<1024x256xf32>
    %get3A_15 = arith.constant 0 : index
    %get3A_16 = arith.constant 0 : index
    %get3A_17 = vector.load %arg7[%get3A_15, %get3A_16] : memref<256x256xf32, #tpu.memory_space<vmem>>, vector<256x256xf32>
    %dot_general3A_18 = arith.constant dense<0.000000e+00> : vector<1024x256xf32>
    %dot_general3A_19 = tpu.matmul %get3A_14, %get3A_17, %dot_general3A_18 {dimension_numbers = #tpu.dot_dimension_numbers<[1], [1], [0], [0], [0, 0, 1, 0], [], []>, transpose_lhs_hint = false} : vector<1024x256xf32>, vector<256x256xf32>, vector<1024x256xf32> -> vector<1024x256xf32>
    %get3A_20 = arith.constant 1 : index
    %get3A_21 = arith.constant 0 : index
    %get3A_22 = vector.load %arg9[%get3A_20, %get3A_21] : memref<3x256xf32, #tpu.memory_space<vmem>>, vector<1x256xf32>
    %add3A_23 = vector.broadcast %get3A_22 : vector<1x256xf32> to vector<1024x256xf32>
    %add3A_24 = arith.addf %dot_general3A_19, %add3A_23 : vector<1024x256xf32>
    %max3A_25 = arith.constant 0.000000e+00 : f32
    %max3A_26 = vector.broadcast %max3A_25 : f32 to vector<1024x256xf32>
    %max3A_27 = arith.maximumf %add3A_24, %max3A_26 : vector<1024x256xf32>
    %get3A_28 = arith.constant 0 : index
    %get3A_29 = arith.constant 0 : index
    %get3A_30 = vector.load %arg3[%get3A_28, %get3A_29] : memref<1024x128xf32, #tpu.memory_space<vmem>>, vector<1024x128xf32>
    %get3A_31 = arith.constant 0 : index
    %get3A_32 = arith.constant 0 : index
    %get3A_33 = vector.load %arg8[%get3A_31, %get3A_32] : memref<256x128xf32, #tpu.memory_space<vmem>>, vector<256x128xf32>
    %dot_general3A_34 = arith.constant dense<0.000000e+00> : vector<1024x256xf32>
    %dot_general3A_35 = tpu.matmul %get3A_30, %get3A_33, %dot_general3A_34 {dimension_numbers = #tpu.dot_dimension_numbers<[1], [1], [0], [0], [0, 0, 1, 0], [], []>, transpose_lhs_hint = false} : vector<1024x128xf32>, vector<256x128xf32>, vector<1024x256xf32> -> vector<1024x256xf32>
    %get3A_36 = arith.constant 2 : index
    %get3A_37 = arith.constant 0 : index
    %get3A_38 = vector.load %arg9[%get3A_36, %get3A_37] : memref<3x256xf32, #tpu.memory_space<vmem>>, vector<1x256xf32>
    %add3A_39 = vector.broadcast %get3A_38 : vector<1x256xf32> to vector<1024x256xf32>
    %add3A_40 = arith.addf %dot_general3A_35, %add3A_39 : vector<1024x256xf32>
    %max3A_41 = arith.constant 0.000000e+00 : f32
    %max3A_42 = vector.broadcast %max3A_41 : f32 to vector<1024x256xf32>
    %max3A_43 = arith.maximumf %add3A_40, %max3A_42 : vector<1024x256xf32>
    %get3A_44 = arith.constant 0 : index
    %get3A_45 = arith.constant 0 : index
    %get3A_46 = vector.load %arg4[%get3A_44, %get3A_45] : memref<1024x3xf32, #tpu.memory_space<vmem>>, vector<1024x3xf32>
    %get3A_47 = arith.constant 0 : index
    %get3A_48 = arith.constant 0 : index
    %get3A_49 = vector.load %arg5[%get3A_47, %get3A_48] : memref<1024x3xf32, #tpu.memory_space<vmem>>, vector<1024x3xf32>
    %mul3A = arith.mulf %get3A_46, %get3A_49 : vector<1024x3xf32>
    %reduce_sum3A = arith.constant dense<0.000000e+00> : vector<1024xf32>
    %reduce_sum3A_50 = vector.multi_reduction <add>, %mul3A, %reduce_sum3A [1] : vector<1024x3xf32> to vector<1024xf32>
    %broadcast_in_dim3A = vector.shape_cast %reduce_sum3A_50 : vector<1024xf32> to vector<1024x1xf32>
    %div3A = vector.broadcast %broadcast_in_dim3A : vector<1024x1xf32> to vector<1024x3xf32>
    %div3A_51 = arith.divf %mul3A, %div3A : vector<1024x3xf32>
    %add3A_52 = arith.constant 9.99999968E-21 : f32
    %add3A_53 = vector.broadcast %add3A_52 : f32 to vector<1024x3xf32>
    %add3A_54 = arith.addf %div3A_51, %add3A_53 : vector<1024x3xf32>
    %mul3A_55 = arith.constant 1024 : i32
    %mul3A_56 = arith.muli %arg0, %mul3A_55 : i32
    %add3A_57 = arith.constant 4096 : i32
    %add3A_58 = arith.addi %add3A_57, %mul3A_56 : i32
    %mul3A_59 = arith.constant 768 : i32
    %mul3A_60 = arith.muli %add3A_58, %mul3A_59 : i32
    %iota3A = tpu.iota {dimensions = array<i32: 0>} : vector<1024x256xi32>
    %iota3A_61 = tpu.iota {dimensions = array<i32: 1>} : vector<1024x256xi32>
    %mul3A_62 = arith.constant 768 : i32
    %mul3A_63 = vector.broadcast %mul3A_62 : i32 to vector<1024x256xi32>
    %mul3A_64 = arith.muli %iota3A, %mul3A_63 : vector<1024x256xi32>
    %add3A_65 = vector.broadcast %mul3A_60 : i32 to vector<1024x256xi32>
    %add3A_66 = arith.addi %add3A_65, %mul3A_64 : vector<1024x256xi32>
    %mul3A_67 = arith.constant 3 : i32
    %mul3A_68 = vector.broadcast %mul3A_67 : i32 to vector<1024x256xi32>
    %mul3A_69 = arith.muli %iota3A_61, %mul3A_68 : vector<1024x256xi32>
    %add3A_70 = arith.addi %add3A_66, %mul3A_69 : vector<1024x256xi32>
    %broadcast_in_dim3A_71 = arith.constant 0 : i32
    %broadcast_in_dim3A_72 = vector.broadcast %broadcast_in_dim3A_71 : i32 to vector<1024x256xi32>
    %add3A_73 = arith.constant 0 : i32
    %add3A_74 = vector.broadcast %add3A_73 : i32 to vector<1024x256xi32>
    %add3A_75 = arith.addi %broadcast_in_dim3A_72, %add3A_74 : vector<1024x256xi32>
    %add3A_76 = arith.constant 42 : i32
    %add3A_77 = vector.broadcast %add3A_76 : i32 to vector<1024x256xi32>
    %add3A_78 = arith.addi %add3A_70, %add3A_77 : vector<1024x256xi32>
    %add3A_79 = arith.addi %add3A_75, %add3A_78 : vector<1024x256xi32>
    %shift_left3A = arith.constant 13 : i32
    %shift_left3A_80 = vector.broadcast %shift_left3A : i32 to vector<1024x256xi32>
    %shift_left3A_81 = arith.shli %add3A_78, %shift_left3A_80 : vector<1024x256xi32>
    %shift_right_logical3A = arith.constant 19 : i32
    %shift_right_logical3A_82 = vector.broadcast %shift_right_logical3A : i32 to vector<1024x256xi32>
    %shift_right_logical3A_83 = arith.shrui %add3A_78, %shift_right_logical3A_82 : vector<1024x256xi32>
    %or3A = arith.ori %shift_left3A_81, %shift_right_logical3A_83 : vector<1024x256xi32>
    %xor3A = arith.xori %or3A, %add3A_79 : vector<1024x256xi32>
    %add3A_84 = arith.addi %add3A_79, %xor3A : vector<1024x256xi32>
    %shift_left3A_85 = arith.constant 15 : i32
    %shift_left3A_86 = vector.broadcast %shift_left3A_85 : i32 to vector<1024x256xi32>
    %shift_left3A_87 = arith.shli %xor3A, %shift_left3A_86 : vector<1024x256xi32>
    %shift_right_logical3A_88 = arith.constant 17 : i32
    %shift_right_logical3A_89 = vector.broadcast %shift_right_logical3A_88 : i32 to vector<1024x256xi32>
    %shift_right_logical3A_90 = arith.shrui %xor3A, %shift_right_logical3A_89 : vector<1024x256xi32>
    %or3A_91 = arith.ori %shift_left3A_87, %shift_right_logical3A_90 : vector<1024x256xi32>
    %xor3A_92 = arith.xori %or3A_91, %add3A_84 : vector<1024x256xi32>
    %add3A_93 = arith.addi %add3A_84, %xor3A_92 : vector<1024x256xi32>
    %shift_left3A_94 = arith.constant 26 : i32
    %shift_left3A_95 = vector.broadcast %shift_left3A_94 : i32 to vector<1024x256xi32>
    %shift_left3A_96 = arith.shli %xor3A_92, %shift_left3A_95 : vector<1024x256xi32>
    %shift_right_logical3A_97 = arith.constant 6 : i32
    %shift_right_logical3A_98 = vector.broadcast %shift_right_logical3A_97 : i32 to vector<1024x256xi32>
    %shift_right_logical3A_99 = arith.shrui %xor3A_92, %shift_right_logical3A_98 : vector<1024x256xi32>
    %or3A_100 = arith.ori %shift_left3A_96, %shift_right_logical3A_99 : vector<1024x256xi32>
    %xor3A_101 = arith.xori %or3A_100, %add3A_93 : vector<1024x256xi32>
    %add3A_102 = arith.addi %add3A_93, %xor3A_101 : vector<1024x256xi32>
    %shift_left3A_103 = arith.constant 6 : i32
    %shift_left3A_104 = vector.broadcast %shift_left3A_103 : i32 to vector<1024x256xi32>
    %shift_left3A_105 = arith.shli %xor3A_101, %shift_left3A_104 : vector<1024x256xi32>
    %shift_right_logical3A_106 = arith.constant 26 : i32
    %shift_right_logical3A_107 = vector.broadcast %shift_right_logical3A_106 : i32 to vector<1024x256xi32>
    %shift_right_logical3A_108 = arith.shrui %xor3A_101, %shift_right_logical3A_107 : vector<1024x256xi32>
    %or3A_109 = arith.ori %shift_left3A_105, %shift_right_logical3A_108 : vector<1024x256xi32>
    %xor3A_110 = arith.xori %or3A_109, %add3A_102 : vector<1024x256xi32>
    %add3A_111 = arith.constant 42 : i32
    %add3A_112 = vector.broadcast %add3A_111 : i32 to vector<1024x256xi32>
    %add3A_113 = arith.addi %add3A_102, %add3A_112 : vector<1024x256xi32>
    %add3A_114 = arith.constant 466689008 : i32
    %add3A_115 = vector.broadcast %add3A_114 : i32 to vector<1024x256xi32>
    %add3A_116 = arith.addi %xor3A_110, %add3A_115 : vector<1024x256xi32>
    %add3A_117 = arith.constant 1 : i32
    %add3A_118 = vector.broadcast %add3A_117 : i32 to vector<1024x256xi32>
    %add3A_119 = arith.addi %add3A_116, %add3A_118 : vector<1024x256xi32>
    %add3A_120 = arith.addi %add3A_113, %add3A_119 : vector<1024x256xi32>
    %shift_left3A_121 = arith.constant 17 : i32
    %shift_left3A_122 = vector.broadcast %shift_left3A_121 : i32 to vector<1024x256xi32>
    %shift_left3A_123 = arith.shli %add3A_119, %shift_left3A_122 : vector<1024x256xi32>
    %shift_right_logical3A_124 = arith.constant 15 : i32
    %shift_right_logical3A_125 = vector.broadcast %shift_right_logical3A_124 : i32 to vector<1024x256xi32>
    %shift_right_logical3A_126 = arith.shrui %add3A_119, %shift_right_logical3A_125 : vector<1024x256xi32>
    %or3A_127 = arith.ori %shift_left3A_123, %shift_right_logical3A_126 : vector<1024x256xi32>
    %xor3A_128 = arith.xori %or3A_127, %add3A_120 : vector<1024x256xi32>
    %add3A_129 = arith.addi %add3A_120, %xor3A_128 : vector<1024x256xi32>
    %shift_left3A_130 = arith.constant 29 : i32
    %shift_left3A_131 = vector.broadcast %shift_left3A_130 : i32 to vector<1024x256xi32>
    %shift_left3A_132 = arith.shli %xor3A_128, %shift_left3A_131 : vector<1024x256xi32>
    %shift_right_logical3A_133 = arith.constant 3 : i32
    %shift_right_logical3A_134 = vector.broadcast %shift_right_logical3A_133 : i32 to vector<1024x256xi32>
    %shift_right_logical3A_135 = arith.shrui %xor3A_128, %shift_right_logical3A_134 : vector<1024x256xi32>
    %or3A_136 = arith.ori %shift_left3A_132, %shift_right_logical3A_135 : vector<1024x256xi32>
    %xor3A_137 = arith.xori %or3A_136, %add3A_129 : vector<1024x256xi32>
    %add3A_138 = arith.addi %add3A_129, %xor3A_137 : vector<1024x256xi32>
    %shift_left3A_139 = arith.constant 16 : i32
    %shift_left3A_140 = vector.broadcast %shift_left3A_139 : i32 to vector<1024x256xi32>
    %shift_left3A_141 = arith.shli %xor3A_137, %shift_left3A_140 : vector<1024x256xi32>
    %shift_right_logical3A_142 = arith.constant 16 : i32
    %shift_right_logical3A_143 = vector.broadcast %shift_right_logical3A_142 : i32 to vector<1024x256xi32>
    %shift_right_logical3A_144 = arith.shrui %xor3A_137, %shift_right_logical3A_143 : vector<1024x256xi32>
    %or3A_145 = arith.ori %shift_left3A_141, %shift_right_logical3A_144 : vector<1024x256xi32>
    %xor3A_146 = arith.xori %or3A_145, %add3A_138 : vector<1024x256xi32>
    %add3A_147 = arith.addi %add3A_138, %xor3A_146 : vector<1024x256xi32>
    %shift_left3A_148 = arith.constant 24 : i32
    %shift_left3A_149 = vector.broadcast %shift_left3A_148 : i32 to vector<1024x256xi32>
    %shift_left3A_150 = arith.shli %xor3A_146, %shift_left3A_149 : vector<1024x256xi32>
    %shift_right_logical3A_151 = arith.constant 8 : i32
    %shift_right_logical3A_152 = vector.broadcast %shift_right_logical3A_151 : i32 to vector<1024x256xi32>
    %shift_right_logical3A_153 = arith.shrui %xor3A_146, %shift_right_logical3A_152 : vector<1024x256xi32>
    %or3A_154 = arith.ori %shift_left3A_150, %shift_right_logical3A_153 : vector<1024x256xi32>
    %xor3A_155 = arith.xori %or3A_154, %add3A_147 : vector<1024x256xi32>
    %add3A_156 = arith.constant 466689008 : i32
    %add3A_157 = vector.broadcast %add3A_156 : i32 to vector<1024x256xi32>
    %add3A_158 = arith.addi %add3A_147, %add3A_157 : vector<1024x256xi32>
    %add3A_159 = arith.constant 0 : i32
    %add3A_160 = vector.broadcast %add3A_159 : i32 to vector<1024x256xi32>
    %add3A_161 = arith.addi %xor3A_155, %add3A_160 : vector<1024x256xi32>
    %add3A_162 = arith.constant 2 : i32
    %add3A_163 = vector.broadcast %add3A_162 : i32 to vector<1024x256xi32>
    %add3A_164 = arith.addi %add3A_161, %add3A_163 : vector<1024x256xi32>
    %add3A_165 = arith.addi %add3A_158, %add3A_164 : vector<1024x256xi32>
    %shift_left3A_166 = arith.constant 13 : i32
    %shift_left3A_167 = vector.broadcast %shift_left3A_166 : i32 to vector<1024x256xi32>
    %shift_left3A_168 = arith.shli %add3A_164, %shift_left3A_167 : vector<1024x256xi32>
    %shift_right_logical3A_169 = arith.constant 19 : i32
    %shift_right_logical3A_170 = vector.broadcast %shift_right_logical3A_169 : i32 to vector<1024x256xi32>
    %shift_right_logical3A_171 = arith.shrui %add3A_164, %shift_right_logical3A_170 : vector<1024x256xi32>
    %or3A_172 = arith.ori %shift_left3A_168, %shift_right_logical3A_171 : vector<1024x256xi32>
    %xor3A_173 = arith.xori %or3A_172, %add3A_165 : vector<1024x256xi32>
    %add3A_174 = arith.addi %add3A_165, %xor3A_173 : vector<1024x256xi32>
    %shift_left3A_175 = arith.constant 15 : i32
    %shift_left3A_176 = vector.broadcast %shift_left3A_175 : i32 to vector<1024x256xi32>
    %shift_left3A_177 = arith.shli %xor3A_173, %shift_left3A_176 : vector<1024x256xi32>
    %shift_right_logical3A_178 = arith.constant 17 : i32
    %shift_right_logical3A_179 = vector.broadcast %shift_right_logical3A_178 : i32 to vector<1024x256xi32>
    %shift_right_logical3A_180 = arith.shrui %xor3A_173, %shift_right_logical3A_179 : vector<1024x256xi32>
    %or3A_181 = arith.ori %shift_left3A_177, %shift_right_logical3A_180 : vector<1024x256xi32>
    %xor3A_182 = arith.xori %or3A_181, %add3A_174 : vector<1024x256xi32>
    %add3A_183 = arith.addi %add3A_174, %xor3A_182 : vector<1024x256xi32>
    %shift_left3A_184 = arith.constant 26 : i32
    %shift_left3A_185 = vector.broadcast %shift_left3A_184 : i32 to vector<1024x256xi32>
    %shift_left3A_186 = arith.shli %xor3A_182, %shift_left3A_185 : vector<1024x256xi32>
    %shift_right_logical3A_187 = arith.constant 6 : i32
    %shift_right_logical3A_188 = vector.broadcast %shift_right_logical3A_187 : i32 to vector<1024x256xi32>
    %shift_right_logical3A_189 = arith.shrui %xor3A_182, %shift_right_logical3A_188 : vector<1024x256xi32>
    %or3A_190 = arith.ori %shift_left3A_186, %shift_right_logical3A_189 : vector<1024x256xi32>
    %xor3A_191 = arith.xori %or3A_190, %add3A_183 : vector<1024x256xi32>
    %add3A_192 = arith.addi %add3A_183, %xor3A_191 : vector<1024x256xi32>
    %shift_left3A_193 = arith.constant 6 : i32
    %shift_left3A_194 = vector.broadcast %shift_left3A_193 : i32 to vector<1024x256xi32>
    %shift_left3A_195 = arith.shli %xor3A_191, %shift_left3A_194 : vector<1024x256xi32>
    %shift_right_logical3A_196 = arith.constant 26 : i32
    %shift_right_logical3A_197 = vector.broadcast %shift_right_logical3A_196 : i32 to vector<1024x256xi32>
    %shift_right_logical3A_198 = arith.shrui %xor3A_191, %shift_right_logical3A_197 : vector<1024x256xi32>
    %or3A_199 = arith.ori %shift_left3A_195, %shift_right_logical3A_198 : vector<1024x256xi32>
    %xor3A_200 = arith.xori %or3A_199, %add3A_192 : vector<1024x256xi32>
    %add3A_201 = arith.constant 0 : i32
    %add3A_202 = vector.broadcast %add3A_201 : i32 to vector<1024x256xi32>
    %add3A_203 = arith.addi %add3A_192, %add3A_202 : vector<1024x256xi32>
    %add3A_204 = arith.constant 42 : i32
    %add3A_205 = vector.broadcast %add3A_204 : i32 to vector<1024x256xi32>
    %add3A_206 = arith.addi %xor3A_200, %add3A_205 : vector<1024x256xi32>
    %add3A_207 = arith.constant 3 : i32
    %add3A_208 = vector.broadcast %add3A_207 : i32 to vector<1024x256xi32>
    %add3A_209 = arith.addi %add3A_206, %add3A_208 : vector<1024x256xi32>
    %add3A_210 = arith.addi %add3A_203, %add3A_209 : vector<1024x256xi32>
    %shift_left3A_211 = arith.constant 17 : i32
    %shift_left3A_212 = vector.broadcast %shift_left3A_211 : i32 to vector<1024x256xi32>
    %shift_left3A_213 = arith.shli %add3A_209, %shift_left3A_212 : vector<1024x256xi32>
    %shift_right_logical3A_214 = arith.constant 15 : i32
    %shift_right_logical3A_215 = vector.broadcast %shift_right_logical3A_214 : i32 to vector<1024x256xi32>
    %shift_right_logical3A_216 = arith.shrui %add3A_209, %shift_right_logical3A_215 : vector<1024x256xi32>
    %or3A_217 = arith.ori %shift_left3A_213, %shift_right_logical3A_216 : vector<1024x256xi32>
    %xor3A_218 = arith.xori %or3A_217, %add3A_210 : vector<1024x256xi32>
    %add3A_219 = arith.addi %add3A_210, %xor3A_218 : vector<1024x256xi32>
    %shift_left3A_220 = arith.constant 29 : i32
    %shift_left3A_221 = vector.broadcast %shift_left3A_220 : i32 to vector<1024x256xi32>
    %shift_left3A_222 = arith.shli %xor3A_218, %shift_left3A_221 : vector<1024x256xi32>
    %shift_right_logical3A_223 = arith.constant 3 : i32
    %shift_right_logical3A_224 = vector.broadcast %shift_right_logical3A_223 : i32 to vector<1024x256xi32>
    %shift_right_logical3A_225 = arith.shrui %xor3A_218, %shift_right_logical3A_224 : vector<1024x256xi32>
    %or3A_226 = arith.ori %shift_left3A_222, %shift_right_logical3A_225 : vector<1024x256xi32>
    %xor3A_227 = arith.xori %or3A_226, %add3A_219 : vector<1024x256xi32>
    %add3A_228 = arith.addi %add3A_219, %xor3A_227 : vector<1024x256xi32>
    %shift_left3A_229 = arith.constant 16 : i32
    %shift_left3A_230 = vector.broadcast %shift_left3A_229 : i32 to vector<1024x256xi32>
    %shift_left3A_231 = arith.shli %xor3A_227, %shift_left3A_230 : vector<1024x256xi32>
    %shift_right_logical3A_232 = arith.constant 16 : i32
    %shift_right_logical3A_233 = vector.broadcast %shift_right_logical3A_232 : i32 to vector<1024x256xi32>
    %shift_right_logical3A_234 = arith.shrui %xor3A_227, %shift_right_logical3A_233 : vector<1024x256xi32>
    %or3A_235 = arith.ori %shift_left3A_231, %shift_right_logical3A_234 : vector<1024x256xi32>
    %xor3A_236 = arith.xori %or3A_235, %add3A_228 : vector<1024x256xi32>
    %add3A_237 = arith.addi %add3A_228, %xor3A_236 : vector<1024x256xi32>
    %shift_left3A_238 = arith.constant 24 : i32
    %shift_left3A_239 = vector.broadcast %shift_left3A_238 : i32 to vector<1024x256xi32>
    %shift_left3A_240 = arith.shli %xor3A_236, %shift_left3A_239 : vector<1024x256xi32>
    %shift_right_logical3A_241 = arith.constant 8 : i32
    %shift_right_logical3A_242 = vector.broadcast %shift_right_logical3A_241 : i32 to vector<1024x256xi32>
    %shift_right_logical3A_243 = arith.shrui %xor3A_236, %shift_right_logical3A_242 : vector<1024x256xi32>
    %or3A_244 = arith.ori %shift_left3A_240, %shift_right_logical3A_243 : vector<1024x256xi32>
    %xor3A_245 = arith.xori %or3A_244, %add3A_237 : vector<1024x256xi32>
    %add3A_246 = arith.constant 42 : i32
    %add3A_247 = vector.broadcast %add3A_246 : i32 to vector<1024x256xi32>
    %add3A_248 = arith.addi %add3A_237, %add3A_247 : vector<1024x256xi32>
    %add3A_249 = arith.constant 466689008 : i32
    %add3A_250 = vector.broadcast %add3A_249 : i32 to vector<1024x256xi32>
    %add3A_251 = arith.addi %xor3A_245, %add3A_250 : vector<1024x256xi32>
    %add3A_252 = arith.constant 4 : i32
    %add3A_253 = vector.broadcast %add3A_252 : i32 to vector<1024x256xi32>
    %add3A_254 = arith.addi %add3A_251, %add3A_253 : vector<1024x256xi32>
    %add3A_255 = arith.addi %add3A_248, %add3A_254 : vector<1024x256xi32>
    %shift_left3A_256 = arith.constant 13 : i32
    %shift_left3A_257 = vector.broadcast %shift_left3A_256 : i32 to vector<1024x256xi32>
    %shift_left3A_258 = arith.shli %add3A_254, %shift_left3A_257 : vector<1024x256xi32>
    %shift_right_logical3A_259 = arith.constant 19 : i32
    %shift_right_logical3A_260 = vector.broadcast %shift_right_logical3A_259 : i32 to vector<1024x256xi32>
    %shift_right_logical3A_261 = arith.shrui %add3A_254, %shift_right_logical3A_260 : vector<1024x256xi32>
    %or3A_262 = arith.ori %shift_left3A_258, %shift_right_logical3A_261 : vector<1024x256xi32>
    %xor3A_263 = arith.xori %or3A_262, %add3A_255 : vector<1024x256xi32>
    %add3A_264 = arith.addi %add3A_255, %xor3A_263 : vector<1024x256xi32>
    %shift_left3A_265 = arith.constant 15 : i32
    %shift_left3A_266 = vector.broadcast %shift_left3A_265 : i32 to vector<1024x256xi32>
    %shift_left3A_267 = arith.shli %xor3A_263, %shift_left3A_266 : vector<1024x256xi32>
    %shift_right_logical3A_268 = arith.constant 17 : i32
    %shift_right_logical3A_269 = vector.broadcast %shift_right_logical3A_268 : i32 to vector<1024x256xi32>
    %shift_right_logical3A_270 = arith.shrui %xor3A_263, %shift_right_logical3A_269 : vector<1024x256xi32>
    %or3A_271 = arith.ori %shift_left3A_267, %shift_right_logical3A_270 : vector<1024x256xi32>
    %xor3A_272 = arith.xori %or3A_271, %add3A_264 : vector<1024x256xi32>
    %add3A_273 = arith.addi %add3A_264, %xor3A_272 : vector<1024x256xi32>
    %shift_left3A_274 = arith.constant 26 : i32
    %shift_left3A_275 = vector.broadcast %shift_left3A_274 : i32 to vector<1024x256xi32>
    %shift_left3A_276 = arith.shli %xor3A_272, %shift_left3A_275 : vector<1024x256xi32>
    %shift_right_logical3A_277 = arith.constant 6 : i32
    %shift_right_logical3A_278 = vector.broadcast %shift_right_logical3A_277 : i32 to vector<1024x256xi32>
    %shift_right_logical3A_279 = arith.shrui %xor3A_272, %shift_right_logical3A_278 : vector<1024x256xi32>
    %or3A_280 = arith.ori %shift_left3A_276, %shift_right_logical3A_279 : vector<1024x256xi32>
    %xor3A_281 = arith.xori %or3A_280, %add3A_273 : vector<1024x256xi32>
    %add3A_282 = arith.addi %add3A_273, %xor3A_281 : vector<1024x256xi32>
    %shift_left3A_283 = arith.constant 6 : i32
    %shift_left3A_284 = vector.broadcast %shift_left3A_283 : i32 to vector<1024x256xi32>
    %shift_left3A_285 = arith.shli %xor3A_281, %shift_left3A_284 : vector<1024x256xi32>
    %shift_right_logical3A_286 = arith.constant 26 : i32
    %shift_right_logical3A_287 = vector.broadcast %shift_right_logical3A_286 : i32 to vector<1024x256xi32>
    %shift_right_logical3A_288 = arith.shrui %xor3A_281, %shift_right_logical3A_287 : vector<1024x256xi32>
    %or3A_289 = arith.ori %shift_left3A_285, %shift_right_logical3A_288 : vector<1024x256xi32>
    %xor3A_290 = arith.xori %or3A_289, %add3A_282 : vector<1024x256xi32>
    %add3A_291 = arith.constant 466689008 : i32
    %add3A_292 = vector.broadcast %add3A_291 : i32 to vector<1024x256xi32>
    %add3A_293 = arith.addi %add3A_282, %add3A_292 : vector<1024x256xi32>
    %add3A_294 = arith.constant 0 : i32
    %add3A_295 = vector.broadcast %add3A_294 : i32 to vector<1024x256xi32>
    %add3A_296 = arith.addi %xor3A_290, %add3A_295 : vector<1024x256xi32>
    %add3A_297 = arith.constant 5 : i32
    %add3A_298 = vector.broadcast %add3A_297 : i32 to vector<1024x256xi32>
    %add3A_299 = arith.addi %add3A_296, %add3A_298 : vector<1024x256xi32>
    %xor3A_300 = arith.xori %add3A_293, %add3A_299 : vector<1024x256xi32>
    %shift_right_logical3A_301 = arith.constant 9 : i32
    %shift_right_logical3A_302 = vector.broadcast %shift_right_logical3A_301 : i32 to vector<1024x256xi32>
    %shift_right_logical3A_303 = arith.shrui %xor3A_300, %shift_right_logical3A_302 : vector<1024x256xi32>
    %or3A_304 = arith.constant 1065353216 : i32
    %or3A_305 = vector.broadcast %or3A_304 : i32 to vector<1024x256xi32>
    %or3A_306 = arith.ori %shift_right_logical3A_303, %or3A_305 : vector<1024x256xi32>
    %bitcast_convert_type3A = tpu.bitcast %or3A_306 : vector<1024x256xi32> -> vector<1024x256xf32>
    %sub3A = arith.constant 1.000000e+00 : f32
    %sub3A_307 = vector.broadcast %sub3A : f32 to vector<1024x256xf32>
    %sub3A_308 = arith.subf %bitcast_convert_type3A, %sub3A_307 : vector<1024x256xf32>
    %add3A_309 = arith.constant 1.17549435E-38 : f32
    %add3A_310 = vector.broadcast %add3A_309 : f32 to vector<1024x256xf32>
    %add3A_311 = arith.addf %sub3A_308, %add3A_310 : vector<1024x256xf32>
    %log3A = math.log %add3A_311 : vector<1024x256xf32>
    %neg3A = arith.constant 0.000000e+00 : f32
    %neg3A_312 = vector.broadcast %neg3A : f32 to vector<1024x256xf32>
    %neg3A_313 = arith.subf %neg3A_312, %log3A : vector<1024x256xf32>
    %add3A_314 = arith.constant 1 : i32
    %add3A_315 = vector.broadcast %add3A_314 : i32 to vector<1024x256xi32>
    %add3A_316 = arith.addi %add3A_70, %add3A_315 : vector<1024x256xi32>
    %broadcast_in_dim3A_317 = arith.constant 0 : i32
    %broadcast_in_dim3A_318 = vector.broadcast %broadcast_in_dim3A_317 : i32 to vector<1024x256xi32>
    %add3A_319 = arith.constant 0 : i32
    %add3A_320 = vector.broadcast %add3A_319 : i32 to vector<1024x256xi32>
    %add3A_321 = arith.addi %broadcast_in_dim3A_318, %add3A_320 : vector<1024x256xi32>
    %add3A_322 = arith.constant 42 : i32
    %add3A_323 = vector.broadcast %add3A_322 : i32 to vector<1024x256xi32>
    %add3A_324 = arith.addi %add3A_316, %add3A_323 : vector<1024x256xi32>
    %add3A_325 = arith.addi %add3A_321, %add3A_324 : vector<1024x256xi32>
    %shift_left3A_326 = arith.constant 13 : i32
    %shift_left3A_327 = vector.broadcast %shift_left3A_326 : i32 to vector<1024x256xi32>
    %shift_left3A_328 = arith.shli %add3A_324, %shift_left3A_327 : vector<1024x256xi32>
    %shift_right_logical3A_329 = arith.constant 19 : i32
    %shift_right_logical3A_330 = vector.broadcast %shift_right_logical3A_329 : i32 to vector<1024x256xi32>
    %shift_right_logical3A_331 = arith.shrui %add3A_324, %shift_right_logical3A_330 : vector<1024x256xi32>
    %or3A_332 = arith.ori %shift_left3A_328, %shift_right_logical3A_331 : vector<1024x256xi32>
    %xor3A_333 = arith.xori %or3A_332, %add3A_325 : vector<1024x256xi32>
    %add3A_334 = arith.addi %add3A_325, %xor3A_333 : vector<1024x256xi32>
    %shift_left3A_335 = arith.constant 15 : i32
    %shift_left3A_336 = vector.broadcast %shift_left3A_335 : i32 to vector<1024x256xi32>
    %shift_left3A_337 = arith.shli %xor3A_333, %shift_left3A_336 : vector<1024x256xi32>
    %shift_right_logical3A_338 = arith.constant 17 : i32
    %shift_right_logical3A_339 = vector.broadcast %shift_right_logical3A_338 : i32 to vector<1024x256xi32>
    %shift_right_logical3A_340 = arith.shrui %xor3A_333, %shift_right_logical3A_339 : vector<1024x256xi32>
    %or3A_341 = arith.ori %shift_left3A_337, %shift_right_logical3A_340 : vector<1024x256xi32>
    %xor3A_342 = arith.xori %or3A_341, %add3A_334 : vector<1024x256xi32>
    %add3A_343 = arith.addi %add3A_334, %xor3A_342 : vector<1024x256xi32>
    %shift_left3A_344 = arith.constant 26 : i32
    %shift_left3A_345 = vector.broadcast %shift_left3A_344 : i32 to vector<1024x256xi32>
    %shift_left3A_346 = arith.shli %xor3A_342, %shift_left3A_345 : vector<1024x256xi32>
    %shift_right_logical3A_347 = arith.constant 6 : i32
    %shift_right_logical3A_348 = vector.broadcast %shift_right_logical3A_347 : i32 to vector<1024x256xi32>
    %shift_right_logical3A_349 = arith.shrui %xor3A_342, %shift_right_logical3A_348 : vector<1024x256xi32>
    %or3A_350 = arith.ori %shift_left3A_346, %shift_right_logical3A_349 : vector<1024x256xi32>
    %xor3A_351 = arith.xori %or3A_350, %add3A_343 : vector<1024x256xi32>
    %add3A_352 = arith.addi %add3A_343, %xor3A_351 : vector<1024x256xi32>
    %shift_left3A_353 = arith.constant 6 : i32
    %shift_left3A_354 = vector.broadcast %shift_left3A_353 : i32 to vector<1024x256xi32>
    %shift_left3A_355 = arith.shli %xor3A_351, %shift_left3A_354 : vector<1024x256xi32>
    %shift_right_logical3A_356 = arith.constant 26 : i32
    %shift_right_logical3A_357 = vector.broadcast %shift_right_logical3A_356 : i32 to vector<1024x256xi32>
    %shift_right_logical3A_358 = arith.shrui %xor3A_351, %shift_right_logical3A_357 : vector<1024x256xi32>
    %or3A_359 = arith.ori %shift_left3A_355, %shift_right_logical3A_358 : vector<1024x256xi32>
    %xor3A_360 = arith.xori %or3A_359, %add3A_352 : vector<1024x256xi32>
    %add3A_361 = arith.constant 42 : i32
    %add3A_362 = vector.broadcast %add3A_361 : i32 to vector<1024x256xi32>
    %add3A_363 = arith.addi %add3A_352, %add3A_362 : vector<1024x256xi32>
    %add3A_364 = arith.constant 466689008 : i32
    %add3A_365 = vector.broadcast %add3A_364 : i32 to vector<1024x256xi32>
    %add3A_366 = arith.addi %xor3A_360, %add3A_365 : vector<1024x256xi32>
    %add3A_367 = arith.constant 1 : i32
    %add3A_368 = vector.broadcast %add3A_367 : i32 to vector<1024x256xi32>
    %add3A_369 = arith.addi %add3A_366, %add3A_368 : vector<1024x256xi32>
    %add3A_370 = arith.addi %add3A_363, %add3A_369 : vector<1024x256xi32>
    %shift_left3A_371 = arith.constant 17 : i32
    %shift_left3A_372 = vector.broadcast %shift_left3A_371 : i32 to vector<1024x256xi32>
    %shift_left3A_373 = arith.shli %add3A_369, %shift_left3A_372 : vector<1024x256xi32>
    %shift_right_logical3A_374 = arith.constant 15 : i32
    %shift_right_logical3A_375 = vector.broadcast %shift_right_logical3A_374 : i32 to vector<1024x256xi32>
    %shift_right_logical3A_376 = arith.shrui %add3A_369, %shift_right_logical3A_375 : vector<1024x256xi32>
    %or3A_377 = arith.ori %shift_left3A_373, %shift_right_logical3A_376 : vector<1024x256xi32>
    %xor3A_378 = arith.xori %or3A_377, %add3A_370 : vector<1024x256xi32>
    %add3A_379 = arith.addi %add3A_370, %xor3A_378 : vector<1024x256xi32>
    %shift_left3A_380 = arith.constant 29 : i32
    %shift_left3A_381 = vector.broadcast %shift_left3A_380 : i32 to vector<1024x256xi32>
    %shift_left3A_382 = arith.shli %xor3A_378, %shift_left3A_381 : vector<1024x256xi32>
    %shift_right_logical3A_383 = arith.constant 3 : i32
    %shift_right_logical3A_384 = vector.broadcast %shift_right_logical3A_383 : i32 to vector<1024x256xi32>
    %shift_right_logical3A_385 = arith.shrui %xor3A_378, %shift_right_logical3A_384 : vector<1024x256xi32>
    %or3A_386 = arith.ori %shift_left3A_382, %shift_right_logical3A_385 : vector<1024x256xi32>
    %xor3A_387 = arith.xori %or3A_386, %add3A_379 : vector<1024x256xi32>
    %add3A_388 = arith.addi %add3A_379, %xor3A_387 : vector<1024x256xi32>
    %shift_left3A_389 = arith.constant 16 : i32
    %shift_left3A_390 = vector.broadcast %shift_left3A_389 : i32 to vector<1024x256xi32>
    %shift_left3A_391 = arith.shli %xor3A_387, %shift_left3A_390 : vector<1024x256xi32>
    %shift_right_logical3A_392 = arith.constant 16 : i32
    %shift_right_logical3A_393 = vector.broadcast %shift_right_logical3A_392 : i32 to vector<1024x256xi32>
    %shift_right_logical3A_394 = arith.shrui %xor3A_387, %shift_right_logical3A_393 : vector<1024x256xi32>
    %or3A_395 = arith.ori %shift_left3A_391, %shift_right_logical3A_394 : vector<1024x256xi32>
    %xor3A_396 = arith.xori %or3A_395, %add3A_388 : vector<1024x256xi32>
    %add3A_397 = arith.addi %add3A_388, %xor3A_396 : vector<1024x256xi32>
    %shift_left3A_398 = arith.constant 24 : i32
    %shift_left3A_399 = vector.broadcast %shift_left3A_398 : i32 to vector<1024x256xi32>
    %shift_left3A_400 = arith.shli %xor3A_396, %shift_left3A_399 : vector<1024x256xi32>
    %shift_right_logical3A_401 = arith.constant 8 : i32
    %shift_right_logical3A_402 = vector.broadcast %shift_right_logical3A_401 : i32 to vector<1024x256xi32>
    %shift_right_logical3A_403 = arith.shrui %xor3A_396, %shift_right_logical3A_402 : vector<1024x256xi32>
    %or3A_404 = arith.ori %shift_left3A_400, %shift_right_logical3A_403 : vector<1024x256xi32>
    %xor3A_405 = arith.xori %or3A_404, %add3A_397 : vector<1024x256xi32>
    %add3A_406 = arith.constant 466689008 : i32
    %add3A_407 = vector.broadcast %add3A_406 : i32 to vector<1024x256xi32>
    %add3A_408 = arith.addi %add3A_397, %add3A_407 : vector<1024x256xi32>
    %add3A_409 = arith.constant 0 : i32
    %add3A_410 = vector.broadcast %add3A_409 : i32 to vector<1024x256xi32>
    %add3A_411 = arith.addi %xor3A_405, %add3A_410 : vector<1024x256xi32>
    %add3A_412 = arith.constant 2 : i32
    %add3A_413 = vector.broadcast %add3A_412 : i32 to vector<1024x256xi32>
    %add3A_414 = arith.addi %add3A_411, %add3A_413 : vector<1024x256xi32>
    %add3A_415 = arith.addi %add3A_408, %add3A_414 : vector<1024x256xi32>
    %shift_left3A_416 = arith.constant 13 : i32
    %shift_left3A_417 = vector.broadcast %shift_left3A_416 : i32 to vector<1024x256xi32>
    %shift_left3A_418 = arith.shli %add3A_414, %shift_left3A_417 : vector<1024x256xi32>
    %shift_right_logical3A_419 = arith.constant 19 : i32
    %shift_right_logical3A_420 = vector.broadcast %shift_right_logical3A_419 : i32 to vector<1024x256xi32>
    %shift_right_logical3A_421 = arith.shrui %add3A_414, %shift_right_logical3A_420 : vector<1024x256xi32>
    %or3A_422 = arith.ori %shift_left3A_418, %shift_right_logical3A_421 : vector<1024x256xi32>
    %xor3A_423 = arith.xori %or3A_422, %add3A_415 : vector<1024x256xi32>
    %add3A_424 = arith.addi %add3A_415, %xor3A_423 : vector<1024x256xi32>
    %shift_left3A_425 = arith.constant 15 : i32
    %shift_left3A_426 = vector.broadcast %shift_left3A_425 : i32 to vector<1024x256xi32>
    %shift_left3A_427 = arith.shli %xor3A_423, %shift_left3A_426 : vector<1024x256xi32>
    %shift_right_logical3A_428 = arith.constant 17 : i32
    %shift_right_logical3A_429 = vector.broadcast %shift_right_logical3A_428 : i32 to vector<1024x256xi32>
    %shift_right_logical3A_430 = arith.shrui %xor3A_423, %shift_right_logical3A_429 : vector<1024x256xi32>
    %or3A_431 = arith.ori %shift_left3A_427, %shift_right_logical3A_430 : vector<1024x256xi32>
    %xor3A_432 = arith.xori %or3A_431, %add3A_424 : vector<1024x256xi32>
    %add3A_433 = arith.addi %add3A_424, %xor3A_432 : vector<1024x256xi32>
    %shift_left3A_434 = arith.constant 26 : i32
    %shift_left3A_435 = vector.broadcast %shift_left3A_434 : i32 to vector<1024x256xi32>
    %shift_left3A_436 = arith.shli %xor3A_432, %shift_left3A_435 : vector<1024x256xi32>
    %shift_right_logical3A_437 = arith.constant 6 : i32
    %shift_right_logical3A_438 = vector.broadcast %shift_right_logical3A_437 : i32 to vector<1024x256xi32>
    %shift_right_logical3A_439 = arith.shrui %xor3A_432, %shift_right_logical3A_438 : vector<1024x256xi32>
    %or3A_440 = arith.ori %shift_left3A_436, %shift_right_logical3A_439 : vector<1024x256xi32>
    %xor3A_441 = arith.xori %or3A_440, %add3A_433 : vector<1024x256xi32>
    %add3A_442 = arith.addi %add3A_433, %xor3A_441 : vector<1024x256xi32>
    %shift_left3A_443 = arith.constant 6 : i32
    %shift_left3A_444 = vector.broadcast %shift_left3A_443 : i32 to vector<1024x256xi32>
    %shift_left3A_445 = arith.shli %xor3A_441, %shift_left3A_444 : vector<1024x256xi32>
    %shift_right_logical3A_446 = arith.constant 26 : i32
    %shift_right_logical3A_447 = vector.broadcast %shift_right_logical3A_446 : i32 to vector<1024x256xi32>
    %shift_right_logical3A_448 = arith.shrui %xor3A_441, %shift_right_logical3A_447 : vector<1024x256xi32>
    %or3A_449 = arith.ori %shift_left3A_445, %shift_right_logical3A_448 : vector<1024x256xi32>
    %xor3A_450 = arith.xori %or3A_449, %add3A_442 : vector<1024x256xi32>
    %add3A_451 = arith.constant 0 : i32
    %add3A_452 = vector.broadcast %add3A_451 : i32 to vector<1024x256xi32>
    %add3A_453 = arith.addi %add3A_442, %add3A_452 : vector<1024x256xi32>
    %add3A_454 = arith.constant 42 : i32
    %add3A_455 = vector.broadcast %add3A_454 : i32 to vector<1024x256xi32>
    %add3A_456 = arith.addi %xor3A_450, %add3A_455 : vector<1024x256xi32>
    %add3A_457 = arith.constant 3 : i32
    %add3A_458 = vector.broadcast %add3A_457 : i32 to vector<1024x256xi32>
    %add3A_459 = arith.addi %add3A_456, %add3A_458 : vector<1024x256xi32>
    %add3A_460 = arith.addi %add3A_453, %add3A_459 : vector<1024x256xi32>
    %shift_left3A_461 = arith.constant 17 : i32
    %shift_left3A_462 = vector.broadcast %shift_left3A_461 : i32 to vector<1024x256xi32>
    %shift_left3A_463 = arith.shli %add3A_459, %shift_left3A_462 : vector<1024x256xi32>
    %shift_right_logical3A_464 = arith.constant 15 : i32
    %shift_right_logical3A_465 = vector.broadcast %shift_right_logical3A_464 : i32 to vector<1024x256xi32>
    %shift_right_logical3A_466 = arith.shrui %add3A_459, %shift_right_logical3A_465 : vector<1024x256xi32>
    %or3A_467 = arith.ori %shift_left3A_463, %shift_right_logical3A_466 : vector<1024x256xi32>
    %xor3A_468 = arith.xori %or3A_467, %add3A_460 : vector<1024x256xi32>
    %add3A_469 = arith.addi %add3A_460, %xor3A_468 : vector<1024x256xi32>
    %shift_left3A_470 = arith.constant 29 : i32
    %shift_left3A_471 = vector.broadcast %shift_left3A_470 : i32 to vector<1024x256xi32>
    %shift_left3A_472 = arith.shli %xor3A_468, %shift_left3A_471 : vector<1024x256xi32>
    %shift_right_logical3A_473 = arith.constant 3 : i32
    %shift_right_logical3A_474 = vector.broadcast %shift_right_logical3A_473 : i32 to vector<1024x256xi32>
    %shift_right_logical3A_475 = arith.shrui %xor3A_468, %shift_right_logical3A_474 : vector<1024x256xi32>
    %or3A_476 = arith.ori %shift_left3A_472, %shift_right_logical3A_475 : vector<1024x256xi32>
    %xor3A_477 = arith.xori %or3A_476, %add3A_469 : vector<1024x256xi32>
    %add3A_478 = arith.addi %add3A_469, %xor3A_477 : vector<1024x256xi32>
    %shift_left3A_479 = arith.constant 16 : i32
    %shift_left3A_480 = vector.broadcast %shift_left3A_479 : i32 to vector<1024x256xi32>
    %shift_left3A_481 = arith.shli %xor3A_477, %shift_left3A_480 : vector<1024x256xi32>
    %shift_right_logical3A_482 = arith.constant 16 : i32
    %shift_right_logical3A_483 = vector.broadcast %shift_right_logical3A_482 : i32 to vector<1024x256xi32>
    %shift_right_logical3A_484 = arith.shrui %xor3A_477, %shift_right_logical3A_483 : vector<1024x256xi32>
    %or3A_485 = arith.ori %shift_left3A_481, %shift_right_logical3A_484 : vector<1024x256xi32>
    %xor3A_486 = arith.xori %or3A_485, %add3A_478 : vector<1024x256xi32>
    %add3A_487 = arith.addi %add3A_478, %xor3A_486 : vector<1024x256xi32>
    %shift_left3A_488 = arith.constant 24 : i32
    %shift_left3A_489 = vector.broadcast %shift_left3A_488 : i32 to vector<1024x256xi32>
    %shift_left3A_490 = arith.shli %xor3A_486, %shift_left3A_489 : vector<1024x256xi32>
    %shift_right_logical3A_491 = arith.constant 8 : i32
    %shift_right_logical3A_492 = vector.broadcast %shift_right_logical3A_491 : i32 to vector<1024x256xi32>
    %shift_right_logical3A_493 = arith.shrui %xor3A_486, %shift_right_logical3A_492 : vector<1024x256xi32>
    %or3A_494 = arith.ori %shift_left3A_490, %shift_right_logical3A_493 : vector<1024x256xi32>
    %xor3A_495 = arith.xori %or3A_494, %add3A_487 : vector<1024x256xi32>
    %add3A_496 = arith.constant 42 : i32
    %add3A_497 = vector.broadcast %add3A_496 : i32 to vector<1024x256xi32>
    %add3A_498 = arith.addi %add3A_487, %add3A_497 : vector<1024x256xi32>
    %add3A_499 = arith.constant 466689008 : i32
    %add3A_500 = vector.broadcast %add3A_499 : i32 to vector<1024x256xi32>
    %add3A_501 = arith.addi %xor3A_495, %add3A_500 : vector<1024x256xi32>
    %add3A_502 = arith.constant 4 : i32
    %add3A_503 = vector.broadcast %add3A_502 : i32 to vector<1024x256xi32>
    %add3A_504 = arith.addi %add3A_501, %add3A_503 : vector<1024x256xi32>
    %add3A_505 = arith.addi %add3A_498, %add3A_504 : vector<1024x256xi32>
    %shift_left3A_506 = arith.constant 13 : i32
    %shift_left3A_507 = vector.broadcast %shift_left3A_506 : i32 to vector<1024x256xi32>
    %shift_left3A_508 = arith.shli %add3A_504, %shift_left3A_507 : vector<1024x256xi32>
    %shift_right_logical3A_509 = arith.constant 19 : i32
    %shift_right_logical3A_510 = vector.broadcast %shift_right_logical3A_509 : i32 to vector<1024x256xi32>
    %shift_right_logical3A_511 = arith.shrui %add3A_504, %shift_right_logical3A_510 : vector<1024x256xi32>
    %or3A_512 = arith.ori %shift_left3A_508, %shift_right_logical3A_511 : vector<1024x256xi32>
    %xor3A_513 = arith.xori %or3A_512, %add3A_505 : vector<1024x256xi32>
    %add3A_514 = arith.addi %add3A_505, %xor3A_513 : vector<1024x256xi32>
    %shift_left3A_515 = arith.constant 15 : i32
    %shift_left3A_516 = vector.broadcast %shift_left3A_515 : i32 to vector<1024x256xi32>
    %shift_left3A_517 = arith.shli %xor3A_513, %shift_left3A_516 : vector<1024x256xi32>
    %shift_right_logical3A_518 = arith.constant 17 : i32
    %shift_right_logical3A_519 = vector.broadcast %shift_right_logical3A_518 : i32 to vector<1024x256xi32>
    %shift_right_logical3A_520 = arith.shrui %xor3A_513, %shift_right_logical3A_519 : vector<1024x256xi32>
    %or3A_521 = arith.ori %shift_left3A_517, %shift_right_logical3A_520 : vector<1024x256xi32>
    %xor3A_522 = arith.xori %or3A_521, %add3A_514 : vector<1024x256xi32>
    %add3A_523 = arith.addi %add3A_514, %xor3A_522 : vector<1024x256xi32>
    %shift_left3A_524 = arith.constant 26 : i32
    %shift_left3A_525 = vector.broadcast %shift_left3A_524 : i32 to vector<1024x256xi32>
    %shift_left3A_526 = arith.shli %xor3A_522, %shift_left3A_525 : vector<1024x256xi32>
    %shift_right_logical3A_527 = arith.constant 6 : i32
    %shift_right_logical3A_528 = vector.broadcast %shift_right_logical3A_527 : i32 to vector<1024x256xi32>
    %shift_right_logical3A_529 = arith.shrui %xor3A_522, %shift_right_logical3A_528 : vector<1024x256xi32>
    %or3A_530 = arith.ori %shift_left3A_526, %shift_right_logical3A_529 : vector<1024x256xi32>
    %xor3A_531 = arith.xori %or3A_530, %add3A_523 : vector<1024x256xi32>
    %add3A_532 = arith.addi %add3A_523, %xor3A_531 : vector<1024x256xi32>
    %shift_left3A_533 = arith.constant 6 : i32
    %shift_left3A_534 = vector.broadcast %shift_left3A_533 : i32 to vector<1024x256xi32>
    %shift_left3A_535 = arith.shli %xor3A_531, %shift_left3A_534 : vector<1024x256xi32>
    %shift_right_logical3A_536 = arith.constant 26 : i32
    %shift_right_logical3A_537 = vector.broadcast %shift_right_logical3A_536 : i32 to vector<1024x256xi32>
    %shift_right_logical3A_538 = arith.shrui %xor3A_531, %shift_right_logical3A_537 : vector<1024x256xi32>
    %or3A_539 = arith.ori %shift_left3A_535, %shift_right_logical3A_538 : vector<1024x256xi32>
    %xor3A_540 = arith.xori %or3A_539, %add3A_532 : vector<1024x256xi32>
    %add3A_541 = arith.constant 466689008 : i32
    %add3A_542 = vector.broadcast %add3A_541 : i32 to vector<1024x256xi32>
    %add3A_543 = arith.addi %add3A_532, %add3A_542 : vector<1024x256xi32>
    %add3A_544 = arith.constant 0 : i32
    %add3A_545 = vector.broadcast %add3A_544 : i32 to vector<1024x256xi32>
    %add3A_546 = arith.addi %xor3A_540, %add3A_545 : vector<1024x256xi32>
    %add3A_547 = arith.constant 5 : i32
    %add3A_548 = vector.broadcast %add3A_547 : i32 to vector<1024x256xi32>
    %add3A_549 = arith.addi %add3A_546, %add3A_548 : vector<1024x256xi32>
    %xor3A_550 = arith.xori %add3A_543, %add3A_549 : vector<1024x256xi32>
    %shift_right_logical3A_551 = arith.constant 9 : i32
    %shift_right_logical3A_552 = vector.broadcast %shift_right_logical3A_551 : i32 to vector<1024x256xi32>
    %shift_right_logical3A_553 = arith.shrui %xor3A_550, %shift_right_logical3A_552 : vector<1024x256xi32>
    %or3A_554 = arith.constant 1065353216 : i32
    %or3A_555 = vector.broadcast %or3A_554 : i32 to vector<1024x256xi32>
    %or3A_556 = arith.ori %shift_right_logical3A_553, %or3A_555 : vector<1024x256xi32>
    %bitcast_convert_type3A_557 = tpu.bitcast %or3A_556 : vector<1024x256xi32> -> vector<1024x256xf32>
    %sub3A_558 = arith.constant 1.000000e+00 : f32
    %sub3A_559 = vector.broadcast %sub3A_558 : f32 to vector<1024x256xf32>
    %sub3A_560 = arith.subf %bitcast_convert_type3A_557, %sub3A_559 : vector<1024x256xf32>
    %add3A_561 = arith.constant 1.17549435E-38 : f32
    %add3A_562 = vector.broadcast %add3A_561 : f32 to vector<1024x256xf32>
    %add3A_563 = arith.addf %sub3A_560, %add3A_562 : vector<1024x256xf32>
    %log3A_564 = math.log %add3A_563 : vector<1024x256xf32>
    %neg3A_565 = arith.constant 0.000000e+00 : f32
    %neg3A_566 = vector.broadcast %neg3A_565 : f32 to vector<1024x256xf32>
    %neg3A_567 = arith.subf %neg3A_566, %log3A_564 : vector<1024x256xf32>
    %add3A_568 = arith.constant 2 : i32
    %add3A_569 = vector.broadcast %add3A_568 : i32 to vector<1024x256xi32>
    %add3A_570 = arith.addi %add3A_70, %add3A_569 : vector<1024x256xi32>
    %broadcast_in_dim3A_571 = arith.constant 0 : i32
    %broadcast_in_dim3A_572 = vector.broadcast %broadcast_in_dim3A_571 : i32 to vector<1024x256xi32>
    %add3A_573 = arith.constant 0 : i32
    %add3A_574 = vector.broadcast %add3A_573 : i32 to vector<1024x256xi32>
    %add3A_575 = arith.addi %broadcast_in_dim3A_572, %add3A_574 : vector<1024x256xi32>
    %add3A_576 = arith.constant 42 : i32
    %add3A_577 = vector.broadcast %add3A_576 : i32 to vector<1024x256xi32>
    %add3A_578 = arith.addi %add3A_570, %add3A_577 : vector<1024x256xi32>
    %add3A_579 = arith.addi %add3A_575, %add3A_578 : vector<1024x256xi32>
    %shift_left3A_580 = arith.constant 13 : i32
    %shift_left3A_581 = vector.broadcast %shift_left3A_580 : i32 to vector<1024x256xi32>
    %shift_left3A_582 = arith.shli %add3A_578, %shift_left3A_581 : vector<1024x256xi32>
    %shift_right_logical3A_583 = arith.constant 19 : i32
    %shift_right_logical3A_584 = vector.broadcast %shift_right_logical3A_583 : i32 to vector<1024x256xi32>
    %shift_right_logical3A_585 = arith.shrui %add3A_578, %shift_right_logical3A_584 : vector<1024x256xi32>
    %or3A_586 = arith.ori %shift_left3A_582, %shift_right_logical3A_585 : vector<1024x256xi32>
    %xor3A_587 = arith.xori %or3A_586, %add3A_579 : vector<1024x256xi32>
    %add3A_588 = arith.addi %add3A_579, %xor3A_587 : vector<1024x256xi32>
    %shift_left3A_589 = arith.constant 15 : i32
    %shift_left3A_590 = vector.broadcast %shift_left3A_589 : i32 to vector<1024x256xi32>
    %shift_left3A_591 = arith.shli %xor3A_587, %shift_left3A_590 : vector<1024x256xi32>
    %shift_right_logical3A_592 = arith.constant 17 : i32
    %shift_right_logical3A_593 = vector.broadcast %shift_right_logical3A_592 : i32 to vector<1024x256xi32>
    %shift_right_logical3A_594 = arith.shrui %xor3A_587, %shift_right_logical3A_593 : vector<1024x256xi32>
    %or3A_595 = arith.ori %shift_left3A_591, %shift_right_logical3A_594 : vector<1024x256xi32>
    %xor3A_596 = arith.xori %or3A_595, %add3A_588 : vector<1024x256xi32>
    %add3A_597 = arith.addi %add3A_588, %xor3A_596 : vector<1024x256xi32>
    %shift_left3A_598 = arith.constant 26 : i32
    %shift_left3A_599 = vector.broadcast %shift_left3A_598 : i32 to vector<1024x256xi32>
    %shift_left3A_600 = arith.shli %xor3A_596, %shift_left3A_599 : vector<1024x256xi32>
    %shift_right_logical3A_601 = arith.constant 6 : i32
    %shift_right_logical3A_602 = vector.broadcast %shift_right_logical3A_601 : i32 to vector<1024x256xi32>
    %shift_right_logical3A_603 = arith.shrui %xor3A_596, %shift_right_logical3A_602 : vector<1024x256xi32>
    %or3A_604 = arith.ori %shift_left3A_600, %shift_right_logical3A_603 : vector<1024x256xi32>
    %xor3A_605 = arith.xori %or3A_604, %add3A_597 : vector<1024x256xi32>
    %add3A_606 = arith.addi %add3A_597, %xor3A_605 : vector<1024x256xi32>
    %shift_left3A_607 = arith.constant 6 : i32
    %shift_left3A_608 = vector.broadcast %shift_left3A_607 : i32 to vector<1024x256xi32>
    %shift_left3A_609 = arith.shli %xor3A_605, %shift_left3A_608 : vector<1024x256xi32>
    %shift_right_logical3A_610 = arith.constant 26 : i32
    %shift_right_logical3A_611 = vector.broadcast %shift_right_logical3A_610 : i32 to vector<1024x256xi32>
    %shift_right_logical3A_612 = arith.shrui %xor3A_605, %shift_right_logical3A_611 : vector<1024x256xi32>
    %or3A_613 = arith.ori %shift_left3A_609, %shift_right_logical3A_612 : vector<1024x256xi32>
    %xor3A_614 = arith.xori %or3A_613, %add3A_606 : vector<1024x256xi32>
    %add3A_615 = arith.constant 42 : i32
    %add3A_616 = vector.broadcast %add3A_615 : i32 to vector<1024x256xi32>
    %add3A_617 = arith.addi %add3A_606, %add3A_616 : vector<1024x256xi32>
    %add3A_618 = arith.constant 466689008 : i32
    %add3A_619 = vector.broadcast %add3A_618 : i32 to vector<1024x256xi32>
    %add3A_620 = arith.addi %xor3A_614, %add3A_619 : vector<1024x256xi32>
    %add3A_621 = arith.constant 1 : i32
    %add3A_622 = vector.broadcast %add3A_621 : i32 to vector<1024x256xi32>
    %add3A_623 = arith.addi %add3A_620, %add3A_622 : vector<1024x256xi32>
    %add3A_624 = arith.addi %add3A_617, %add3A_623 : vector<1024x256xi32>
    %shift_left3A_625 = arith.constant 17 : i32
    %shift_left3A_626 = vector.broadcast %shift_left3A_625 : i32 to vector<1024x256xi32>
    %shift_left3A_627 = arith.shli %add3A_623, %shift_left3A_626 : vector<1024x256xi32>
    %shift_right_logical3A_628 = arith.constant 15 : i32
    %shift_right_logical3A_629 = vector.broadcast %shift_right_logical3A_628 : i32 to vector<1024x256xi32>
    %shift_right_logical3A_630 = arith.shrui %add3A_623, %shift_right_logical3A_629 : vector<1024x256xi32>
    %or3A_631 = arith.ori %shift_left3A_627, %shift_right_logical3A_630 : vector<1024x256xi32>
    %xor3A_632 = arith.xori %or3A_631, %add3A_624 : vector<1024x256xi32>
    %add3A_633 = arith.addi %add3A_624, %xor3A_632 : vector<1024x256xi32>
    %shift_left3A_634 = arith.constant 29 : i32
    %shift_left3A_635 = vector.broadcast %shift_left3A_634 : i32 to vector<1024x256xi32>
    %shift_left3A_636 = arith.shli %xor3A_632, %shift_left3A_635 : vector<1024x256xi32>
    %shift_right_logical3A_637 = arith.constant 3 : i32
    %shift_right_logical3A_638 = vector.broadcast %shift_right_logical3A_637 : i32 to vector<1024x256xi32>
    %shift_right_logical3A_639 = arith.shrui %xor3A_632, %shift_right_logical3A_638 : vector<1024x256xi32>
    %or3A_640 = arith.ori %shift_left3A_636, %shift_right_logical3A_639 : vector<1024x256xi32>
    %xor3A_641 = arith.xori %or3A_640, %add3A_633 : vector<1024x256xi32>
    %add3A_642 = arith.addi %add3A_633, %xor3A_641 : vector<1024x256xi32>
    %shift_left3A_643 = arith.constant 16 : i32
    %shift_left3A_644 = vector.broadcast %shift_left3A_643 : i32 to vector<1024x256xi32>
    %shift_left3A_645 = arith.shli %xor3A_641, %shift_left3A_644 : vector<1024x256xi32>
    %shift_right_logical3A_646 = arith.constant 16 : i32
    %shift_right_logical3A_647 = vector.broadcast %shift_right_logical3A_646 : i32 to vector<1024x256xi32>
    %shift_right_logical3A_648 = arith.shrui %xor3A_641, %shift_right_logical3A_647 : vector<1024x256xi32>
    %or3A_649 = arith.ori %shift_left3A_645, %shift_right_logical3A_648 : vector<1024x256xi32>
    %xor3A_650 = arith.xori %or3A_649, %add3A_642 : vector<1024x256xi32>
    %add3A_651 = arith.addi %add3A_642, %xor3A_650 : vector<1024x256xi32>
    %shift_left3A_652 = arith.constant 24 : i32
    %shift_left3A_653 = vector.broadcast %shift_left3A_652 : i32 to vector<1024x256xi32>
    %shift_left3A_654 = arith.shli %xor3A_650, %shift_left3A_653 : vector<1024x256xi32>
    %shift_right_logical3A_655 = arith.constant 8 : i32
    %shift_right_logical3A_656 = vector.broadcast %shift_right_logical3A_655 : i32 to vector<1024x256xi32>
    %shift_right_logical3A_657 = arith.shrui %xor3A_650, %shift_right_logical3A_656 : vector<1024x256xi32>
    %or3A_658 = arith.ori %shift_left3A_654, %shift_right_logical3A_657 : vector<1024x256xi32>
    %xor3A_659 = arith.xori %or3A_658, %add3A_651 : vector<1024x256xi32>
    %add3A_660 = arith.constant 466689008 : i32
    %add3A_661 = vector.broadcast %add3A_660 : i32 to vector<1024x256xi32>
    %add3A_662 = arith.addi %add3A_651, %add3A_661 : vector<1024x256xi32>
    %add3A_663 = arith.constant 0 : i32
    %add3A_664 = vector.broadcast %add3A_663 : i32 to vector<1024x256xi32>
    %add3A_665 = arith.addi %xor3A_659, %add3A_664 : vector<1024x256xi32>
    %add3A_666 = arith.constant 2 : i32
    %add3A_667 = vector.broadcast %add3A_666 : i32 to vector<1024x256xi32>
    %add3A_668 = arith.addi %add3A_665, %add3A_667 : vector<1024x256xi32>
    %add3A_669 = arith.addi %add3A_662, %add3A_668 : vector<1024x256xi32>
    %shift_left3A_670 = arith.constant 13 : i32
    %shift_left3A_671 = vector.broadcast %shift_left3A_670 : i32 to vector<1024x256xi32>
    %shift_left3A_672 = arith.shli %add3A_668, %shift_left3A_671 : vector<1024x256xi32>
    %shift_right_logical3A_673 = arith.constant 19 : i32
    %shift_right_logical3A_674 = vector.broadcast %shift_right_logical3A_673 : i32 to vector<1024x256xi32>
    %shift_right_logical3A_675 = arith.shrui %add3A_668, %shift_right_logical3A_674 : vector<1024x256xi32>
    %or3A_676 = arith.ori %shift_left3A_672, %shift_right_logical3A_675 : vector<1024x256xi32>
    %xor3A_677 = arith.xori %or3A_676, %add3A_669 : vector<1024x256xi32>
    %add3A_678 = arith.addi %add3A_669, %xor3A_677 : vector<1024x256xi32>
    %shift_left3A_679 = arith.constant 15 : i32
    %shift_left3A_680 = vector.broadcast %shift_left3A_679 : i32 to vector<1024x256xi32>
    %shift_left3A_681 = arith.shli %xor3A_677, %shift_left3A_680 : vector<1024x256xi32>
    %shift_right_logical3A_682 = arith.constant 17 : i32
    %shift_right_logical3A_683 = vector.broadcast %shift_right_logical3A_682 : i32 to vector<1024x256xi32>
    %shift_right_logical3A_684 = arith.shrui %xor3A_677, %shift_right_logical3A_683 : vector<1024x256xi32>
    %or3A_685 = arith.ori %shift_left3A_681, %shift_right_logical3A_684 : vector<1024x256xi32>
    %xor3A_686 = arith.xori %or3A_685, %add3A_678 : vector<1024x256xi32>
    %add3A_687 = arith.addi %add3A_678, %xor3A_686 : vector<1024x256xi32>
    %shift_left3A_688 = arith.constant 26 : i32
    %shift_left3A_689 = vector.broadcast %shift_left3A_688 : i32 to vector<1024x256xi32>
    %shift_left3A_690 = arith.shli %xor3A_686, %shift_left3A_689 : vector<1024x256xi32>
    %shift_right_logical3A_691 = arith.constant 6 : i32
    %shift_right_logical3A_692 = vector.broadcast %shift_right_logical3A_691 : i32 to vector<1024x256xi32>
    %shift_right_logical3A_693 = arith.shrui %xor3A_686, %shift_right_logical3A_692 : vector<1024x256xi32>
    %or3A_694 = arith.ori %shift_left3A_690, %shift_right_logical3A_693 : vector<1024x256xi32>
    %xor3A_695 = arith.xori %or3A_694, %add3A_687 : vector<1024x256xi32>
    %add3A_696 = arith.addi %add3A_687, %xor3A_695 : vector<1024x256xi32>
    %shift_left3A_697 = arith.constant 6 : i32
    %shift_left3A_698 = vector.broadcast %shift_left3A_697 : i32 to vector<1024x256xi32>
    %shift_left3A_699 = arith.shli %xor3A_695, %shift_left3A_698 : vector<1024x256xi32>
    %shift_right_logical3A_700 = arith.constant 26 : i32
    %shift_right_logical3A_701 = vector.broadcast %shift_right_logical3A_700 : i32 to vector<1024x256xi32>
    %shift_right_logical3A_702 = arith.shrui %xor3A_695, %shift_right_logical3A_701 : vector<1024x256xi32>
    %or3A_703 = arith.ori %shift_left3A_699, %shift_right_logical3A_702 : vector<1024x256xi32>
    %xor3A_704 = arith.xori %or3A_703, %add3A_696 : vector<1024x256xi32>
    %add3A_705 = arith.constant 0 : i32
    %add3A_706 = vector.broadcast %add3A_705 : i32 to vector<1024x256xi32>
    %add3A_707 = arith.addi %add3A_696, %add3A_706 : vector<1024x256xi32>
    %add3A_708 = arith.constant 42 : i32
    %add3A_709 = vector.broadcast %add3A_708 : i32 to vector<1024x256xi32>
    %add3A_710 = arith.addi %xor3A_704, %add3A_709 : vector<1024x256xi32>
    %add3A_711 = arith.constant 3 : i32
    %add3A_712 = vector.broadcast %add3A_711 : i32 to vector<1024x256xi32>
    %add3A_713 = arith.addi %add3A_710, %add3A_712 : vector<1024x256xi32>
    %add3A_714 = arith.addi %add3A_707, %add3A_713 : vector<1024x256xi32>
    %shift_left3A_715 = arith.constant 17 : i32
    %shift_left3A_716 = vector.broadcast %shift_left3A_715 : i32 to vector<1024x256xi32>
    %shift_left3A_717 = arith.shli %add3A_713, %shift_left3A_716 : vector<1024x256xi32>
    %shift_right_logical3A_718 = arith.constant 15 : i32
    %shift_right_logical3A_719 = vector.broadcast %shift_right_logical3A_718 : i32 to vector<1024x256xi32>
    %shift_right_logical3A_720 = arith.shrui %add3A_713, %shift_right_logical3A_719 : vector<1024x256xi32>
    %or3A_721 = arith.ori %shift_left3A_717, %shift_right_logical3A_720 : vector<1024x256xi32>
    %xor3A_722 = arith.xori %or3A_721, %add3A_714 : vector<1024x256xi32>
    %add3A_723 = arith.addi %add3A_714, %xor3A_722 : vector<1024x256xi32>
    %shift_left3A_724 = arith.constant 29 : i32
    %shift_left3A_725 = vector.broadcast %shift_left3A_724 : i32 to vector<1024x256xi32>
    %shift_left3A_726 = arith.shli %xor3A_722, %shift_left3A_725 : vector<1024x256xi32>
    %shift_right_logical3A_727 = arith.constant 3 : i32
    %shift_right_logical3A_728 = vector.broadcast %shift_right_logical3A_727 : i32 to vector<1024x256xi32>
    %shift_right_logical3A_729 = arith.shrui %xor3A_722, %shift_right_logical3A_728 : vector<1024x256xi32>
    %or3A_730 = arith.ori %shift_left3A_726, %shift_right_logical3A_729 : vector<1024x256xi32>
    %xor3A_731 = arith.xori %or3A_730, %add3A_723 : vector<1024x256xi32>
    %add3A_732 = arith.addi %add3A_723, %xor3A_731 : vector<1024x256xi32>
    %shift_left3A_733 = arith.constant 16 : i32
    %shift_left3A_734 = vector.broadcast %shift_left3A_733 : i32 to vector<1024x256xi32>
    %shift_left3A_735 = arith.shli %xor3A_731, %shift_left3A_734 : vector<1024x256xi32>
    %shift_right_logical3A_736 = arith.constant 16 : i32
    %shift_right_logical3A_737 = vector.broadcast %shift_right_logical3A_736 : i32 to vector<1024x256xi32>
    %shift_right_logical3A_738 = arith.shrui %xor3A_731, %shift_right_logical3A_737 : vector<1024x256xi32>
    %or3A_739 = arith.ori %shift_left3A_735, %shift_right_logical3A_738 : vector<1024x256xi32>
    %xor3A_740 = arith.xori %or3A_739, %add3A_732 : vector<1024x256xi32>
    %add3A_741 = arith.addi %add3A_732, %xor3A_740 : vector<1024x256xi32>
    %shift_left3A_742 = arith.constant 24 : i32
    %shift_left3A_743 = vector.broadcast %shift_left3A_742 : i32 to vector<1024x256xi32>
    %shift_left3A_744 = arith.shli %xor3A_740, %shift_left3A_743 : vector<1024x256xi32>
    %shift_right_logical3A_745 = arith.constant 8 : i32
    %shift_right_logical3A_746 = vector.broadcast %shift_right_logical3A_745 : i32 to vector<1024x256xi32>
    %shift_right_logical3A_747 = arith.shrui %xor3A_740, %shift_right_logical3A_746 : vector<1024x256xi32>
    %or3A_748 = arith.ori %shift_left3A_744, %shift_right_logical3A_747 : vector<1024x256xi32>
    %xor3A_749 = arith.xori %or3A_748, %add3A_741 : vector<1024x256xi32>
    %add3A_750 = arith.constant 42 : i32
    %add3A_751 = vector.broadcast %add3A_750 : i32 to vector<1024x256xi32>
    %add3A_752 = arith.addi %add3A_741, %add3A_751 : vector<1024x256xi32>
    %add3A_753 = arith.constant 466689008 : i32
    %add3A_754 = vector.broadcast %add3A_753 : i32 to vector<1024x256xi32>
    %add3A_755 = arith.addi %xor3A_749, %add3A_754 : vector<1024x256xi32>
    %add3A_756 = arith.constant 4 : i32
    %add3A_757 = vector.broadcast %add3A_756 : i32 to vector<1024x256xi32>
    %add3A_758 = arith.addi %add3A_755, %add3A_757 : vector<1024x256xi32>
    %add3A_759 = arith.addi %add3A_752, %add3A_758 : vector<1024x256xi32>
    %shift_left3A_760 = arith.constant 13 : i32
    %shift_left3A_761 = vector.broadcast %shift_left3A_760 : i32 to vector<1024x256xi32>
    %shift_left3A_762 = arith.shli %add3A_758, %shift_left3A_761 : vector<1024x256xi32>
    %shift_right_logical3A_763 = arith.constant 19 : i32
    %shift_right_logical3A_764 = vector.broadcast %shift_right_logical3A_763 : i32 to vector<1024x256xi32>
    %shift_right_logical3A_765 = arith.shrui %add3A_758, %shift_right_logical3A_764 : vector<1024x256xi32>
    %or3A_766 = arith.ori %shift_left3A_762, %shift_right_logical3A_765 : vector<1024x256xi32>
    %xor3A_767 = arith.xori %or3A_766, %add3A_759 : vector<1024x256xi32>
    %add3A_768 = arith.addi %add3A_759, %xor3A_767 : vector<1024x256xi32>
    %shift_left3A_769 = arith.constant 15 : i32
    %shift_left3A_770 = vector.broadcast %shift_left3A_769 : i32 to vector<1024x256xi32>
    %shift_left3A_771 = arith.shli %xor3A_767, %shift_left3A_770 : vector<1024x256xi32>
    %shift_right_logical3A_772 = arith.constant 17 : i32
    %shift_right_logical3A_773 = vector.broadcast %shift_right_logical3A_772 : i32 to vector<1024x256xi32>
    %shift_right_logical3A_774 = arith.shrui %xor3A_767, %shift_right_logical3A_773 : vector<1024x256xi32>
    %or3A_775 = arith.ori %shift_left3A_771, %shift_right_logical3A_774 : vector<1024x256xi32>
    %xor3A_776 = arith.xori %or3A_775, %add3A_768 : vector<1024x256xi32>
    %add3A_777 = arith.addi %add3A_768, %xor3A_776 : vector<1024x256xi32>
    %shift_left3A_778 = arith.constant 26 : i32
    %shift_left3A_779 = vector.broadcast %shift_left3A_778 : i32 to vector<1024x256xi32>
    %shift_left3A_780 = arith.shli %xor3A_776, %shift_left3A_779 : vector<1024x256xi32>
    %shift_right_logical3A_781 = arith.constant 6 : i32
    %shift_right_logical3A_782 = vector.broadcast %shift_right_logical3A_781 : i32 to vector<1024x256xi32>
    %shift_right_logical3A_783 = arith.shrui %xor3A_776, %shift_right_logical3A_782 : vector<1024x256xi32>
    %or3A_784 = arith.ori %shift_left3A_780, %shift_right_logical3A_783 : vector<1024x256xi32>
    %xor3A_785 = arith.xori %or3A_784, %add3A_777 : vector<1024x256xi32>
    %add3A_786 = arith.addi %add3A_777, %xor3A_785 : vector<1024x256xi32>
    %shift_left3A_787 = arith.constant 6 : i32
    %shift_left3A_788 = vector.broadcast %shift_left3A_787 : i32 to vector<1024x256xi32>
    %shift_left3A_789 = arith.shli %xor3A_785, %shift_left3A_788 : vector<1024x256xi32>
    %shift_right_logical3A_790 = arith.constant 26 : i32
    %shift_right_logical3A_791 = vector.broadcast %shift_right_logical3A_790 : i32 to vector<1024x256xi32>
    %shift_right_logical3A_792 = arith.shrui %xor3A_785, %shift_right_logical3A_791 : vector<1024x256xi32>
    %or3A_793 = arith.ori %shift_left3A_789, %shift_right_logical3A_792 : vector<1024x256xi32>
    %xor3A_794 = arith.xori %or3A_793, %add3A_786 : vector<1024x256xi32>
    %add3A_795 = arith.constant 466689008 : i32
    %add3A_796 = vector.broadcast %add3A_795 : i32 to vector<1024x256xi32>
    %add3A_797 = arith.addi %add3A_786, %add3A_796 : vector<1024x256xi32>
    %add3A_798 = arith.constant 0 : i32
    %add3A_799 = vector.broadcast %add3A_798 : i32 to vector<1024x256xi32>
    %add3A_800 = arith.addi %xor3A_794, %add3A_799 : vector<1024x256xi32>
    %add3A_801 = arith.constant 5 : i32
    %add3A_802 = vector.broadcast %add3A_801 : i32 to vector<1024x256xi32>
    %add3A_803 = arith.addi %add3A_800, %add3A_802 : vector<1024x256xi32>
    %xor3A_804 = arith.xori %add3A_797, %add3A_803 : vector<1024x256xi32>
    %shift_right_logical3A_805 = arith.constant 9 : i32
    %shift_right_logical3A_806 = vector.broadcast %shift_right_logical3A_805 : i32 to vector<1024x256xi32>
    %shift_right_logical3A_807 = arith.shrui %xor3A_804, %shift_right_logical3A_806 : vector<1024x256xi32>
    %or3A_808 = arith.constant 1065353216 : i32
    %or3A_809 = vector.broadcast %or3A_808 : i32 to vector<1024x256xi32>
    %or3A_810 = arith.ori %shift_right_logical3A_807, %or3A_809 : vector<1024x256xi32>
    %bitcast_convert_type3A_811 = tpu.bitcast %or3A_810 : vector<1024x256xi32> -> vector<1024x256xf32>
    %sub3A_812 = arith.constant 1.000000e+00 : f32
    %sub3A_813 = vector.broadcast %sub3A_812 : f32 to vector<1024x256xf32>
    %sub3A_814 = arith.subf %bitcast_convert_type3A_811, %sub3A_813 : vector<1024x256xf32>
    %add3A_815 = arith.constant 1.17549435E-38 : f32
    %add3A_816 = vector.broadcast %add3A_815 : f32 to vector<1024x256xf32>
    %add3A_817 = arith.addf %sub3A_814, %add3A_816 : vector<1024x256xf32>
    %log3A_818 = math.log %add3A_817 : vector<1024x256xf32>
    %neg3A_819 = arith.constant 0.000000e+00 : f32
    %neg3A_820 = vector.broadcast %neg3A_819 : f32 to vector<1024x256xf32>
    %neg3A_821 = arith.subf %neg3A_820, %log3A_818 : vector<1024x256xf32>
    %slice3A = vector.extract_strided_slice %add3A_54 {offsets = [0, 0], sizes = [1024, 1], strides = [1, 1]} : vector<1024x3xf32> to vector<1024x1xf32>
    %slice3A_822 = vector.extract_strided_slice %add3A_54 {offsets = [0, 1], sizes = [1024, 1], strides = [1, 1]} : vector<1024x3xf32> to vector<1024x1xf32>
    %slice3A_823 = vector.extract_strided_slice %add3A_54 {offsets = [0, 2], sizes = [1024, 1], strides = [1, 1]} : vector<1024x3xf32> to vector<1024x1xf32>
    %mul3A_824 = vector.broadcast %slice3A : vector<1024x1xf32> to vector<1024x256xf32>
    %mul3A_825 = arith.mulf %mul3A_824, %neg3A_567 : vector<1024x256xf32>
    %mul3A_826 = vector.broadcast %slice3A_822 : vector<1024x1xf32> to vector<1024x256xf32>
    %mul3A_827 = arith.mulf %mul3A_826, %neg3A_313 : vector<1024x256xf32>
    %ge3A = arith.cmpf oge, %mul3A_825, %mul3A_827 : vector<1024x256xf32>
    %mul3A_828 = vector.broadcast %slice3A : vector<1024x1xf32> to vector<1024x256xf32>
    %mul3A_829 = arith.mulf %mul3A_828, %neg3A_821 : vector<1024x256xf32>
    %mul3A_830 = vector.broadcast %slice3A_823 : vector<1024x1xf32> to vector<1024x256xf32>
    %mul3A_831 = arith.mulf %mul3A_830, %neg3A_313 : vector<1024x256xf32>
    %ge3A_832 = arith.cmpf oge, %mul3A_829, %mul3A_831 : vector<1024x256xf32>
    %and3A = arith.andi %ge3A, %ge3A_832 : vector<1024x256xi1>
    %mul3A_833 = vector.broadcast %slice3A_822 : vector<1024x1xf32> to vector<1024x256xf32>
    %mul3A_834 = arith.mulf %mul3A_833, %neg3A_821 : vector<1024x256xf32>
    %mul3A_835 = vector.broadcast %slice3A_823 : vector<1024x1xf32> to vector<1024x256xf32>
    %mul3A_836 = arith.mulf %mul3A_835, %neg3A_567 : vector<1024x256xf32>
    %ge3A_837 = arith.cmpf oge, %mul3A_834, %mul3A_836 : vector<1024x256xf32>
    %select_n3A = arith.select %ge3A_837, %max3A_27, %max3A_43 : vector<1024x256xi1>, vector<1024x256xf32>
    %select_n3A_838 = arith.select %and3A, %max3A_11, %select_n3A : vector<1024x256xi1>, vector<1024x256xf32>
    %swap3A = arith.constant 0 : index
    %swap3A_839 = arith.constant 0 : index
    %swap3A_840 = vector.load %arg10[%swap3A, %swap3A_839] : memref<1024x256xf32, #tpu.memory_space<vmem>>, vector<1024x256xf32>
    tpu.vector_store %arg10[%swap3A, %swap3A_839], %select_n3A_838 {strides = array<i32>} : memref<1024x256xf32, #tpu.memory_space<vmem>>, vector<1024x256xf32>,
    return
  }
  func.func @transform_0(%arg0: i32) -> (i32, i32) {
    %add3A = arith.constant 4 : i32
    %add3A_0 = arith.addi %arg0, %add3A : i32
    %c0_i32 = arith.constant 0 : i32
    %c0_i32_1 = arith.constant 0 : i32
    return %add3A_0, %c0_i32 : i32, i32
  }
  func.func @transform_1(%arg0: i32) -> (i32, i32) {
    %add3A = arith.constant 4 : i32
    %add3A_0 = arith.addi %arg0, %add3A : i32
    %c0_i32 = arith.constant 0 : i32
    %c0_i32_1 = arith.constant 0 : i32
    return %add3A_0, %c0_i32 : i32, i32
  }
  func.func @transform_2(%arg0: i32) -> (i32, i32) {
    %add3A = arith.constant 4 : i32
    %add3A_0 = arith.addi %arg0, %add3A : i32
    %c0_i32 = arith.constant 0 : i32
    %c0_i32_1 = arith.constant 0 : i32
    return %add3A_0, %c0_i32 : i32, i32
  }
  func.func @transform_3(%arg0: i32) -> (i32, i32) {
    %add3A = arith.constant 4 : i32
    %add3A_0 = arith.addi %arg0, %add3A : i32
    %c0_i32 = arith.constant 0 : i32
    %c0_i32_1 = arith.constant 0 : i32
    return %add3A_0, %c0_i32 : i32, i32
  }
  func.func @transform_4(%arg0: i32) -> (i32, i32) {
    %add3A = arith.constant 4 : i32
    %add3A_0 = arith.addi %arg0, %add3A : i32
    %c0_i32 = arith.constant 0 : i32
    %c0_i32_1 = arith.constant 0 : i32
    return %add3A_0, %c0_i32 : i32, i32
  }
  func.func @transform_5(%arg0: i32) -> (i32, i32) {
    %c0_i32 = arith.constant 0 : i32
    %c0_i32_0 = arith.constant 0 : i32
    %c0_i32_1 = arith.constant 0 : i32
    return %c0_i32, %c0_i32_0 : i32, i32
  }
  func.func @transform_6(%arg0: i32) -> (i32, i32) {
    %c0_i32 = arith.constant 0 : i32
    %c0_i32_0 = arith.constant 0 : i32
    %c0_i32_1 = arith.constant 0 : i32
    return %c0_i32, %c0_i32_0 : i32, i32
  }
  func.func @transform_7(%arg0: i32) -> (i32, i32) {
    %c0_i32 = arith.constant 0 : i32
    %c0_i32_0 = arith.constant 0 : i32
    %c0_i32_1 = arith.constant 0 : i32
    return %c0_i32, %c0_i32_0 : i32, i32
  }
  func.func @transform_8(%arg0: i32) -> (i32, i32) {
    %c0_i32 = arith.constant 0 : i32
    %c0_i32_0 = arith.constant 0 : i32
    %c0_i32_1 = arith.constant 0 : i32
    return %c0_i32, %c0_i32_0 : i32, i32
  }
  func.func @transform_9(%arg0: i32) -> (i32, i32) {
    %add3A = arith.constant 4 : i32
    %add3A_0 = arith.addi %arg0, %add3A : i32
    %c0_i32 = arith.constant 0 : i32
    %c0_i32_1 = arith.constant 0 : i32
    return %add3A_0, %c0_i32 : i32, i32
  }
}

module attributes {stable_mosaic.version = 14 : i64} {
  func.func @_lo_kernel(%arg0: i32, %arg1: memref<1024x512xf32, #tpu.memory_space<vmem>>, %arg2: memref<1024x256xf32, #tpu.memory_space<vmem>>, %arg3: memref<1024x128xf32, #tpu.memory_space<vmem>>, %arg4: memref<1024x3xf32, #tpu.memory_space<vmem>>, %arg5: memref<1024x3xf32, #tpu.memory_space<vmem>>, %arg6: memref<256x512xf32, #tpu.memory_space<vmem>>, %arg7: memref<256x256xf32, #tpu.memory_space<vmem>>, %arg8: memref<256x128xf32, #tpu.memory_space<vmem>>, %arg9: memref<3x256xf32, #tpu.memory_space<vmem>>, %arg10: memref<1024x256xf32, #tpu.memory_space<vmem>>, %arg11: memref<1024x256xf32, #tpu.memory_space<vmem>>, %arg12: memref<1024x256xf32, #tpu.memory_space<vmem>>, %arg13: memref<16384x256xf32, #tpu.memory_space<hbm>>, %arg14: memref<1024x256xf32, #tpu.memory_space<vmem>>) attributes {dimension_semantics = [#tpu.dimension_semantics<parallel>], iteration_bounds = array<i64: 4>, scalar_prefetch = 0 : i64, scratch_operands = 0 : i64, tpu.core_type = #tpu.core_type<tc>, window_params = [{transform_indices = @transform_0, window_bounds = array<i64: 1024, 512>}, {transform_indices = @transform_1, window_bounds = array<i64: 1024, 256>}, {transform_indices = @transform_2, window_bounds = array<i64: 1024, 128>}, {transform_indices = @transform_3, window_bounds = array<i64: 1024, 3>}, {transform_indices = @transform_4, window_bounds = array<i64: 1024, 3>}, {pipeline_mode = #tpu.pipeline_mode<synchronous>, transform_indices = @transform_5, window_bounds = array<i64: 256, 512>}, {pipeline_mode = #tpu.pipeline_mode<synchronous>, transform_indices = @transform_6, window_bounds = array<i64: 256, 256>}, {pipeline_mode = #tpu.pipeline_mode<synchronous>, transform_indices = @transform_7, window_bounds = array<i64: 256, 128>}, {pipeline_mode = #tpu.pipeline_mode<synchronous>, transform_indices = @transform_8, window_bounds = array<i64: 3, 256>}, {transform_indices = @transform_9, window_bounds = array<i64: 1024, 256>}, {transform_indices = @transform_10, window_bounds = array<i64: 1024, 256>}, {transform_indices = @transform_11, window_bounds = array<i64: 1024, 256>}, {}, {transform_indices = @transform_13, window_bounds = array<i64: 1024, 256>}]} {
    %get3A = arith.constant 0 : index
    %get3A_0 = arith.constant 0 : index
    %get3A_1 = vector.load %arg1[%get3A, %get3A_0] : memref<1024x512xf32, #tpu.memory_space<vmem>>, vector<1024x512xf32>
    %get3A_2 = arith.constant 0 : index
    %get3A_3 = arith.constant 0 : index
    %get3A_4 = vector.load %arg6[%get3A_2, %get3A_3] : memref<256x512xf32, #tpu.memory_space<vmem>>, vector<256x512xf32>
    %dot_general3A = arith.constant dense<0.000000e+00> : vector<1024x256xf32>
    %dot_general3A_5 = tpu.matmul %get3A_1, %get3A_4, %dot_general3A {dimension_numbers = #tpu.dot_dimension_numbers<[1], [1], [0], [0], [0, 0, 1, 0], [], []>, transpose_lhs_hint = false} : vector<1024x512xf32>, vector<256x512xf32>, vector<1024x256xf32> -> vector<1024x256xf32>
    %get3A_6 = arith.constant 0 : index
    %get3A_7 = arith.constant 0 : index
    %get3A_8 = vector.load %arg9[%get3A_6, %get3A_7] : memref<3x256xf32, #tpu.memory_space<vmem>>, vector<1x256xf32>
    %add3A = vector.broadcast %get3A_8 : vector<1x256xf32> to vector<1024x256xf32>
    %add3A_9 = arith.addf %dot_general3A_5, %add3A : vector<1024x256xf32>
    %max3A = arith.constant 0.000000e+00 : f32
    %max3A_10 = vector.broadcast %max3A : f32 to vector<1024x256xf32>
    %max3A_11 = arith.maximumf %add3A_9, %max3A_10 : vector<1024x256xf32>
    %get3A_12 = arith.constant 0 : index
    %get3A_13 = arith.constant 0 : index
    %get3A_14 = vector.load %arg2[%get3A_12, %get3A_13] : memref<1024x256xf32, #tpu.memory_space<vmem>>, vector<1024x256xf32>
    %get3A_15 = arith.constant 0 : index
    %get3A_16 = arith.constant 0 : index
    %get3A_17 = vector.load %arg7[%get3A_15, %get3A_16] : memref<256x256xf32, #tpu.memory_space<vmem>>, vector<256x256xf32>
    %dot_general3A_18 = arith.constant dense<0.000000e+00> : vector<1024x256xf32>
    %dot_general3A_19 = tpu.matmul %get3A_14, %get3A_17, %dot_general3A_18 {dimension_numbers = #tpu.dot_dimension_numbers<[1], [1], [0], [0], [0, 0, 1, 0], [], []>, transpose_lhs_hint = false} : vector<1024x256xf32>, vector<256x256xf32>, vector<1024x256xf32> -> vector<1024x256xf32>
    %get3A_20 = arith.constant 1 : index
    %get3A_21 = arith.constant 0 : index
    %get3A_22 = vector.load %arg9[%get3A_20, %get3A_21] : memref<3x256xf32, #tpu.memory_space<vmem>>, vector<1x256xf32>
    %add3A_23 = vector.broadcast %get3A_22 : vector<1x256xf32> to vector<1024x256xf32>
    %add3A_24 = arith.addf %dot_general3A_19, %add3A_23 : vector<1024x256xf32>
    %max3A_25 = arith.constant 0.000000e+00 : f32
    %max3A_26 = vector.broadcast %max3A_25 : f32 to vector<1024x256xf32>
    %max3A_27 = arith.maximumf %add3A_24, %max3A_26 : vector<1024x256xf32>
    %get3A_28 = arith.constant 0 : index
    %get3A_29 = arith.constant 0 : index
    %get3A_30 = vector.load %arg3[%get3A_28, %get3A_29] : memref<1024x128xf32, #tpu.memory_space<vmem>>, vector<1024x128xf32>
    %get3A_31 = arith.constant 0 : index
    %get3A_32 = arith.constant 0 : index
    %get3A_33 = vector.load %arg8[%get3A_31, %get3A_32] : memref<256x128xf32, #tpu.memory_space<vmem>>, vector<256x128xf32>
    %dot_general3A_34 = arith.constant dense<0.000000e+00> : vector<1024x256xf32>
    %dot_general3A_35 = tpu.matmul %get3A_30, %get3A_33, %dot_general3A_34 {dimension_numbers = #tpu.dot_dimension_numbers<[1], [1], [0], [0], [0, 0, 1, 0], [], []>, transpose_lhs_hint = false} : vector<1024x128xf32>, vector<256x128xf32>, vector<1024x256xf32> -> vector<1024x256xf32>
    %get3A_36 = arith.constant 2 : index
    %get3A_37 = arith.constant 0 : index
    %get3A_38 = vector.load %arg9[%get3A_36, %get3A_37] : memref<3x256xf32, #tpu.memory_space<vmem>>, vector<1x256xf32>
    %add3A_39 = vector.broadcast %get3A_38 : vector<1x256xf32> to vector<1024x256xf32>
    %add3A_40 = arith.addf %dot_general3A_35, %add3A_39 : vector<1024x256xf32>
    %max3A_41 = arith.constant 0.000000e+00 : f32
    %max3A_42 = vector.broadcast %max3A_41 : f32 to vector<1024x256xf32>
    %max3A_43 = arith.maximumf %add3A_40, %max3A_42 : vector<1024x256xf32>
    %get3A_44 = arith.constant 0 : index
    %get3A_45 = arith.constant 0 : index
    %get3A_46 = vector.load %arg4[%get3A_44, %get3A_45] : memref<1024x3xf32, #tpu.memory_space<vmem>>, vector<1024x3xf32>
    %get3A_47 = arith.constant 0 : index
    %get3A_48 = arith.constant 0 : index
    %get3A_49 = vector.load %arg5[%get3A_47, %get3A_48] : memref<1024x3xf32, #tpu.memory_space<vmem>>, vector<1024x3xf32>
    %mul3A = arith.mulf %get3A_46, %get3A_49 : vector<1024x3xf32>
    %reduce_sum3A = arith.constant dense<0.000000e+00> : vector<1024xf32>
    %reduce_sum3A_50 = vector.multi_reduction <add>, %mul3A, %reduce_sum3A [1] : vector<1024x3xf32> to vector<1024xf32>
    %broadcast_in_dim3A = vector.shape_cast %reduce_sum3A_50 : vector<1024xf32> to vector<1024x1xf32>
    %div3A = vector.broadcast %broadcast_in_dim3A : vector<1024x1xf32> to vector<1024x3xf32>
    %div3A_51 = arith.divf %mul3A, %div3A : vector<1024x3xf32>
    %add3A_52 = arith.constant 9.99999968E-21 : f32
    %add3A_53 = vector.broadcast %add3A_52 : f32 to vector<1024x3xf32>
    %add3A_54 = arith.addf %div3A_51, %add3A_53 : vector<1024x3xf32>
    %get3A_55 = arith.constant 0 : index
    %get3A_56 = arith.constant 0 : index
    %get3A_57 = vector.load %arg10[%get3A_55, %get3A_56] : memref<1024x256xf32, #tpu.memory_space<vmem>>, vector<1024x256xf32>
    %log3A = math.log %get3A_57 : vector<1024x256xf32>
    %neg3A = arith.constant 0.000000e+00 : f32
    %neg3A_58 = vector.broadcast %neg3A : f32 to vector<1024x256xf32>
    %neg3A_59 = arith.subf %neg3A_58, %log3A : vector<1024x256xf32>
    %get3A_60 = arith.constant 0 : index
    %get3A_61 = arith.constant 0 : index
    %get3A_62 = vector.load %arg11[%get3A_60, %get3A_61] : memref<1024x256xf32, #tpu.memory_space<vmem>>, vector<1024x256xf32>
    %log3A_63 = math.log %get3A_62 : vector<1024x256xf32>
    %neg3A_64 = arith.constant 0.000000e+00 : f32
    %neg3A_65 = vector.broadcast %neg3A_64 : f32 to vector<1024x256xf32>
    %neg3A_66 = arith.subf %neg3A_65, %log3A_63 : vector<1024x256xf32>
    %get3A_67 = arith.constant 0 : index
    %get3A_68 = arith.constant 0 : index
    %get3A_69 = vector.load %arg12[%get3A_67, %get3A_68] : memref<1024x256xf32, #tpu.memory_space<vmem>>, vector<1024x256xf32>
    %log3A_70 = math.log %get3A_69 : vector<1024x256xf32>
    %neg3A_71 = arith.constant 0.000000e+00 : f32
    %neg3A_72 = vector.broadcast %neg3A_71 : f32 to vector<1024x256xf32>
    %neg3A_73 = arith.subf %neg3A_72, %log3A_70 : vector<1024x256xf32>
    %slice3A = vector.extract_strided_slice %add3A_54 {offsets = [0, 0], sizes = [1024, 1], strides = [1, 1]} : vector<1024x3xf32> to vector<1024x1xf32>
    %slice3A_74 = vector.extract_strided_slice %add3A_54 {offsets = [0, 1], sizes = [1024, 1], strides = [1, 1]} : vector<1024x3xf32> to vector<1024x1xf32>
    %slice3A_75 = vector.extract_strided_slice %add3A_54 {offsets = [0, 2], sizes = [1024, 1], strides = [1, 1]} : vector<1024x3xf32> to vector<1024x1xf32>
    %mul3A_76 = vector.broadcast %slice3A : vector<1024x1xf32> to vector<1024x256xf32>
    %mul3A_77 = arith.mulf %mul3A_76, %neg3A_66 : vector<1024x256xf32>
    %mul3A_78 = vector.broadcast %slice3A_74 : vector<1024x1xf32> to vector<1024x256xf32>
    %mul3A_79 = arith.mulf %mul3A_78, %neg3A_59 : vector<1024x256xf32>
    %ge3A = arith.cmpf oge, %mul3A_77, %mul3A_79 : vector<1024x256xf32>
    %mul3A_80 = vector.broadcast %slice3A : vector<1024x1xf32> to vector<1024x256xf32>
    %mul3A_81 = arith.mulf %mul3A_80, %neg3A_73 : vector<1024x256xf32>
    %mul3A_82 = vector.broadcast %slice3A_75 : vector<1024x1xf32> to vector<1024x256xf32>
    %mul3A_83 = arith.mulf %mul3A_82, %neg3A_59 : vector<1024x256xf32>
    %ge3A_84 = arith.cmpf oge, %mul3A_81, %mul3A_83 : vector<1024x256xf32>
    %and3A = arith.andi %ge3A, %ge3A_84 : vector<1024x256xi1>
    %mul3A_85 = vector.broadcast %slice3A_74 : vector<1024x1xf32> to vector<1024x256xf32>
    %mul3A_86 = arith.mulf %mul3A_85, %neg3A_73 : vector<1024x256xf32>
    %mul3A_87 = vector.broadcast %slice3A_75 : vector<1024x1xf32> to vector<1024x256xf32>
    %mul3A_88 = arith.mulf %mul3A_87, %neg3A_66 : vector<1024x256xf32>
    %ge3A_89 = arith.cmpf oge, %mul3A_86, %mul3A_88 : vector<1024x256xf32>
    %select_n3A = arith.select %ge3A_89, %max3A_27, %max3A_43 : vector<1024x256xi1>, vector<1024x256xf32>
    %select_n3A_90 = arith.select %and3A, %max3A_11, %select_n3A : vector<1024x256xi1>, vector<1024x256xf32>
    %swap3A = arith.constant 0 : index
    %swap3A_91 = arith.constant 0 : index
    %swap3A_92 = vector.load %arg14[%swap3A, %swap3A_91] : memref<1024x256xf32, #tpu.memory_space<vmem>>, vector<1024x256xf32>
    tpu.vector_store %arg14[%swap3A, %swap3A_91], %select_n3A_90 {strides = array<i32>} : memref<1024x256xf32, #tpu.memory_space<vmem>>, vector<1024x256xf32>,
    return
  }
  func.func @transform_0(%arg0: i32) -> (i32, i32) {
    %add3A = arith.constant 0 : i32
    %add3A_0 = arith.addi %arg0, %add3A : i32
    %c0_i32 = arith.constant 0 : i32
    %c0_i32_1 = arith.constant 0 : i32
    return %add3A_0, %c0_i32 : i32, i32
  }
  func.func @transform_1(%arg0: i32) -> (i32, i32) {
    %add3A = arith.constant 0 : i32
    %add3A_0 = arith.addi %arg0, %add3A : i32
    %c0_i32 = arith.constant 0 : i32
    %c0_i32_1 = arith.constant 0 : i32
    return %add3A_0, %c0_i32 : i32, i32
  }
  func.func @transform_2(%arg0: i32) -> (i32, i32) {
    %add3A = arith.constant 0 : i32
    %add3A_0 = arith.addi %arg0, %add3A : i32
    %c0_i32 = arith.constant 0 : i32
    %c0_i32_1 = arith.constant 0 : i32
    return %add3A_0, %c0_i32 : i32, i32
  }
  func.func @transform_3(%arg0: i32) -> (i32, i32) {
    %add3A = arith.constant 0 : i32
    %add3A_0 = arith.addi %arg0, %add3A : i32
    %c0_i32 = arith.constant 0 : i32
    %c0_i32_1 = arith.constant 0 : i32
    return %add3A_0, %c0_i32 : i32, i32
  }
  func.func @transform_4(%arg0: i32) -> (i32, i32) {
    %add3A = arith.constant 0 : i32
    %add3A_0 = arith.addi %arg0, %add3A : i32
    %c0_i32 = arith.constant 0 : i32
    %c0_i32_1 = arith.constant 0 : i32
    return %add3A_0, %c0_i32 : i32, i32
  }
  func.func @transform_5(%arg0: i32) -> (i32, i32) {
    %c0_i32 = arith.constant 0 : i32
    %c0_i32_0 = arith.constant 0 : i32
    %c0_i32_1 = arith.constant 0 : i32
    return %c0_i32, %c0_i32_0 : i32, i32
  }
  func.func @transform_6(%arg0: i32) -> (i32, i32) {
    %c0_i32 = arith.constant 0 : i32
    %c0_i32_0 = arith.constant 0 : i32
    %c0_i32_1 = arith.constant 0 : i32
    return %c0_i32, %c0_i32_0 : i32, i32
  }
  func.func @transform_7(%arg0: i32) -> (i32, i32) {
    %c0_i32 = arith.constant 0 : i32
    %c0_i32_0 = arith.constant 0 : i32
    %c0_i32_1 = arith.constant 0 : i32
    return %c0_i32, %c0_i32_0 : i32, i32
  }
  func.func @transform_8(%arg0: i32) -> (i32, i32) {
    %c0_i32 = arith.constant 0 : i32
    %c0_i32_0 = arith.constant 0 : i32
    %c0_i32_1 = arith.constant 0 : i32
    return %c0_i32, %c0_i32_0 : i32, i32
  }
  func.func @transform_9(%arg0: i32) -> (i32, i32) {
    %c0_i32 = arith.constant 0 : i32
    %c0_i32_0 = arith.constant 0 : i32
    return %arg0, %c0_i32 : i32, i32
  }
  func.func @transform_10(%arg0: i32) -> (i32, i32) {
    %c0_i32 = arith.constant 0 : i32
    %c0_i32_0 = arith.constant 0 : i32
    return %arg0, %c0_i32 : i32, i32
  }
  func.func @transform_11(%arg0: i32) -> (i32, i32) {
    %c0_i32 = arith.constant 0 : i32
    %c0_i32_0 = arith.constant 0 : i32
    return %arg0, %c0_i32 : i32, i32
  }
  func.func @transform_13(%arg0: i32) -> (i32, i32) {
    %c0_i32 = arith.constant 0 : i32
    %c0_i32_0 = arith.constant 0 : i32
    return %arg0, %c0_i32 : i32, i32
  }
}

</mosaic_0001>

<sc_bundles>
// kernel: kernel.5.cloned.1.call-start
scs
__scs_entry_jumppad:
0x0: {  	(pc) =	sbr.rel $0x88, $3  }
0x1: {  	(tag) =	ssettag $0x0;
	lr =	simm.s32 $0x1  }
0x2: {  	[smem:$0x3F96] =	sst lr;
	_ =	strace $0xD0000000  }
0x3: {  	_ = 	snop  }
0x4: {  	_ = 	snop  }
0x5: {  	_ = 	snop  }
0x6: {  	_ = 	snop  }
0x7: {  	_ = 	snop  }
__scs_overlays_trampoline_lowered:
0x8: {  	[smem:$0x3FA5] =	sst s0  }
0x9: {  	[smem:$0x3FA6] =	sst s1  }
0xa: {  	[smem:$0x3FA7] =	sst s2  }
0xb: {  	[smem:$0x3FA8] =	sst s3  }
0xc: {  	[smem:$0x3FA9] =	sst s4  }
0xd: {  	[smem:$0x3FAA] =	sst s5  }
0xe: {  	[smem:$0x3FAB] =	sst s6  }
0xf: {  	[smem:$0x3FAC] =	sst s7  }
0x10: {  	[smem:$0x3FAD] =	sst s8  }
0x11: {  	[smem:$0x3FAE] =	sst s9;
	s0 =	simm.s32 @!p0 $0x0  }
0x12: {  	s1 =	sld [smem:$0x3F94];
	s0 =	simm.s32 @p0 $0x1  }
0x13: {  	[smem:$0x3FAF] =	sst s0;
	s0 =	simm.s32 @!p1 $0x0  }
0x14: {  	s2 =	sld [smem:$0x3F93];
	s0 =	simm.s32 @p1 $0x1  }
0x15: {  	[smem:$0x3FB0] =	sst s0;
	s0 =	simm.s32 @!p2 $0x0  }
0x16: {  	s3 =	sld [smem:$0x3FDB];
	s0 =	simm.s32 @p2 $0x1  }
0x17: {  	s4 =	simm.s32 $0x1BF5;
	[smem:$0x3FB2] =	sst s0  }
0x18: {  	s0 =	sld [smem:$0x3F95];
	_ =	swait.ge [sflag:s4], $0x0  }
0x19: {  	s7 =	sld [smem:$0x3F96]  }
0x1a: {  	s8 =	sadd.s32 $0xFFFFE003, lr  }
0x1b: {  	s9 =	sadd.s32 $0xFFFFFEF7, lr;
	s5 =	simm.s32 $0xFFFFFFFF;
	p2 =	slt.u32 s8, $0xFFFFF086  }
0x1c: {  	p1 =	slt.u32 s9, $0xF7A;
	s5 =	simm.s32 @!p2 $0x0  }
0x1d: {  	s5 =	simm.s32 @p1 $0x1;
	p0 =	seq.s32 s7, s2  }
0x1e: {  	s7 =	smul.u32 @!p0 $0xF7A, s2;
	p2 =	seq.s32 @!p0 s5, $0x0  }
0x1f: {  	s9 =	smul.u32 $0xF7A, s1;
	s8 =	simm.s32 @!p0 $0x1BF5;
	p2 =	por !p2, p0  }
0x20: {  	[sflag:s8] =	ssyncset.s32 @!p0 $0xFFFFF086;
	s6 =	sadd.s32 @!p0 s3, s7;
	s7 =	simm.s32 @!p0 $0x108  }
0x21: {  	s3 =	sadd.s32 s3, s9;
	s6 =	sadd.s32 @!p0 $0x88, s6;
	s7 =	simm.s32 @p2 $0x1082  }
0x22: {  	[simem:s7], [sflag:s8] =	dma.local @!p0 [hbm:s6], $0xF7A  }
0x23: {  	s9 =	sor.u32 $0xD0000000, s2;
	s6 =	simm.s32 $0x108;
	_ =	swait.ge @!p0 [sflag:s8], $0x0  }
0x24: {  	s3 =	sadd.s32 $0x88, s3;
	s6 =	simm.s32 @!p1 $0x1082;
	[sflag:s4] =	ssyncset.s32 $0xFFFFF086  }
0x25: {  	[simem:s6], [sflag:s4] =	dma.local [hbm:s3], $0xF7A  }
0x26: {  	[smem:$0x3F96] =	sst s1;
	(tag) =	ssettag s2;
	_ =	strace s9  }
0x27: {  	s1 =	sld [smem:$0x3FA6]  }
0x28: {  	s2 =	sld [smem:$0x3FA7]  }
0x29: {  	s4 =	sld [smem:$0x3FA9]  }
0x2a: {  	p0 =	seq.s32 s5, $0x0;
	s5 =	sld [smem:$0x3FAA]  }
0x2b: {  	s6 =	sld [smem:$0x3FAB]  }
0x2c: {  	s7 =	sld [smem:$0x3FAC]  }
0x2d: {  	s3 =	simm.s32 $0x108;
	s8 =	sld [smem:$0x3FAD]  }
0x2e: {  	s3 =	simm.s32 @!p0 $0x1082;
	s9 =	sld [smem:$0x3FAE]  }
0x2f: {  	lr =	sadd.s32 s0, s3;
	s0 =	sld [smem:$0x3FA5]  }
0x30: {  	s3 =	sld [smem:$0x3FA8]  }
0x31: {  	[smem:$0x3FB1] =	sst s10  }
0x32: {  	s10 =	sld [smem:$0x3FAF];
	_ =	sdelay $0x3  }
0x33: {  	p0 =	seq.s32 s10, $0x1;
	s10 =	sld [smem:$0x3FB1];
	_ =	sdelay $0x3  }
0x34: {  	[smem:$0x3FB1] =	sst s10  }
0x35: {  	s10 =	sld [smem:$0x3FB0];
	_ =	sdelay $0x3  }
0x36: {  	p1 =	seq.s32 s10, $0x1;
	s10 =	sld [smem:$0x3FB1];
	_ =	sdelay $0x3  }
0x37: {  	[smem:$0x3FB1] =	sst s10  }
0x38: {  	s10 =	sld [smem:$0x3FB2]  }
0x39: {  	_ = 	snop;
	(pc) =	sbr.ind lr, $3  }
0x3a: {  	_ = 	snop  }
0x3b: {  	_ = 	snop  }
0x3c: {  	p2 =	seq.s32 s10, $0x1;
	s10 =	sld [smem:$0x3FB1]  }
0x3d: {  	_ =	shalt  }
0x3e: {  	_ =	shalt  }
0x3f: {  	_ =	shalt  }
0x40: {  	_ =	shalt  }
0x41: {  	_ =	shalt  }
0x42: {  	_ =	shalt  }
0x43: {  	_ =	shalt  }
0x44: {  	_ =	shalt  }
0x45: {  	_ =	shalt  }
0x46: {  	_ =	shalt  }
0x47: {  	_ =	shalt  }
0x48: {  	_ =	shalt  }
0x49: {  	_ =	shalt  }
0x4a: {  	_ =	shalt  }
0x4b: {  	_ =	shalt  }
0x4c: {  	_ =	shalt  }
0x4d: {  	_ =	shalt  }
0x4e: {  	_ =	shalt  }
0x4f: {  	_ =	shalt  }
0x50: {  	_ =	shalt  }
0x51: {  	_ =	shalt  }
0x52: {  	_ =	shalt  }
0x53: {  	_ =	shalt  }
0x54: {  	_ =	shalt  }
0x55: {  	_ =	shalt  }
0x56: {  	_ =	shalt  }
0x57: {  	_ =	shalt  }
0x58: {  	_ =	shalt  }
0x59: {  	_ =	shalt  }
0x5a: {  	_ =	shalt  }
0x5b: {  	_ =	shalt  }
0x5c: {  	_ =	shalt  }
0x5d: {  	_ =	shalt  }
0x5e: {  	_ =	shalt  }
0x5f: {  	_ =	shalt  }
0x60: {  	_ =	shalt  }
0x61: {  	_ =	shalt  }
0x62: {  	_ =	shalt  }
0x63: {  	_ =	shalt  }
0x64: {  	_ =	shalt  }
0x65: {  	_ =	shalt  }
0x66: {  	_ =	shalt  }
0x67: {  	_ =	shalt  }
0x68: {  	_ =	shalt  }
0x69: {  	_ =	shalt  }
0x6a: {  	_ =	shalt  }
0x6b: {  	_ =	shalt  }
0x6c: {  	_ =	shalt  }
0x6d: {  	_ =	shalt  }
0x6e: {  	_ =	shalt  }
0x6f: {  	_ =	shalt  }
0x70: {  	_ =	shalt  }
0x71: {  	_ =	shalt  }
0x72: {  	_ =	shalt  }
0x73: {  	_ =	shalt  }
0x74: {  	_ =	shalt  }
0x75: {  	_ =	shalt  }
0x76: {  	_ =	shalt  }
0x77: {  	_ =	shalt  }
0x78: {  	_ =	shalt  }
0x79: {  	_ =	shalt  }
0x7a: {  	_ =	shalt  }
0x7b: {  	_ =	shalt  }
0x7c: {  	_ =	shalt  }
0x7d: {  	_ =	shalt  }
0x7e: {  	_ =	shalt  }
0x7f: {  	_ =	shalt  }
0x80: {  	_ =	shalt  }
0x81: {  	_ =	shalt  }
0x82: {  	_ =	shalt  }
0x83: {  	_ =	shalt  }
0x84: {  	_ =	shalt  }
0x85: {  	_ =	shalt  }
0x86: {  	_ =	shalt  }
0x87: {  	_ =	shalt  }
.Lfunc_end0:
.L_simem_size_0:
called_computation_lowered:
.L_overlay_start_0:
0x88: {  	s2 =	sld [smem:$0x3FD9]  }
0x89: {  	s3 =	sld [smem:$0x3FFE];
	_ =	sdelay $0x1  }
0x8a: {  	s1 =	srdreg.scid  }
0x8b: {  	s0 =	sand.u32 $0x1, s1  }
0x8c: {  	s16 =	sshll.u32 s0, $0xA;
	s2 =	sadd.s32 s3, s2  }
0x8d: {  	s2 =	sadd.s32 s2, s16  }
0x8e: {  	[smem:$0x3FBD] =	sst s2  }
0x8f: {  	_ = 	snop  }
0x90: {  	(tm) =	ssettm $0x1  }
0x91: {  	s17 =	sld [smem:$0x3FFB];
	_ =	sdelay $0x3  }
0x92: {  	_ =	strace s17  }
0x93: {  	s2 =	sld [smem:$0x3FFC];
	_ =	sdelay $0x3  }
0x94: {  	_ =	strace s2  }
0x95: {  	s2 =	sld [smem:$0x3FFD];
	_ =	sdelay $0x3  }
0x96: {  	_ =	strace s2  }
0x97: {  	_ =	strace $0x8FFFFFFF  }
0x98: {  	s18 =	sld [smem:$0x3FDB];
	_ =	sdelay $0x1  }
0x99: {  	s19 =	simm.s32 $_scs_section_size  }
0x9a: {  	s4 =	simm.s32 $_size__tile_overlayer_lowered;
	s5 =	simm.s32 $_tile_overlayer_lowered  }
0x9b: {  	s22 =	simm.s32 $0x1BFF;
	s21 =	sshll.u32 s5, $0x1;
	s2 =	sadd.s32 s19, s18  }
0x9c: {  	s6 =	simm.s32 $0x0;
	s20 =	sshll.u32 s4, $0x1;
	s4 =	sadd.s32 s21, s2  }
0x9d: {  	[timem:s6], [sflag:s22] =	dma.local [hbm:s4], s20  }
0x9e: {  	_ =	swait.ge [sflag:s22], s20  }
0x9f: {  	s3 =	ssub.s32 $0x0, s20;
	[sflag:s22] =	ssyncset.done $0x0  }
0xa0: {  	[sflag:s22] =	ssyncadd.s32 s3;
	_ =	sdelay $0x1  }
0xa1: {  	s23 =	simm.s32 $0x1B8B  }
0xa2: {  	_ =	swait.ge [sflag:s23], $0x1  }
0xa3: {  	[sflag:s23] =	ssyncset.done $0x0  }
0xa4: {  	s25 =	simm.s32 $0x1B8E;
	s24 =	sld [smem:$0x3FFE];
	[sflag:s23] =	ssyncadd.s32 $0xFFFFFFFF  }
0xa5: {  	s26 =	simm.s32 $execute0_lowered;
	[smem:$0x3FD2] =	sst s25  }
0xa6: {  	s4 =	sshll.u32 s26, $0x1;
	_ =	strace $0x80000046;
	[dreg:$0x1] =	wrdreg $0xFFFFFFFF  }
0xa7: {  	s28 =	simm.s32 $_size_execute0_lowered;
	s2 =	sadd.s32 s2, s4;
	[dreg:$0x0] =	wrdreg $0x0  }
0xa8: {  	s4 =	sshll.u32 s28, $0x1;
	[dreg:$0x2] =	wrdreg s2  }
0xa9: {  	[dreg:$0x3] =	wrdreg s4  }
0xaa: {  	[dreg:$0x4] =	wrdreg $0xC0  }
0xab: {  	_ =	task [dreg:s6], $0x5FFFF  }
0xac: {  	[dreg:$0x1] =	wrdreg $0xFFFFFFFF  }
0xad: {  	[dreg:$0x0] =	wrdreg $0x60  }
0xae: {  	[dreg:$0x2] =	wrdreg s24  }
0xaf: {  	[dreg:$0x3] =	wrdreg $0x9  }
0xb0: {  	_ =	task.clear_ibuf [dreg:s6], $0x4FFFF;
	_ =	strace $0x90000046  }
0xb1: {  	s29 =	simm.s32 $0x9;
	_ =	strace $0x80000048  }
0xb2: {  	_ =	swait.ge [sflag:s29], $0x1  }
0xb3: {  	[sflag:s29] =	ssyncadd.s32 $0xFFFFFFFF  }
0xb4: {  	_ =	strace $0x90000048  }
0xb5: {  	_ =	sfence  }
0xb6: {  	s30 =	sld [smem:$0x0];
	_ =	sdelay $0x2  }
0xb7: {  	s31 =	sshll.u32 s1, $0xD;
	s1 =	sshrl.u32 s1, $0x2  }
0xb8: {  	s3 =	sand.u32 $0x4000, s31;
	s1 =	sadd.s32 s1, s30  }
0xb9: {  	s0 =	sor.u32 s3, s0;
	s1 =	sshll.u32 s1, $0x11  }
0xba: {  	s0 =	sor.u32 s1, s0  }
0xbb: {  	s0 =	sadd.s32 $0x8F2B, s0  }
0xbc: {  	[sflag:s0] =	ssyncadd.remote.s32 $0x1  }
0xbd: {  	_ =	sfence.sel $0xFFFF  }
0xbe: {  	[dreg:$0x0] =	wrdreg $0xFFFFFFFF;
	(pc) =	sbr.abs _section_cstart, $3  }
0xbf: {  	[dreg:$0x1] =	wrdreg $0xFFFFFFFF  }
0xc0: {  	_ =	task.clear_ibuf [dreg:s6], $0x2FFFF;
	_ =	strace $0x9FFFFFFF  }
0xc1: {  	(tm) =	ssettm $0x7FFFFFFF  }
tec
execute0_lowered:
.L_overlay_start_1:
0x0: {  	(tag) =	ssettag $0x1  }
0x1: {  	s3 =	rddreg [dreg:$0x0]  }
0x2: {  	s0 =	rddreg [dreg:$0x1];
	s4 =	srdreg.scid  }
0x3: {  	s2 =	simm.s32 $0x0;
	s1 =	stileid.u32;
	s9 =	simm.s32 $0x8000  }
0x4: {  	s10 =	simm.s32 $0x10000;
	s11 =	simm.s32 $0x0;
	s4 =	sand.u32 $0x1, s4  }
0x5: {  	[smem:$0x7FF] =	sst s2;
	s5 =	sshll.u32 s1, $0x10;
	s8 =	smul.u32 $0x30000, s1  }
0x6: {  	s6 =	sshll.u32 s4, $0xF;
	s30 =	ssub.s32 $0x2, s4;
	s31 =	smul.u32 $0x18000, s4  }
0x7: {  	v0 =	vlaneseq.u32;
	_ =	strace $0x80000047;
	s5 =	sor.u32 s6, s5;
	s7 =	sshrl.u32 s30, $0x1  }
0x8: {  	v2 =	vmul.u32 $0x3, v0;
	s5 =	sshrl.u32 s5, $0x3;
	s6 =	ssub.s32 s30, s7;
	s7 =	sadd.s32 s31, s8  }
0x9: {  	s8 =	simm.s32 $0x1;
	s5 =	sadd.s32 s5, s3;
	s6 =	smax.u32 s6, $0x1  }
0xa: {  	v0 =	vadd.s32 $0x2A, v2;
	v1 =	vadd.s32 $0x2B, v2;
	v2 =	vadd.s32 $0x2C, v2;
	s3 =	sadd.s32 $0x2400, s5;
	s4 =	sadd.s32 $0x22400, s5;
	s5 =	sadd.s32 $0x42400, s5  }
.LBB2_1:
0xb: {  	v3 =	vadd.s32 s7, v2  }
0xc: {  	v4 =	vadd.s32 s7, v0;
	v5 =	vshrl.u32 v3, $0x13;
	v6 =	vshll.u32 v3, $0xD  }
0xd: {  	v7 =	vadd.s32 s7, v1;
	v8 =	vshrl.u32 v4, $0x13;
	v5 =	vor.u32 v5, v6  }
0xe: {  	v9 =	vshrl.u32 v7, $0x13;
	v6 =	vshll.u32 v4, $0xD;
	v5 =	vxor.u32 v3, v5  }
0xf: {  	v6 =	vor.u32 v8, v6;
	v8 =	vshrl.u32 v5, $0x11;
	v10 =	vshll.u32 v5, $0xF  }
0x10: {  	v11 =	vshll.u32 v7, $0xD;
	v3 =	vadd.s32 v3, v5;
	v5 =	vor.u32 v8, v10  }
0x11: {  	v6 =	vxor.u32 v4, v6;
	v8 =	vor.u32 v9, v11;
	v5 =	vxor.u32 v3, v5  }
0x12: {  	v9 =	vshrl.u32 v6, $0x11;
	v10 =	vshrl.u32 v5, $0x6;
	v11 =	vshll.u32 v5, $0x1A  }
0x13: {  	v4 =	vadd.s32 v4, v6;
	v3 =	vadd.s32 v3, v5;
	v5 =	vor.u32 v10, v11  }
0x14: {  	v8 =	vxor.u32 v7, v8;
	v10 =	vshll.u32 v6, $0xF;
	v5 =	vxor.u32 v3, v5  }
0x15: {  	v9 =	vor.u32 v9, v10;
	v10 =	vshrl.u32 v5, $0x1A;
	v12 =	vshll.u32 v5, $0x6  }
0x16: {  	v13 =	vshll.u32 v8, $0xF;
	v3 =	vadd.s32 v3, v5;
	v5 =	vor.u32 v10, v12  }
0x17: {  	v7 =	vadd.s32 v7, v8;
	v11 =	vshrl.u32 v8, $0x11;
	v5 =	vxor.u32 v3, v5  }
0x18: {  	v6 =	vxor.u32 v4, v9;
	v10 =	vor.u32 v11, v13;
	v5 =	vadd.s32 $0x1BD11BF1, v5  }
0x19: {  	v3 =	vadd.s32 v5, v3;
	v8 =	vshrl.u32 v5, $0xF;
	v5 =	vshll.u32 v5, $0x11  }
0x1a: {  	v9 =	vshrl.u32 v6, $0x6;
	v3 =	vadd.s32 $0x2A, v3;
	v5 =	vor.u32 v8, v5  }
0x1b: {  	v4 =	vadd.s32 v4, v6;
	v8 =	vxor.u32 v7, v10;
	v5 =	vxor.u32 v3, v5  }
0x1c: {  	v10 =	vshll.u32 v6, $0x1A;
	v61 =	vshrl.u32 v5, $0x3;
	v62 =	vshll.u32 v5, $0x1D  }
0x1d: {  	v11 =	vshrl.u32 v8, $0x6;
	v3 =	vadd.s32 v3, v5;
	v5 =	vor.u32 v61, v62  }
0x1e: {  	v14 =	vshll.u32 v8, $0x1A;
	v9 =	vor.u32 v9, v10;
	v5 =	vxor.u32 v3, v5  }
0x1f: {  	v10 =	vor.u32 v11, v14;
	v6 =	vshrl.u32 v5, $0x10;
	v11 =	vshll.u32 v5, $0x10  }
0x20: {  	v7 =	vadd.s32 v7, v8;
	v3 =	vadd.s32 v3, v5;
	v5 =	vor.u32 v6, v11  }
0x21: {  	v8 =	vxor.u32 v7, v10;
	v6 =	vxor.u32 v4, v9;
	v5 =	vxor.u32 v3, v5  }
0x22: {  	v9 =	vshrl.u32 v6, $0x1A;
	v63 =	vshll.u32 v6, $0x6;
	v4 =	vadd.s32 v4, v6  }
0x23: {  	v6 =	vadd.s32 v7, v8;
	v10 =	vshrl.u32 v5, $0x8;
	v11 =	vshll.u32 v5, $0x18  }
0x24: {  	v3 =	vadd.s32 v3, v5;
	v9 =	vor.u32 v9, v63;
	v5 =	vor.u32 v10, v11  }
0x25: {  	v10 =	vshrl.u32 v8, $0x1A;
	v11 =	vshll.u32 v8, $0x6;
	v5 =	vxor.u32 v3, v5  }
0x26: {  	v7 =	vxor.u32 v4, v9;
	v10 =	vor.u32 v10, v11;
	v5 =	vadd.s32 $0x2, v5  }
0x27: {  	v3 =	vadd.s32 v5, v3;
	v11 =	vshrl.u32 v5, $0x13;
	v5 =	vshll.u32 v5, $0xD  }
0x28: {  	v7 =	vadd.s32 $0x1BD11BF1, v7;
	v3 =	vadd.s32 $0x1BD11BF0, v3;
	v5 =	vor.u32 v11, v5  }
0x29: {  	v10 =	vxor.u32 v6, v10;
	v4 =	vadd.s32 v7, v4;
	v5 =	vxor.u32 v3, v5  }
0x2a: {  	v4 =	vadd.s32 $0x2A, v4;
	v8 =	vshrl.u32 v5, $0x11;
	v9 =	vshll.u32 v5, $0xF  }
0x2b: {  	v3 =	vadd.s32 v3, v5;
	v5 =	vor.u32 v8, v9;
	v8 =	vadd.s32 $0x1BD11BF1, v10  }
0x2c: {  	v9 =	vshrl.u32 v7, $0xF;
	v7 =	vshll.u32 v7, $0x11;
	v5 =	vxor.u32 v3, v5  }
0x2d: {  	v6 =	vadd.s32 v8, v6;
	v10 =	vshrl.u32 v5, $0x6;
	v11 =	vshll.u32 v5, $0x1A  }
0x2e: {  	v7 =	vor.u32 v9, v7;
	v3 =	vadd.s32 v3, v5;
	v5 =	vor.u32 v10, v11  }
0x2f: {  	v6 =	vadd.s32 $0x2A, v6;
	v7 =	vxor.u32 v4, v7;
	v5 =	vxor.u32 v3, v5  }
0x30: {  	v10 =	vshrl.u32 v8, $0xF;
	v11 =	vshrl.u32 v5, $0x1A;
	v16 =	vshll.u32 v5, $0x6  }
0x31: {  	v8 =	vshll.u32 v8, $0x11;
	v3 =	vadd.s32 v3, v5;
	v5 =	vor.u32 v11, v16  }
0x32: {  	v9 =	vshrl.u32 v7, $0x3;
	v8 =	vor.u32 v10, v8;
	v5 =	vxor.u32 v3, v5  }
0x33: {  	v4 =	vadd.s32 v4, v7;
	v8 =	vxor.u32 v6, v8;
	v5 =	vadd.s32 $0x2D, v5  }
0x34: {  	v18 =	vshll.u32 v8, $0x1D;
	v10 =	vshrl.u32 v5, $0xF;
	v11 =	vshll.u32 v5, $0x11  }
0x35: {  	v6 =	vadd.s32 v6, v8;
	v3 =	vadd.s32 v3, v5;
	v5 =	vor.u32 v10, v11  }
0x36: {  	v10 =	vshll.u32 v7, $0x1D;
	v11 =	vshrl.u32 v8, $0x3;
	v5 =	vxor.u32 v3, v5  }
0x37: {  	v9 =	vor.u32 v9, v10;
	v10 =	vshrl.u32 v5, $0x3;
	v17 =	vshll.u32 v5, $0x1D  }
0x38: {  	v3 =	vadd.s32 v3, v5;
	v7 =	vxor.u32 v4, v9;
	v5 =	vor.u32 v10, v17  }
0x39: {  	v10 =	vor.u32 v11, v18;
	v4 =	vadd.s32 v4, v7;
	v5 =	vxor.u32 v3, v5  }
0x3a: {  	v8 =	vxor.u32 v6, v10;
	v9 =	vshrl.u32 v5, $0x10;
	v11 =	vshll.u32 v5, $0x10  }
0x3b: {  	v10 =	vshll.u32 v7, $0x10;
	v3 =	vadd.s32 v3, v5;
	v5 =	vor.u32 v9, v11  }
0x3c: {  	v20 =	vshrl.u32 v8, $0x10;
	v6 =	vadd.s32 v6, v8;
	v5 =	vxor.u32 v3, v5  }
0x3d: {  	v9 =	vshrl.u32 v7, $0x10;
	v11 =	vshrl.u32 v5, $0x8;
	v19 =	vshll.u32 v5, $0x18  }
0x3e: {  	v9 =	vor.u32 v9, v10;
	v3 =	vadd.s32 v3, v5;
	v5 =	vor.u32 v11, v19  }
0x3f: {  	v9 =	vxor.u32 v4, v9;
	v11 =	vshll.u32 v8, $0x10;
	v5 =	vxor.u32 v3, v5  }
0x40: {  	v10 =	vshll.u32 v9, $0x18;
	v7 =	vor.u32 v20, v11;
	v5 =	vadd.s32 $0x1BD11BF4, v5  }
0x41: {  	v4 =	vadd.s32 v4, v9;
	v7 =	vxor.u32 v6, v7;
	v3 =	vadd.s32 v5, v3  }
0x42: {  	v8 =	vshrl.u32 v5, $0x13;
	v5 =	vshll.u32 v5, $0xD;
	v11 =	vshrl.u32 v7, $0x8  }
0x43: {  	v23 =	vshll.u32 v7, $0x18;
	v3 =	vadd.s32 $0x2A, v3;
	v5 =	vor.u32 v8, v5  }
0x44: {  	v6 =	vadd.s32 v6, v7;
	v8 =	vshrl.u32 v9, $0x8;
	v5 =	vxor.u32 v3, v5  }
0x45: {  	v8 =	vor.u32 v8, v10;
	v21 =	vshrl.u32 v5, $0x11;
	v22 =	vshll.u32 v5, $0xF  }
0x46: {  	v10 =	vor.u32 v11, v23;
	v3 =	vadd.s32 v3, v5;
	v5 =	vor.u32 v21, v22  }
0x47: {  	v7 =	vxor.u32 v4, v8;
	v8 =	vxor.u32 v6, v10;
	v5 =	vxor.u32 v3, v5  }
0x48: {  	v7 =	vadd.s32 $0x2, v7;
	v9 =	vshrl.u32 v5, $0x6;
	v11 =	vshll.u32 v5, $0x1A  }
0x49: {  	v8 =	vadd.s32 $0x2, v8;
	v3 =	vadd.s32 v3, v5;
	v5 =	vor.u32 v9, v11  }
0x4a: {  	v4 =	vadd.s32 v7, v4;
	v6 =	vadd.s32 v8, v6;
	v5 =	vxor.u32 v3, v5  }
0x4b: {  	v4 =	vadd.s32 $0x1BD11BF0, v4;
	v9 =	vshrl.u32 v5, $0x1A;
	v10 =	vshll.u32 v5, $0x6  }
0x4c: {  	v3 =	vadd.s32 v3, v5;
	v5 =	vor.u32 v9, v10;
	v9 =	vshrl.u32 v7, $0x13  }
0x4d: {  	v7 =	vshll.u32 v7, $0xD;
	v10 =	vshrl.u32 v8, $0x13;
	v8 =	vshll.u32 v8, $0xD  }
0x4e: {  	v6 =	vadd.s32 $0x1BD11BF0, v6;
	v7 =	vor.u32 v9, v7;
	v8 =	vor.u32 v10, v8  }
0x4f: {  	v5 =	vxor.u32 v3, v5;
	v3 =	vadd.s32 $0x1BD11BF0, v3;
	v7 =	vxor.u32 v4, v7  }
0x50: {  	v8 =	vxor.u32 v6, v8;
	v5 =	vadd.s32 $0x5, v5;
	v9 =	vshrl.u32 v7, $0x11  }
0x51: {  	v10 =	vshll.u32 v7, $0xF;
	v11 =	vshrl.u32 v8, $0x11;
	v24 =	vshll.u32 v8, $0xF  }
0x52: {  	v4 =	vadd.s32 v4, v7;
	v6 =	vadd.s32 v6, v8;
	v7 =	vor.u32 v9, v10  }
0x53: {  	v3 =	vxor.u32 v3, v5;
	v9 =	vor.u32 v11, v24;
	v7 =	vxor.u32 v4, v7  }
0x54: {  	v9 =	vxor.u32 v6, v9;
	v8 =	vshrl.u32 v7, $0x6;
	v10 =	vshll.u32 v7, $0x1A  }
0x55: {  	v11 =	vshll.u32 v9, $0x1A;
	v8 =	vor.u32 v8, v10;
	v10 =	vshrl.u32 v9, $0x6  }
0x56: {  	v4 =	vadd.s32 v4, v7;
	v6 =	vadd.s32 v6, v9;
	v7 =	vor.u32 v10, v11  }
0x57: {  	v3 =	vshrl.u32 v3, $0x9;
	v8 =	vxor.u32 v4, v8;
	v7 =	vxor.u32 v6, v7  }
0x58: {  	v9 =	vshrl.u32 v8, $0x1A;
	v10 =	vshll.u32 v8, $0x6;
	v4 =	vadd.s32 v4, v8  }
0x59: {  	v11 =	vshrl.u32 v7, $0x1A;
	v8 =	vor.u32 v9, v10;
	v9 =	vshll.u32 v7, $0x6  }
0x5a: {  	v6 =	vadd.s32 v6, v7;
	v8 =	vxor.u32 v4, v8;
	v7 =	vor.u32 v11, v9  }
0x5b: {  	v3 =	vor.u32 $0x3F800000, v3;
	v8 =	vadd.s32 $0x2D, v8;
	v7 =	vxor.u32 v6, v7  }
0x5c: {  	v9 =	vshrl.u32 v8, $0xF;
	v10 =	vshll.u32 v8, $0x11;
	v7 =	vadd.s32 $0x2D, v7  }
0x5d: {  	v9 =	vor.u32 v9, v10;
	v10 =	vshrl.u32 v7, $0xF;
	v11 =	vshll.u32 v7, $0x11  }
0x5e: {  	v4 =	vadd.s32 v4, v8;
	v6 =	vadd.s32 v6, v7;
	v7 =	vor.u32 v10, v11  }
0x5f: {  	v3 =	vadd.f32 $-1.000000000e+00, v3;
	v5 =	vxor.u32 v4, v9;
	v7 =	vxor.u32 v6, v7  }
0x60: {  	v8 =	vshrl.u32 v5, $0x3;
	v9 =	vshll.u32 v5, $0x1D;
	v4 =	vadd.s32 v4, v5  }
0x61: {  	v10 =	vshrl.u32 v7, $0x3;
	v5 =	vor.u32 v8, v9;
	v8 =	vshll.u32 v7, $0x1D  }
0x62: {  	v6 =	vadd.s32 v6, v7;
	v5 =	vxor.u32 v4, v5;
	v7 =	vor.u32 v10, v8  }
0x63: {  	v8 =	vshrl.u32 v5, $0x10;
	v9 =	vshll.u32 v5, $0x10;
	v7 =	vxor.u32 v6, v7  }
0x64: {  	v4 =	vadd.s32 v4, v5;
	v8 =	vor.u32 v8, v9;
	v9 =	vshrl.u32 v7, $0x10  }
0x65: {  	v10 =	vshll.u32 v7, $0x10;
	v5 =	vadd.s32 v6, v7;
	v7 =	vxor.u32 v4, v8  }
0x66: {  	v6 =	vor.u32 v9, v10;
	v8 =	vshrl.u32 v7, $0x8;
	v9 =	vshll.u32 v7, $0x18  }
0x67: {  	v6 =	vxor.u32 v5, v6;
	v4 =	vadd.s32 v4, v7;
	v7 =	vor.u32 v8, v9  }
0x68: {  	v10 =	vshrl.u32 v6, $0x8;
	v8 =	vshll.u32 v6, $0x18;
	v7 =	vxor.u32 v4, v7  }
0x69: {  	v5 =	vadd.s32 v5, v6;
	v6 =	vor.u32 v10, v8;
	v7 =	vadd.s32 $0x1BD11BF4, v7  }
0x6a: {  	v3 =	vadd.f32 $1.175494350e-38, v3;
	v6 =	vxor.u32 v5, v6;
	v4 =	vadd.s32 v7, v4  }
0x6b: {  	v8 =	vshrl.u32 v7, $0x13;
	v6 =	vadd.s32 $0x1BD11BF4, v6;
	v7 =	vshll.u32 v7, $0xD  }
0x6c: {  	v5 =	vadd.s32 v6, v5;
	v4 =	vadd.s32 $0x2A, v4;
	v7 =	vor.u32 v8, v7  }
0x6d: {  	v9 =	vshrl.u32 v6, $0x13;
	v6 =	vshll.u32 v6, $0xD;
	v7 =	vxor.u32 v4, v7  }
0x6e: {  	v5 =	vadd.s32 $0x2A, v5;
	v6 =	vor.u32 v9, v6;
	v8 =	vshrl.u32 v7, $0x11  }
0x6f: {  	v9 =	vshll.u32 v7, $0xF;
	v6 =	vxor.u32 v5, v6;
	v4 =	vadd.s32 v4, v7  }
0x70: {  	v8 =	vor.u32 v8, v9;
	v9 =	vshrl.u32 v6, $0x11;
	v10 =	vshll.u32 v6, $0xF  }
0x71: {  	v5 =	vadd.s32 v5, v6;
	v6 =	vor.u32 v9, v10;
	v7 =	vxor.u32 v4, v8  }
0x72: {  	v6 =	vxor.u32 v5, v6;
	v8 =	vshrl.u32 v7, $0x6;
	v9 =	vshll.u32 v7, $0x1A  }
0x73: {  	v4 =	vadd.s32 v4, v7;
	v10 =	vshrl.u32 v6, $0x6;
	v7 =	vor.u32 v8, v9  }
0x74: {  	v8 =	vshll.u32 v6, $0x1A;
	v5 =	vadd.s32 v5, v6;
	v7 =	vxor.u32 v4, v7  }
0x75: {  	v6 =	vor.u32 v10, v8;
	v8 =	vshrl.u32 v7, $0x1A;
	v9 =	vshll.u32 v7, $0x6  }
0x76: {  	v6 =	vxor.u32 v5, v6;
	v4 =	vadd.s32 v4, v7;
	v8 =	vor.u32 v8, v9  }
0x77: {  	v9 =	vshrl.u32 v6, $0x1A;
	v10 =	vshll.u32 v6, $0x6;
	v5 =	vadd.s32 v5, v6  }
0x78: {  	v6 =	vor.u32 v9, v10;
	v7 =	vxor.u32 v4, v8;
	v4 =	vadd.s32 $0x1BD11BF0, v4  }
0x79: {  	s13 =	sadd.s32 $0x30, s7;
	v8 =	vadd.s32 $0x1BD11BF0, v5;
	v6 =	vxor.u32 v5, v6;
	v7 =	vadd.s32 $0x5, v7  }
0x7a: {  	v6 =	vadd.s32 $0x5, v6;
	v5 =	vxor.u32 v4, v7;
	v7 =	vadd.s32 s13, v1  }
0x7b: {  	v4 =	vxor.u32 v8, v6;
	v6 =	vadd.s32 s13, v0;
	v8 =	vadd.s32 s13, v2  }
0x7c: {  	v26 =	vshrl.u32 v7, $0x13;
	v5 =	vshrl.u32 v5, $0x9;
	v9 =	vshrl.u32 v6, $0x13  }
0x7d: {  	v10 =	vshrl.u32 v8, $0x13;
	v11 =	vshll.u32 v8, $0xD;
	v25 =	vshll.u32 v6, $0xD  }
0x7e: {  	v4 =	vshrl.u32 v4, $0x9;
	v5 =	vor.u32 $0x3F800000, v5;
	v10 =	vor.u32 v10, v11  }
0x7f: {  	v9 =	vor.u32 v9, v25;
	v11 =	vshll.u32 v7, $0xD;
	v4 =	vor.u32 $0x3F800000, v4  }
0x80: {  	v5 =	vadd.f32 $-1.000000000e+00, v5;
	v10 =	vxor.u32 v8, v10;
	v11 =	vor.u32 v26, v11  }
0x81: {  	v9 =	vxor.u32 v6, v9;
	v27 =	vshrl.u32 v10, $0x11;
	v28 =	vshll.u32 v10, $0xF  }
0x82: {  	v8 =	vadd.s32 v8, v10;
	v29 =	vshrl.u32 v9, $0x11;
	v11 =	vxor.u32 v7, v11  }
0x83: {  	v30 =	vshll.u32 v9, $0xF;
	v6 =	vadd.s32 v6, v9;
	v10 =	vor.u32 v27, v28  }
0x84: {  	v16 =	vshrl.u32 v11, $0x11;
	v32 =	vshll.u32 v11, $0xF;
	v10 =	vxor.u32 v8, v10  }
0x85: {  	v7 =	vadd.s32 v7, v11;
	v31 =	vshrl.u32 v10, $0x6;
	v15 =	vshll.u32 v10, $0x1A  }
0x86: {  	v13 =	vor.u32 v16, v32;
	v8 =	vadd.s32 v8, v10;
	v10 =	vor.u32 v31, v15  }
0x87: {  	v12 =	vor.u32 v29, v30;
	v35 =	vxor.u32 v7, v13;
	v10 =	vxor.u32 v8, v10  }
0x88: {  	v38 =	vshrl.u32 v35, $0x6;
	v33 =	vshrl.u32 v10, $0x1A;
	v34 =	vshll.u32 v10, $0x6  }
0x89: {  	v39 =	vshll.u32 v35, $0x1A;
	v8 =	vadd.s32 v8, v10;
	v9 =	vor.u32 v33, v34  }
0x8a: {  	v7 =	vadd.s32 v7, v35;
	v13 =	vor.u32 v38, v39;
	v9 =	vxor.u32 v8, v9  }
0x8b: {  	v10 =	vxor.u32 v6, v12;
	v13 =	vxor.u32 v7, v13;
	v9 =	vadd.s32 $0x1BD11BF1, v9  }
0x8c: {  	v8 =	vadd.s32 v9, v8;
	v36 =	vshrl.u32 v9, $0xF;
	v9 =	vshll.u32 v9, $0x11  }
0x8d: {  	v11 =	vshrl.u32 v10, $0x6;
	v8 =	vadd.s32 $0x2A, v8;
	v9 =	vor.u32 v36, v9  }
0x8e: {  	v37 =	vshll.u32 v10, $0x1A;
	v6 =	vadd.s32 v6, v10;
	v9 =	vxor.u32 v8, v9  }
0x8f: {  	v44 =	vshrl.u32 v13, $0x1A;
	v40 =	vshrl.u32 v9, $0x3;
	v41 =	vshll.u32 v9, $0x1D  }
0x90: {  	v11 =	vor.u32 v11, v37;
	v8 =	vadd.s32 v8, v9;
	v9 =	vor.u32 v40, v41  }
0x91: {  	v7 =	vadd.s32 v7, v13;
	v10 =	vxor.u32 v6, v11;
	v9 =	vxor.u32 v8, v9  }
0x92: {  	v43 =	vshll.u32 v10, $0x6;
	v11 =	vshrl.u32 v9, $0x10;
	v42 =	vshll.u32 v9, $0x10  }
0x93: {  	v8 =	vadd.s32 v8, v9;
	v9 =	vor.u32 v11, v42;
	v11 =	vshrl.u32 v10, $0x1A  }
0x94: {  	v6 =	vadd.s32 v6, v10;
	v9 =	vxor.u32 v8, v9;
	v11 =	vor.u32 v11, v43  }
0x95: {  	v45 =	vshrl.u32 v9, $0x8;
	v46 =	vshll.u32 v9, $0x18;
	v8 =	vadd.s32 v8, v9  }
0x96: {  	v9 =	vshll.u32 v13, $0x6;
	v11 =	vxor.u32 v6, v11;
	v15 =	vor.u32 v45, v46  }
0x97: {  	v9 =	vor.u32 v44, v9;
	v11 =	vadd.s32 $0x1BD11BF1, v11;
	v47 =	vxor.u32 v8, v15  }
0x98: {  	v9 =	vxor.u32 v7, v9;
	v6 =	vadd.s32 v11, v6;
	v10 =	vadd.s32 $0x2, v47  }
0x99: {  	v8 =	vadd.s32 v10, v8;
	v12 =	vshrl.u32 v10, $0x13;
	v10 =	vshll.u32 v10, $0xD  }
0x9a: {  	v50 =	vshrl.u32 v11, $0xF;
	v8 =	vadd.s32 $0x1BD11BF0, v8;
	v10 =	vor.u32 v12, v10  }
0x9b: {  	v11 =	vshll.u32 v11, $0x11;
	v9 =	vadd.s32 $0x1BD11BF1, v9;
	v10 =	vxor.u32 v8, v10  }
0x9c: {  	v6 =	vadd.s32 $0x2A, v6;
	v48 =	vshrl.u32 v10, $0x11;
	v49 =	vshll.u32 v10, $0xF  }
0x9d: {  	v11 =	vor.u32 v50, v11;
	v8 =	vadd.s32 v8, v10;
	v10 =	vor.u32 v48, v49  }
0x9e: {  	v7 =	vadd.s32 v9, v7;
	v53 =	vshrl.u32 v9, $0xF;
	v10 =	vxor.u32 v8, v10  }
0x9f: {  	v9 =	vshll.u32 v9, $0x11;
	v51 =	vshrl.u32 v10, $0x6;
	v52 =	vshll.u32 v10, $0x1A  }
0xa0: {  	v11 =	vxor.u32 v6, v11;
	v8 =	vadd.s32 v8, v10;
	v10 =	vor.u32 v51, v52  }
0xa1: {  	v7 =	vadd.s32 $0x2A, v7;
	v9 =	vor.u32 v53, v9;
	v10 =	vxor.u32 v8, v10  }
0xa2: {  	v56 =	vshrl.u32 v11, $0x3;
	v54 =	vshrl.u32 v10, $0x1A;
	v55 =	vshll.u32 v10, $0x6  }
0xa3: {  	v57 =	vshll.u32 v11, $0x1D;
	v8 =	vadd.s32 v8, v10;
	v10 =	vor.u32 v54, v55  }
0xa4: {  	v6 =	vadd.s32 v6, v11;
	v9 =	vxor.u32 v7, v9;
	v10 =	vxor.u32 v8, v10  }
0xa5: {  	v12 =	vor.u32 v56, v57;
	v60 =	vshrl.u32 v9, $0x3;
	v10 =	vadd.s32 $0x2D, v10  }
0xa6: {  	v61 =	vshll.u32 v9, $0x1D;
	v58 =	vshrl.u32 v10, $0xF;
	v59 =	vshll.u32 v10, $0x11  }
0xa7: {  	v11 =	vxor.u32 v6, v12;
	v8 =	vadd.s32 v8, v10;
	v10 =	vor.u32 v58, v59  }
0xa8: {  	v7 =	vadd.s32 v7, v9;
	v13 =	vor.u32 v60, v61;
	v10 =	vxor.u32 v8, v10  }
0xa9: {  	v20 =	vshrl.u32 v11, $0x10;
	v62 =	vshrl.u32 v10, $0x3;
	v63 =	vshll.u32 v10, $0x1D  }
0xaa: {  	v21 =	vshll.u32 v11, $0x10;
	v8 =	vadd.s32 v8, v10;
	v10 =	vor.u32 v62, v63  }
0xab: {  	v6 =	vadd.s32 v6, v11;
	v12 =	vor.u32 v20, v21;
	v9 =	vxor.u32 v8, v10  }
0xac: {  	v12 =	vxor.u32 v6, v12;
	v18 =	vshrl.u32 v9, $0x10;
	v19 =	vshll.u32 v9, $0x10  }
0xad: {  	v10 =	vxor.u32 v7, v13;
	v8 =	vadd.s32 v8, v9;
	v9 =	vor.u32 v18, v19  }
0xae: {  	v22 =	vshrl.u32 v10, $0x10;
	v25 =	vshll.u32 v10, $0x10;
	v9 =	vxor.u32 v8, v9  }
0xaf: {  	v7 =	vadd.s32 v7, v10;
	v23 =	vshrl.u32 v9, $0x8;
	v24 =	vshll.u32 v9, $0x18  }
0xb0: {  	v11 =	vor.u32 v22, v25;
	v8 =	vadd.s32 v8, v9;
	v9 =	vor.u32 v23, v24  }
0xb1: {  	v26 =	vshll.u32 v12, $0x18;
	v11 =	vxor.u32 v7, v11;
	v9 =	vxor.u32 v8, v9  }
0xb2: {  	v6 =	vadd.s32 v6, v12;
	v27 =	vshrl.u32 v11, $0x8;
	v9 =	vadd.s32 $0x1BD11BF4, v9  }
0xb3: {  	v8 =	vadd.s32 v9, v8;
	v10 =	vshrl.u32 v9, $0x13;
	v9 =	vshll.u32 v9, $0xD  }
0xb4: {  	v8 =	vadd.s32 $0x2A, v8;
	v9 =	vor.u32 v10, v9;
	v10 =	vshrl.u32 v12, $0x8  }
0xb5: {  	v7 =	vadd.s32 v7, v11;
	v9 =	vxor.u32 v8, v9;
	v10 =	vor.u32 v10, v26  }
0xb6: {  	v28 =	vshrl.u32 v9, $0x11;
	v29 =	vshll.u32 v9, $0xF;
	v8 =	vadd.s32 v8, v9  }
0xb7: {  	v9 =	vshll.u32 v11, $0x18;
	v10 =	vxor.u32 v6, v10;
	v15 =	vor.u32 v28, v29  }
0xb8: {  	v9 =	vor.u32 v27, v9;
	v10 =	vadd.s32 $0x2, v10;
	v30 =	vxor.u32 v8, v15  }
0xb9: {  	v9 =	vxor.u32 v7, v9;
	v6 =	vadd.s32 v10, v6;
	v35 =	vshrl.u32 v10, $0x13  }
0xba: {  	v10 =	vshll.u32 v10, $0xD;
	v31 =	vshrl.u32 v30, $0x6;
	v32 =	vshll.u32 v30, $0x1A  }
0xbb: {  	v8 =	vadd.s32 v8, v30;
	v9 =	vadd.s32 $0x2, v9;
	v6 =	vadd.s32 $0x1BD11BF0, v6  }
0xbc: {  	v10 =	vor.u32 v35, v10;
	v11 =	vor.u32 v31, v32;
	v7 =	vadd.s32 v9, v7  }
0xbd: {  	v36 =	vshrl.u32 v9, $0x13;
	v9 =	vshll.u32 v9, $0xD;
	v11 =	vxor.u32 v8, v11  }
0xbe: {  	v10 =	vxor.u32 v6, v10;
	v33 =	vshrl.u32 v11, $0x1A;
	v34 =	vshll.u32 v11, $0x6  }
0xbf: {  	v7 =	vadd.s32 $0x1BD11BF0, v7;
	v8 =	vadd.s32 v8, v11;
	v11 =	vor.u32 v33, v34  }
0xc0: {  	v9 =	vor.u32 v36, v9;
	v37 =	vshll.u32 v10, $0xF;
	v11 =	vxor.u32 v8, v11  }
0xc1: {  	v6 =	vadd.s32 v6, v10;
	v8 =	vadd.s32 $0x1BD11BF0, v8;
	v11 =	vadd.s32 $0x5, v11  }
0xc2: {  	v9 =	vxor.u32 v7, v9;
	v8 =	vxor.u32 v8, v11;
	v11 =	vshrl.u32 v10, $0x11  }
0xc3: {  	v38 =	vshrl.u32 v9, $0x11;
	v39 =	vshll.u32 v9, $0xF;
	v10 =	vor.u32 v11, v37  }
0xc4: {  	v7 =	vadd.s32 v7, v9;
	v11 =	vor.u32 v38, v39;
	v10 =	vxor.u32 v6, v10  }
0xc5: {  	v11 =	vxor.u32 v7, v11;
	v9 =	vshrl.u32 v10, $0x6;
	v40 =	vshll.u32 v10, $0x1A  }
0xc6: {  	v41 =	vshrl.u32 v11, $0x6;
	v42 =	vshll.u32 v11, $0x1A;
	v6 =	vadd.s32 v6, v10  }
0xc7: {  	v7 =	vadd.s32 v7, v11;
	v9 =	vor.u32 v9, v40;
	v10 =	vor.u32 v41, v42  }
0xc8: {  	v8 =	vshrl.u32 v8, $0x9;
	v9 =	vxor.u32 v6, v9;
	v10 =	vxor.u32 v7, v10  }
0xc9: {  	v11 =	vshrl.u32 v9, $0x1A;
	v43 =	vshll.u32 v9, $0x6;
	v44 =	vshrl.u32 v10, $0x1A  }
0xca: {  	v6 =	vadd.s32 v6, v9;
	v9 =	vor.u32 v11, v43;
	v11 =	vshll.u32 v10, $0x6  }
0xcb: {  	v7 =	vadd.s32 v7, v10;
	v9 =	vxor.u32 v6, v9;
	v10 =	vor.u32 v44, v11  }
0xcc: {  	v8 =	vor.u32 $0x3F800000, v8;
	v9 =	vadd.s32 $0x2D, v9;
	v10 =	vxor.u32 v7, v10  }
0xcd: {  	v11 =	vshrl.u32 v9, $0xF;
	v45 =	vshll.u32 v9, $0x11;
	v10 =	vadd.s32 $0x2D, v10  }
0xce: {  	v6 =	vadd.s32 v6, v9;
	v46 =	vshrl.u32 v10, $0xF;
	v47 =	vshll.u32 v10, $0x11  }
0xcf: {  	v11 =	vor.u32 v11, v45;
	v7 =	vadd.s32 v7, v10;
	v9 =	vor.u32 v46, v47  }
0xd0: {  	v8 =	vadd.f32 $-1.000000000e+00, v8;
	v10 =	vxor.u32 v6, v11;
	v9 =	vxor.u32 v7, v9  }
0xd1: {  	v11 =	vshrl.u32 v10, $0x3;
	v48 =	vshll.u32 v10, $0x1D;
	v6 =	vadd.s32 v6, v10  }
0xd2: {  	v49 =	vshrl.u32 v9, $0x3;
	v10 =	vor.u32 v11, v48;
	v11 =	vshll.u32 v9, $0x1D  }
0xd3: {  	v7 =	vadd.s32 v7, v9;
	v10 =	vxor.u32 v6, v10;
	v9 =	vor.u32 v49, v11  }
0xd4: {  	v11 =	vshrl.u32 v10, $0x10;
	v50 =	vshll.u32 v10, $0x10;
	v9 =	vxor.u32 v7, v9  }
0xd5: {  	v6 =	vadd.s32 v6, v10;
	v51 =	vshrl.u32 v9, $0x10;
	v52 =	vshll.u32 v9, $0x10  }
0xd6: {  	v11 =	vor.u32 v11, v50;
	v7 =	vadd.s32 v7, v9;
	v9 =	vor.u32 v51, v52  }
0xd7: {  	v8 =	vadd.f32 $1.175494350e-38, v8;
	v10 =	vxor.u32 v6, v11;
	v9 =	vxor.u32 v7, v9  }
0xd8: {  	v11 =	vshrl.u32 v10, $0x8;
	v53 =	vshll.u32 v10, $0x18;
	v6 =	vadd.s32 v6, v10  }
0xd9: {  	v54 =	vshrl.u32 v9, $0x8;
	v10 =	vor.u32 v11, v53;
	v11 =	vshll.u32 v9, $0x18  }
0xda: {  	v7 =	vadd.s32 v7, v9;
	v10 =	vxor.u32 v6, v10;
	v9 =	vor.u32 v54, v11  }
0xdb: {  	v11 =	vadd.f32 $-1.000000000e+00, v4;
	v10 =	vadd.s32 $0x1BD11BF4, v10;
	v9 =	vxor.u32 v7, v9  }
0xdc: {  	v4 =	vadd.s32 v10, v6;
	v6 =	vshrl.u32 v10, $0x13;
	v9 =	vadd.s32 $0x1BD11BF4, v9  }
0xdd: {  	v10 =	vshll.u32 v10, $0xD;
	v7 =	vadd.s32 v9, v7;
	v55 =	vshrl.u32 v9, $0x13  }
0xde: {  	v4 =	vadd.s32 $0x2A, v4;
	v6 =	vor.u32 v6, v10;
	v9 =	vshll.u32 v9, $0xD  }
0xdf: {  	v6 =	vxor.u32 v4, v6;
	v7 =	vadd.s32 $0x2A, v7;
	v9 =	vor.u32 v55, v9  }
0xe0: {  	v10 =	vshrl.u32 v6, $0x11;
	v56 =	vshll.u32 v6, $0xF;
	v9 =	vxor.u32 v7, v9  }
0xe1: {  	v4 =	vadd.s32 v4, v6;
	v57 =	vshrl.u32 v9, $0x11;
	v58 =	vshll.u32 v9, $0xF  }
0xe2: {  	v10 =	vor.u32 v10, v56;
	v6 =	vadd.s32 v7, v9;
	v7 =	vor.u32 v57, v58  }
0xe3: {  	v9 =	vxor.u32 v4, v10;
	v10 =	vadd.f32 $1.175494350e-38, v5;
	v7 =	vxor.u32 v6, v7  }
0xe4: {  	v5 =	vshrl.u32 v9, $0x6;
	v59 =	vshll.u32 v9, $0x1A;
	v4 =	vadd.s32 v4, v9  }
0xe5: {  	v60 =	vshrl.u32 v7, $0x6;
	v5 =	vor.u32 v5, v59;
	v9 =	vshll.u32 v7, $0x1A  }
0xe6: {  	v6 =	vadd.s32 v6, v7;
	v5 =	vxor.u32 v4, v5;
	v7 =	vor.u32 v60, v9  }
0xe7: {  	v9 =	vshrl.u32 v5, $0x1A;
	v61 =	vshll.u32 v5, $0x6;
	v7 =	vxor.u32 v6, v7  }
0xe8: {  	v4 =	vadd.s32 v4, v5;
	v62 =	vshrl.u32 v7, $0x1A;
	v63 =	vshll.u32 v7, $0x6  }
0xe9: {  	v9 =	vor.u32 v9, v61;
	v5 =	vadd.s32 v6, v7;
	v6 =	vor.u32 v62, v63  }
0xea: {  	s12 =	simm.s32 $0x0;
	v7 =	vxor.u32 v4, v9;
	v4 =	vadd.s32 $0x1BD11BF0, v4;
	v6 =	vxor.u32 v5, v6  }
0xeb: {  	s14 =	simm.s32 $0x10;
	[tilespmem:s12+$0x10000] =	vst v3;
	v3 =	vadd.s32 $0x5, v7;
	v5 =	vadd.s32 $0x1BD11BF0, v5;
	v6 =	vadd.s32 $0x5, v6  }
0xec: {  	s15 =	sadd.s32 $0x30, s13;
	[tilespmem:s14+$0x10000] =	vst v8;
	v4 =	vxor.u32 v4, v3;
	v3 =	vxor.u32 v5, v6;
	v5 =	vadd.f32 $1.175494350e-38, v11  }
0xed: {  	s16 =	simm.s32 $0xC0;
	s13 =	simm.s32 $0x80;
	v8 =	vadd.s32 s15, v2;
	[tilespmem:s12+$0x0] =	vst v10;
	v7 =	vadd.s32 s15, v0;
	v6 =	vadd.s32 s15, v1  }
.LBB2_2:
0xee: {  	p0 =	sne.s32 s16, $0x1FFC0;
	v9 =	vshrl.u32 v7, $0x13;
	v10 =	vshrl.u32 v8, $0x13;
	v11 =	vshll.u32 v8, $0xD;
	[tilespmem:s12+$0x8000] =	vst v5;
	s12 =	smov.u32 s14  }
0xef: {  	v5 =	vshll.u32 v7, $0xD;
	v12 =	vshrl.u32 v6, $0x13;
	v10 =	vor.u32 v10, v11  }
0xf0: {  	v5 =	vor.u32 v9, v5;
	v9 =	vshll.u32 v6, $0xD;
	v10 =	vxor.u32 v8, v10  }
0xf1: {  	v9 =	vor.u32 v12, v9;
	v11 =	vshrl.u32 v10, $0x11;
	v12 =	vshll.u32 v10, $0xF  }
0xf2: {  	v5 =	vxor.u32 v7, v5;
	v8 =	vadd.s32 v8, v10;
	v10 =	vor.u32 v11, v12  }
0xf3: {  	v9 =	vxor.u32 v6, v9;
	v11 =	vshrl.u32 v5, $0x11;
	v10 =	vxor.u32 v8, v10  }
0xf4: {  	v12 =	vshll.u32 v5, $0xF;
	v13 =	vshrl.u32 v10, $0x6;
	v14 =	vshll.u32 v10, $0x1A  }
0xf5: {  	v15 =	vshrl.u32 v9, $0x11;
	v8 =	vadd.s32 v8, v10;
	v10 =	vor.u32 v13, v14  }
0xf6: {  	v11 =	vor.u32 v11, v12;
	v12 =	vshll.u32 v9, $0xF;
	v10 =	vxor.u32 v8, v10  }
0xf7: {  	v12 =	vor.u32 v15, v12;
	v13 =	vshrl.u32 v10, $0x1A;
	v14 =	vshll.u32 v10, $0x6  }
0xf8: {  	v5 =	vadd.s32 v7, v5;
	v7 =	vadd.s32 v8, v10;
	v8 =	vor.u32 v13, v14  }
0xf9: {  	v6 =	vadd.s32 v6, v9;
	v10 =	vxor.u32 v5, v11;
	v8 =	vxor.u32 v7, v8  }
0xfa: {  	v11 =	vxor.u32 v6, v12;
	v9 =	vshrl.u32 v10, $0x6;
	v8 =	vadd.s32 $0x1BD11BF1, v8  }
0xfb: {  	v7 =	vadd.s32 v8, v7;
	v12 =	vshrl.u32 v8, $0xF;
	v8 =	vshll.u32 v8, $0x11  }
0xfc: {  	v13 =	vshll.u32 v10, $0x1A;
	v7 =	vadd.s32 $0x2A, v7;
	v8 =	vor.u32 v12, v8  }
0xfd: {  	v14 =	vshll.u32 v11, $0x1A;
	v12 =	vshrl.u32 v11, $0x6;
	v8 =	vxor.u32 v7, v8  }
0xfe: {  	v9 =	vor.u32 v9, v13;
	v13 =	vshrl.u32 v8, $0x3;
	v15 =	vshll.u32 v8, $0x1D  }
0xff: {  	v12 =	vor.u32 v12, v14;
	v7 =	vadd.s32 v7, v8;
	v8 =	vor.u32 v13, v15  }
0x100: {  	v5 =	vadd.s32 v5, v10;
	v6 =	vadd.s32 v6, v11;
	v8 =	vxor.u32 v7, v8  }
0x101: {  	v9 =	vxor.u32 v5, v9;
	v10 =	vshrl.u32 v8, $0x10;
	v11 =	vshll.u32 v8, $0x10  }
0x102: {  	v12 =	vxor.u32 v6, v12;
	v7 =	vadd.s32 v7, v8;
	v8 =	vor.u32 v10, v11  }
0x103: {  	v10 =	vshrl.u32 v9, $0x1A;
	v11 =	vshll.u32 v9, $0x6;
	v8 =	vxor.u32 v7, v8  }
0x104: {  	v13 =	vshrl.u32 v12, $0x1A;
	v14 =	vshrl.u32 v8, $0x8;
	v15 =	vshll.u32 v8, $0x18  }
0x105: {  	v16 =	vshll.u32 v12, $0x6;
	v7 =	vadd.s32 v7, v8;
	v8 =	vor.u32 v14, v15  }
0x106: {  	v10 =	vor.u32 v10, v11;
	v11 =	vor.u32 v13, v16;
	v8 =	vxor.u32 v7, v8  }
0x107: {  	v5 =	vadd.s32 v5, v9;
	v6 =	vadd.s32 v6, v12;
	v8 =	vadd.s32 $0x2, v8  }
0x108: {  	v7 =	vadd.s32 v8, v7;
	v9 =	vshrl.u32 v8, $0x13;
	v8 =	vshll.u32 v8, $0xD  }
0x109: {  	v10 =	vxor.u32 v5, v10;
	v7 =	vadd.s32 $0x1BD11BF0, v7;
	v8 =	vor.u32 v9, v8  }
0x10a: {  	v9 =	vadd.s32 $0x1BD11BF1, v10;
	v10 =	vxor.u32 v6, v11;
	v8 =	vxor.u32 v7, v8  }
0x10b: {  	v10 =	vadd.s32 $0x1BD11BF1, v10;
	v11 =	vshrl.u32 v8, $0x11;
	v12 =	vshll.u32 v8, $0xF  }
0x10c: {  	v5 =	vadd.s32 v9, v5;
	v7 =	vadd.s32 v7, v8;
	v8 =	vor.u32 v11, v12  }
0x10d: {  	v11 =	vshrl.u32 v9, $0xF;
	v9 =	vshll.u32 v9, $0x11;
	v8 =	vxor.u32 v7, v8  }
0x10e: {  	v6 =	vadd.s32 v10, v6;
	v12 =	vshrl.u32 v8, $0x6;
	v13 =	vshll.u32 v8, $0x1A  }
0x10f: {  	v14 =	vshrl.u32 v10, $0xF;
	v7 =	vadd.s32 v7, v8;
	v8 =	vor.u32 v12, v13  }
0x110: {  	v5 =	vadd.s32 $0x2A, v5;
	v10 =	vshll.u32 v10, $0x11;
	v8 =	vxor.u32 v7, v8  }
0x111: {  	v9 =	vor.u32 v11, v9;
	v11 =	vshrl.u32 v8, $0x1A;
	v12 =	vshll.u32 v8, $0x6  }
0x112: {  	v6 =	vadd.s32 $0x2A, v6;
	v7 =	vadd.s32 v7, v8;
	v8 =	vor.u32 v11, v12  }
0x113: {  	v10 =	vor.u32 v14, v10;
	v9 =	vxor.u32 v5, v9;
	v8 =	vxor.u32 v7, v8  }
0x114: {  	v10 =	vxor.u32 v6, v10;
	v11 =	vshrl.u32 v9, $0x3;
	v8 =	vadd.s32 $0x2D, v8  }
0x115: {  	v12 =	vshll.u32 v9, $0x1D;
	v13 =	vshrl.u32 v8, $0xF;
	v14 =	vshll.u32 v8, $0x11  }
0x116: {  	v15 =	vshrl.u32 v10, $0x3;
	v7 =	vadd.s32 v7, v8;
	v8 =	vor.u32 v13, v14  }
0x117: {  	v11 =	vor.u32 v11, v12;
	v12 =	vshll.u32 v10, $0x1D;
	v8 =	vxor.u32 v7, v8  }
0x118: {  	v12 =	vor.u32 v15, v12;
	v13 =	vshrl.u32 v8, $0x3;
	v14 =	vshll.u32 v8, $0x1D  }
0x119: {  	v5 =	vadd.s32 v5, v9;
	v7 =	vadd.s32 v7, v8;
	v8 =	vor.u32 v13, v14  }
0x11a: {  	v6 =	vadd.s32 v6, v10;
	v9 =	vxor.u32 v5, v11;
	v8 =	vxor.u32 v7, v8  }
0x11b: {  	v10 =	vxor.u32 v6, v12;
	v11 =	vshrl.u32 v8, $0x10;
	v12 =	vshll.u32 v8, $0x10  }
0x11c: {  	v13 =	vshrl.u32 v9, $0x10;
	v7 =	vadd.s32 v7, v8;
	v8 =	vor.u32 v11, v12  }
0x11d: {  	v11 =	vshll.u32 v9, $0x10;
	v12 =	vshrl.u32 v10, $0x10;
	v8 =	vxor.u32 v7, v8  }
0x11e: {  	v14 =	vshll.u32 v10, $0x10;
	v15 =	vshrl.u32 v8, $0x8;
	v16 =	vshll.u32 v8, $0x18  }
0x11f: {  	v11 =	vor.u32 v13, v11;
	v7 =	vadd.s32 v7, v8;
	v8 =	vor.u32 v15, v16  }
0x120: {  	v5 =	vadd.s32 v5, v9;
	v9 =	vor.u32 v12, v14;
	v8 =	vxor.u32 v7, v8  }
0x121: {  	v6 =	vadd.s32 v6, v10;
	v11 =	vxor.u32 v5, v11;
	v8 =	vadd.s32 $0x1BD11BF4, v8  }
0x122: {  	v7 =	vadd.s32 v8, v7;
	v10 =	vshrl.u32 v8, $0x13;
	v8 =	vshll.u32 v8, $0xD  }
0x123: {  	v9 =	vxor.u32 v6, v9;
	v7 =	vadd.s32 $0x2A, v7;
	v8 =	vor.u32 v10, v8  }
0x124: {  	v12 =	vshll.u32 v11, $0x18;
	v10 =	vshrl.u32 v11, $0x8;
	v8 =	vxor.u32 v7, v8  }
0x125: {  	v13 =	vshrl.u32 v9, $0x8;
	v14 =	vshrl.u32 v8, $0x11;
	v15 =	vshll.u32 v8, $0xF  }
0x126: {  	v16 =	vshll.u32 v9, $0x18;
	v7 =	vadd.s32 v7, v8;
	v8 =	vor.u32 v14, v15  }
0x127: {  	v10 =	vor.u32 v10, v12;
	v12 =	vor.u32 v13, v16;
	v8 =	vxor.u32 v7, v8  }
0x128: {  	v5 =	vadd.s32 v5, v11;
	v11 =	vshrl.u32 v8, $0x6;
	v13 =	vshll.u32 v8, $0x1A  }
0x129: {  	v6 =	vadd.s32 v6, v9;
	v7 =	vadd.s32 v7, v8;
	v8 =	vor.u32 v11, v13  }
0x12a: {  	v9 =	vxor.u32 v5, v10;
	v10 =	vxor.u32 v6, v12;
	v8 =	vxor.u32 v7, v8  }
0x12b: {  	v9 =	vadd.s32 $0x2, v9;
	v11 =	vshrl.u32 v8, $0x1A;
	v12 =	vshll.u32 v8, $0x6  }
0x12c: {  	v10 =	vadd.s32 $0x2, v10;
	v7 =	vadd.s32 v7, v8;
	v8 =	vor.u32 v11, v12  }
0x12d: {  	v5 =	vadd.s32 v9, v5;
	v11 =	vshrl.u32 v9, $0x13;
	v8 =	vxor.u32 v7, v8  }
0x12e: {  	v9 =	vshll.u32 v9, $0xD;
	v7 =	vadd.s32 $0x1BD11BF0, v7;
	v8 =	vadd.s32 $0x5, v8  }
0x12f: {  	v6 =	vadd.s32 v10, v6;
	v12 =	vshrl.u32 v10, $0x13;
	v7 =	vxor.u32 v7, v8  }
0x130: {  	v5 =	vadd.s32 $0x1BD11BF0, v5;
	v8 =	vshll.u32 v10, $0xD;
	v7 =	vshrl.u32 v7, $0x9  }
0x131: {  	v6 =	vadd.s32 $0x1BD11BF0, v6;
	v9 =	vor.u32 v11, v9;
	v7 =	vor.u32 $0x3F800000, v7  }
0x132: {  	v9 =	vxor.u32 v5, v9;
	v8 =	vor.u32 v12, v8;
	v7 =	vadd.f32 $-1.000000000e+00, v7  }
0x133: {  	v10 =	vshrl.u32 v9, $0x11;
	v11 =	vshll.u32 v9, $0xF;
	v8 =	vxor.u32 v6, v8  }
0x134: {  	v12 =	vshrl.u32 v8, $0x11;
	v13 =	vshll.u32 v8, $0xF;
	v7 =	vadd.f32 $1.175494350e-38, v7  }
0x135: {  	s14 =	sshra.s32 s13, $0x2;
	s13 =	smov.u32 s16;
	v5 =	vadd.s32 v5, v9;
	v9 =	vor.u32 v10, v11;
	v10 =	vor.u32 v12, v13  }
0x136: {  	v4 =	vshrl.u32 v4, $0x9;
	v9 =	vxor.u32 v5, v9;
	v6 =	vadd.s32 v6, v8;
	[tilespmem:s14+$0x10000] =	vst v7  }
0x137: {  	v8 =	vshll.u32 v9, $0x1A;
	v10 =	vxor.u32 v6, v10;
	v7 =	vshrl.u32 v9, $0x6  }
0x138: {  	v11 =	vshll.u32 v10, $0x1A;
	v7 =	vor.u32 v7, v8;
	v8 =	vshrl.u32 v10, $0x6  }
0x139: {  	v5 =	vadd.s32 v5, v9;
	v6 =	vadd.s32 v6, v10;
	v8 =	vor.u32 v8, v11  }
0x13a: {  	v3 =	vshrl.u32 v3, $0x9;
	v7 =	vxor.u32 v5, v7;
	v8 =	vxor.u32 v6, v8  }
0x13b: {  	v9 =	vshrl.u32 v7, $0x1A;
	v10 =	vshll.u32 v7, $0x6;
	v11 =	vshrl.u32 v8, $0x1A  }
0x13c: {  	v5 =	vadd.s32 v5, v7;
	v7 =	vor.u32 v9, v10;
	v9 =	vshll.u32 v8, $0x6  }
0x13d: {  	v6 =	vadd.s32 v6, v8;
	v7 =	vxor.u32 v5, v7;
	v8 =	vor.u32 v11, v9  }
0x13e: {  	v4 =	vor.u32 $0x3F800000, v4;
	v7 =	vadd.s32 $0x2D, v7;
	v8 =	vxor.u32 v6, v8  }
0x13f: {  	v9 =	vshrl.u32 v7, $0xF;
	v10 =	vshll.u32 v7, $0x11;
	v8 =	vadd.s32 $0x2D, v8  }
0x140: {  	v9 =	vor.u32 v9, v10;
	v10 =	vshrl.u32 v8, $0xF;
	v11 =	vshll.u32 v8, $0x11  }
0x141: {  	v5 =	vadd.s32 v5, v7;
	v6 =	vadd.s32 v6, v8;
	v7 =	vor.u32 v10, v11  }
0x142: {  	v3 =	vor.u32 $0x3F800000, v3;
	v8 =	vxor.u32 v5, v9;
	v7 =	vxor.u32 v6, v7  }
0x143: {  	v9 =	vshrl.u32 v8, $0x3;
	v10 =	vshll.u32 v8, $0x1D;
	v11 =	vshrl.u32 v7, $0x3  }
0x144: {  	v5 =	vadd.s32 v5, v8;
	v8 =	vor.u32 v9, v10;
	v9 =	vshll.u32 v7, $0x1D  }
0x145: {  	v6 =	vadd.s32 v6, v7;
	v8 =	vxor.u32 v5, v8;
	v7 =	vor.u32 v11, v9  }
0x146: {  	v9 =	vshrl.u32 v8, $0x10;
	v10 =	vshll.u32 v8, $0x10;
	v7 =	vxor.u32 v6, v7  }
0x147: {  	v9 =	vor.u32 v9, v10;
	v10 =	vshrl.u32 v7, $0x10;
	v11 =	vshll.u32 v7, $0x10  }
0x148: {  	v5 =	vadd.s32 v5, v8;
	v6 =	vadd.s32 v6, v7;
	v7 =	vor.u32 v10, v11  }
0x149: {  	v4 =	vadd.f32 $-1.000000000e+00, v4;
	v8 =	vxor.u32 v5, v9;
	v7 =	vxor.u32 v6, v7  }
0x14a: {  	v9 =	vshrl.u32 v8, $0x8;
	v10 =	vshll.u32 v8, $0x18;
	v11 =	vshrl.u32 v7, $0x8  }
0x14b: {  	v5 =	vadd.s32 v5, v8;
	v8 =	vor.u32 v9, v10;
	v9 =	vshll.u32 v7, $0x18  }
0x14c: {  	v6 =	vadd.s32 v6, v7;
	v8 =	vxor.u32 v5, v8;
	v7 =	vor.u32 v11, v9  }
0x14d: {  	v9 =	vadd.f32 $-1.000000000e+00, v3;
	v8 =	vadd.s32 $0x1BD11BF4, v8;
	v7 =	vxor.u32 v6, v7  }
0x14e: {  	v3 =	vadd.s32 v8, v5;
	v5 =	vshrl.u32 v8, $0x13;
	v7 =	vadd.s32 $0x1BD11BF4, v7  }
0x14f: {  	v8 =	vshll.u32 v8, $0xD;
	v6 =	vadd.s32 v7, v6;
	v10 =	vshrl.u32 v7, $0x13  }
0x150: {  	v3 =	vadd.s32 $0x2A, v3;
	v5 =	vor.u32 v5, v8;
	v7 =	vshll.u32 v7, $0xD  }
0x151: {  	v5 =	vxor.u32 v3, v5;
	v6 =	vadd.s32 $0x2A, v6;
	v7 =	vor.u32 v10, v7  }
0x152: {  	v8 =	vshrl.u32 v5, $0x11;
	v10 =	vshll.u32 v5, $0xF;
	v7 =	vxor.u32 v6, v7  }
0x153: {  	v8 =	vor.u32 v8, v10;
	v10 =	vshrl.u32 v7, $0x11;
	v11 =	vshll.u32 v7, $0xF  }
0x154: {  	v3 =	vadd.s32 v3, v5;
	v5 =	vadd.s32 v6, v7;
	v6 =	vor.u32 v10, v11  }
0x155: {  	v4 =	vadd.f32 $1.175494350e-38, v4;
	v7 =	vxor.u32 v3, v8;
	v6 =	vxor.u32 v5, v6  }
0x156: {  	v8 =	vshrl.u32 v7, $0x6;
	v10 =	vshll.u32 v7, $0x1A;
	v11 =	vshrl.u32 v6, $0x6  }
0x157: {  	v3 =	vadd.s32 v3, v7;
	v7 =	vor.u32 v8, v10;
	v8 =	vshll.u32 v6, $0x1A;
	[tilespmem:s12+$0x0] =	vst v4  }
0x158: {  	v5 =	vadd.s32 v5, v6;
	v6 =	vor.u32 v11, v8;
	v4 =	vxor.u32 v3, v7  }
0x159: {  	v6 =	vxor.u32 v5, v6;
	v7 =	vshrl.u32 v4, $0x1A;
	v8 =	vshll.u32 v4, $0x6  }
0x15a: {  	v10 =	vshll.u32 v6, $0x6;
	v7 =	vor.u32 v7, v8;
	v8 =	vshrl.u32 v6, $0x1A  }
.Ltmp0:
0x15b: {  	v3 =	vadd.s32 v3, v4;
	v4 =	vadd.s32 v5, v6;
	v5 =	vor.u32 v8, v10;
	(pc) =	sbr.rel @p0 .LBB2_2-.Ltmp0, $4  }
0x15c: {  	v6 =	vxor.u32 v3, v7;
	v3 =	vadd.s32 $0x1BD11BF0, v3;
	v5 =	vxor.u32 v4, v5  }
0x15d: {  	v7 =	vadd.s32 $0x1BD11BF0, v4;
	v6 =	vadd.s32 $0x5, v6;
	v5 =	vadd.s32 $0x5, v5  }
0x15e: {  	s15 =	sadd.s32 $0x30, s15;
	v4 =	vxor.u32 v3, v6;
	v3 =	vxor.u32 v7, v5;
	v5 =	vadd.f32 $1.175494350e-38, v9  }
0x15f: {  	s16 =	sadd.s32 $0x40, s16;
	v8 =	vadd.s32 s15, v2;
	v6 =	vadd.s32 s15, v1;
	v7 =	vadd.s32 s15, v0  }
0x160: {  	v9 =	vshrl.u32 v8, $0x13  }
0x161: {  	v10 =	vshll.u32 v8, $0xD;
	v11 =	vshrl.u32 v7, $0x13;
	v62 =	vshll.u32 v7, $0xD  }
0x162: {  	v12 =	vshrl.u32 v6, $0x13;
	v14 =	vshll.u32 v6, $0xD;
	v4 =	vshrl.u32 v4, $0x9  }
0x163: {  	v3 =	vshrl.u32 v3, $0x9;
	v9 =	vor.u32 v9, v10;
	v10 =	vor.u32 v11, v62  }
0x164: {  	v17 =	vor.u32 v12, v14;
	v4 =	vor.u32 $0x3F800000, v4;
	v3 =	vor.u32 $0x3F800000, v3  }
0x165: {  	v9 =	vxor.u32 v8, v9;
	v10 =	vxor.u32 v7, v10;
	v11 =	vxor.u32 v6, v17  }
0x166: {  	v63 =	vshrl.u32 v9, $0x11;
	v13 =	vshll.u32 v9, $0xF;
	v8 =	vadd.s32 v8, v9  }
0x167: {  	v18 =	vshrl.u32 v10, $0x11;
	v22 =	vshll.u32 v10, $0xF;
	v23 =	vshrl.u32 v11, $0x11  }
0x168: {  	v7 =	vadd.s32 v7, v10;
	v6 =	vadd.s32 v6, v11;
	v16 =	vor.u32 v63, v13  }
0x169: {  	v12 =	vor.u32 v18, v22;
	v9 =	vxor.u32 v8, v16;
	v16 =	vshll.u32 v11, $0xF  }
0x16a: {  	v10 =	vxor.u32 v7, v12;
	v19 =	vshrl.u32 v9, $0x6;
	v20 =	vshll.u32 v9, $0x1A  }
0x16b: {  	v8 =	vadd.s32 v8, v9;
	v26 =	vor.u32 v23, v16;
	v21 =	vor.u32 v19, v20  }
0x16c: {  	v12 =	vshrl.u32 v10, $0x6;
	v29 =	vshll.u32 v10, $0x1A;
	v9 =	vxor.u32 v8, v21  }
0x16d: {  	v7 =	vadd.s32 v7, v10;
	v24 =	vshrl.u32 v9, $0x1A;
	v15 =	vshll.u32 v9, $0x6  }
0x16e: {  	v28 =	vxor.u32 v6, v26;
	v8 =	vadd.s32 v8, v9;
	v25 =	vor.u32 v24, v15  }
0x16f: {  	v12 =	vor.u32 v12, v29;
	v30 =	vshrl.u32 v28, $0x6;
	v9 =	vxor.u32 v8, v25  }
0x170: {  	v33 =	vshll.u32 v28, $0x1A;
	v6 =	vadd.s32 v6, v28;
	v9 =	vadd.s32 $0x1BD11BF1, v9  }
0x171: {  	v8 =	vadd.s32 v9, v8;
	v27 =	vshrl.u32 v9, $0xF;
	v9 =	vshll.u32 v9, $0x11  }
0x172: {  	v37 =	vxor.u32 v7, v12;
	v8 =	vadd.s32 $0x2A, v8;
	v9 =	vor.u32 v27, v9  }
0x173: {  	v12 =	vshrl.u32 v37, $0x1A;
	v40 =	vshll.u32 v37, $0x6;
	v9 =	vxor.u32 v8, v9  }
0x174: {  	v7 =	vadd.s32 v7, v37;
	v12 =	vor.u32 v12, v40;
	v31 =	vshrl.u32 v9, $0x3  }
0x175: {  	v32 =	vshll.u32 v9, $0x1D;
	v8 =	vadd.s32 v8, v9;
	v9 =	vor.u32 v30, v33  }
0x176: {  	v45 =	vxor.u32 v7, v12;
	v15 =	vor.u32 v31, v32;
	v9 =	vxor.u32 v6, v9  }
0x177: {  	v34 =	vxor.u32 v8, v15;
	v42 =	vshrl.u32 v9, $0x1A;
	v43 =	vshll.u32 v9, $0x6  }
0x178: {  	v6 =	vadd.s32 v6, v9;
	v9 =	vadd.s32 $0x1BD11BF1, v45;
	v35 =	vshrl.u32 v34, $0x10  }
0x179: {  	v36 =	vshll.u32 v34, $0x10;
	v8 =	vadd.s32 v8, v34;
	v13 =	vor.u32 v42, v43  }
0x17a: {  	v7 =	vadd.s32 v9, v7;
	v50 =	vshrl.u32 v9, $0xF;
	v9 =	vshll.u32 v9, $0x11  }
0x17b: {  	v10 =	vor.u32 v35, v36;
	v13 =	vxor.u32 v6, v13;
	v7 =	vadd.s32 $0x2A, v7  }
0x17c: {  	v9 =	vor.u32 v50, v9;
	v10 =	vxor.u32 v8, v10;
	v49 =	vadd.s32 $0x1BD11BF1, v13  }
0x17d: {  	v9 =	vxor.u32 v7, v9;
	v38 =	vshrl.u32 v10, $0x8;
	v39 =	vshll.u32 v10, $0x18  }
0x17e: {  	v8 =	vadd.s32 v8, v10;
	v6 =	vadd.s32 v49, v6;
	v41 =	vor.u32 v38, v39  }
0x17f: {  	v54 =	vshrl.u32 v49, $0xF;
	v11 =	vshll.u32 v49, $0x11;
	v10 =	vxor.u32 v8, v41  }
0x180: {  	v58 =	vshrl.u32 v9, $0x3;
	v62 =	vshll.u32 v9, $0x1D;
	v10 =	vadd.s32 $0x2, v10  }
0x181: {  	v8 =	vadd.s32 v10, v8;
	v44 =	vshrl.u32 v10, $0x13;
	v10 =	vshll.u32 v10, $0xD  }
0x182: {  	v7 =	vadd.s32 v7, v9;
	v8 =	vadd.s32 $0x1BD11BF0, v8;
	v10 =	vor.u32 v44, v10  }
0x183: {  	v6 =	vadd.s32 $0x2A, v6;
	v11 =	vor.u32 v54, v11;
	v10 =	vxor.u32 v8, v10  }
0x184: {  	v12 =	vor.u32 v58, v62;
	v46 =	vshrl.u32 v10, $0x11;
	v47 =	vshll.u32 v10, $0xF  }
0x185: {  	v11 =	vxor.u32 v6, v11;
	v8 =	vadd.s32 v8, v10;
	v48 =	vor.u32 v46, v47  }
0x186: {  	v26 =	vxor.u32 v7, v12;
	v63 =	vshrl.u32 v11, $0x3;
	v10 =	vxor.u32 v8, v48  }
0x187: {  	v22 =	vshll.u32 v11, $0x1D;
	v51 =	vshrl.u32 v10, $0x6;
	v52 =	vshll.u32 v10, $0x1A  }
0x188: {  	v6 =	vadd.s32 v6, v11;
	v8 =	vadd.s32 v8, v10;
	v53 =	vor.u32 v51, v52  }
0x189: {  	v30 =	vshrl.u32 v26, $0x10;
	v31 =	vshll.u32 v26, $0x10;
	v10 =	vxor.u32 v8, v53  }
0x18a: {  	v7 =	vadd.s32 v7, v26;
	v55 =	vshrl.u32 v10, $0x1A;
	v56 =	vshll.u32 v10, $0x6  }
0x18b: {  	v24 =	vor.u32 v63, v22;
	v8 =	vadd.s32 v8, v10;
	v57 =	vor.u32 v55, v56  }
0x18c: {  	v12 =	vor.u32 v30, v31;
	v11 =	vxor.u32 v6, v24;
	v10 =	vxor.u32 v8, v57  }
0x18d: {  	v12 =	vxor.u32 v7, v12;
	v34 =	vshrl.u32 v11, $0x10;
	v10 =	vadd.s32 $0x2D, v10  }
0x18e: {  	v36 =	vshll.u32 v11, $0x10;
	v59 =	vshrl.u32 v10, $0xF;
	v60 =	vshll.u32 v10, $0x11  }
0x18f: {  	v6 =	vadd.s32 v6, v11;
	v8 =	vadd.s32 v8, v10;
	v61 =	vor.u32 v59, v60  }
0x190: {  	v39 =	vshrl.u32 v12, $0x8;
	v40 =	vshll.u32 v12, $0x18;
	v10 =	vxor.u32 v8, v61  }
0x191: {  	v7 =	vadd.s32 v7, v12;
	v20 =	vshrl.u32 v10, $0x3;
	v21 =	vshll.u32 v10, $0x1D  }
0x192: {  	v11 =	vor.u32 v39, v40;
	v8 =	vadd.s32 v8, v10;
	v23 =	vor.u32 v20, v21  }
0x193: {  	v4 =	vadd.f32 $-1.000000000e+00, v4;
	v11 =	vxor.u32 v7, v11;
	v25 =	vxor.u32 v8, v23  }
0x194: {  	v11 =	vadd.s32 $0x2, v11;
	v27 =	vshrl.u32 v25, $0x10;
	v28 =	vshll.u32 v25, $0x10  }
0x195: {  	v7 =	vadd.s32 v11, v7;
	v8 =	vadd.s32 v8, v25;
	v29 =	vor.u32 v27, v28  }
0x196: {  	v52 =	vshrl.u32 v11, $0x13;
	v11 =	vshll.u32 v11, $0xD;
	v9 =	vxor.u32 v8, v29  }
0x197: {  	v7 =	vadd.s32 $0x1BD11BF0, v7;
	v32 =	vshrl.u32 v9, $0x8;
	v33 =	vshll.u32 v9, $0x18  }
0x198: {  	v11 =	vor.u32 v52, v11;
	v8 =	vadd.s32 v8, v9;
	v35 =	vor.u32 v32, v33  }
0x199: {  	v37 =	vor.u32 v34, v36;
	v54 =	vxor.u32 v7, v11;
	v9 =	vxor.u32 v8, v35  }
0x19a: {  	v11 =	vshrl.u32 v54, $0x11;
	v55 =	vshll.u32 v54, $0xF;
	v9 =	vadd.s32 $0x1BD11BF4, v9  }
0x19b: {  	v8 =	vadd.s32 v9, v8;
	v38 =	vshrl.u32 v9, $0x13;
	v9 =	vshll.u32 v9, $0xD  }
0x19c: {  	v10 =	vxor.u32 v6, v37;
	v8 =	vadd.s32 $0x2A, v8;
	v9 =	vor.u32 v38, v9  }
0x19d: {  	v41 =	vshrl.u32 v10, $0x8;
	v44 =	vshll.u32 v10, $0x18;
	v9 =	vxor.u32 v8, v9  }
0x19e: {  	v6 =	vadd.s32 v6, v10;
	v42 =	vshrl.u32 v9, $0x11;
	v43 =	vshll.u32 v9, $0xF  }
0x19f: {  	v8 =	vadd.s32 v8, v9;
	v9 =	vor.u32 v41, v44;
	v15 =	vor.u32 v42, v43  }
0x1a0: {  	v7 =	vadd.s32 v7, v54;
	v9 =	vxor.u32 v6, v9;
	v45 =	vxor.u32 v8, v15  }
0x1a1: {  	v58 =	vor.u32 v11, v55;
	v9 =	vadd.s32 $0x2, v9;
	v46 =	vshrl.u32 v45, $0x6  }
0x1a2: {  	v47 =	vshll.u32 v45, $0x1A;
	v8 =	vadd.s32 v8, v45;
	v6 =	vadd.s32 v9, v6  }
0x1a3: {  	v53 =	vshrl.u32 v9, $0x13;
	v9 =	vshll.u32 v9, $0xD;
	v48 =	vor.u32 v46, v47  }
0x1a4: {  	v6 =	vadd.s32 $0x1BD11BF0, v6;
	v9 =	vor.u32 v53, v9;
	v10 =	vxor.u32 v8, v48  }
0x1a5: {  	v9 =	vxor.u32 v6, v9;
	v49 =	vshrl.u32 v10, $0x1A;
	v50 =	vshll.u32 v10, $0x6  }
0x1a6: {  	v8 =	vadd.s32 v8, v10;
	v56 =	vshrl.u32 v9, $0x11;
	v57 =	vshll.u32 v9, $0xF  }
0x1a7: {  	v6 =	vadd.s32 v6, v9;
	v51 =	vor.u32 v49, v50;
	v59 =	vor.u32 v56, v57  }
0x1a8: {  	v10 =	vxor.u32 v8, v51;
	v8 =	vadd.s32 $0x1BD11BF0, v8;
	v11 =	vxor.u32 v6, v59  }
0x1a9: {  	v10 =	vadd.s32 $0x5, v10;
	v62 =	vshrl.u32 v11, $0x6;
	v63 =	vshll.u32 v11, $0x1A  }
0x1aa: {  	v6 =	vadd.s32 v6, v11;
	v8 =	vxor.u32 v8, v10;
	v10 =	vxor.u32 v7, v58  }
0x1ab: {  	v16 =	vor.u32 v62, v63;
	v60 =	vshrl.u32 v10, $0x6;
	v61 =	vshll.u32 v10, $0x1A  }
0x1ac: {  	v7 =	vadd.s32 v7, v10;
	v8 =	vshrl.u32 v8, $0x9;
	v10 =	vxor.u32 v6, v16  }
0x1ad: {  	v9 =	vor.u32 v60, v61;
	v19 =	vshrl.u32 v10, $0x1A;
	v21 =	vshll.u32 v10, $0x6  }
0x1ae: {  	v6 =	vadd.s32 v6, v10;
	v9 =	vxor.u32 v7, v9;
	v22 =	vor.u32 v19, v21  }
0x1af: {  	v17 =	vshrl.u32 v9, $0x1A;
	v18 =	vshll.u32 v9, $0x6;
	v10 =	vxor.u32 v6, v22  }
0x1b0: {  	v7 =	vadd.s32 v7, v9;
	v20 =	vor.u32 v17, v18;
	v10 =	vadd.s32 $0x2D, v10  }
0x1b1: {  	v8 =	vor.u32 $0x3F800000, v8;
	v9 =	vxor.u32 v7, v20;
	v25 =	vshrl.u32 v10, $0xF  }
0x1b2: {  	v26 =	vshll.u32 v10, $0x11;
	v6 =	vadd.s32 v6, v10;
	v9 =	vadd.s32 $0x2D, v9  }
0x1b3: {  	v27 =	vor.u32 v25, v26;
	v23 =	vshrl.u32 v9, $0xF;
	v24 =	vshll.u32 v9, $0x11  }
0x1b4: {  	v7 =	vadd.s32 v7, v9;
	v9 =	vxor.u32 v6, v27;
	v11 =	vor.u32 v23, v24  }
0x1b5: {  	v30 =	vshrl.u32 v9, $0x3;
	v32 =	vshll.u32 v9, $0x1D;
	v28 =	vxor.u32 v7, v11  }
0x1b6: {  	v6 =	vadd.s32 v6, v9;
	v33 =	vor.u32 v30, v32;
	v11 =	vshrl.u32 v28, $0x3  }
0x1b7: {  	v29 =	vshll.u32 v28, $0x1D;
	v7 =	vadd.s32 v7, v28;
	v9 =	vxor.u32 v6, v33  }
0x1b8: {  	v31 =	vor.u32 v11, v29;
	v36 =	vshrl.u32 v9, $0x10;
	v37 =	vshll.u32 v9, $0x10  }
0x1b9: {  	v6 =	vadd.s32 v6, v9;
	v10 =	vxor.u32 v7, v31;
	v38 =	vor.u32 v36, v37  }
0x1ba: {  	v34 =	vshrl.u32 v10, $0x10;
	v35 =	vshll.u32 v10, $0x10;
	v9 =	vxor.u32 v6, v38  }
0x1bb: {  	v7 =	vadd.s32 v7, v10;
	v11 =	vor.u32 v34, v35;
	v40 =	vshrl.u32 v9, $0x8  }
0x1bc: {  	v42 =	vshll.u32 v9, $0x18;
	v6 =	vadd.s32 v6, v9;
	v10 =	vxor.u32 v7, v11  }
0x1bd: {  	v43 =	vor.u32 v40, v42;
	v11 =	vshrl.u32 v10, $0x8;
	v39 =	vshll.u32 v10, $0x18  }
0x1be: {  	v7 =	vadd.s32 v7, v10;
	v9 =	vxor.u32 v6, v43;
	v41 =	vor.u32 v11, v39  }
0x1bf: {  	v8 =	vadd.f32 $-1.000000000e+00, v8;
	v9 =	vadd.s32 $0x1BD11BF4, v9;
	v10 =	vxor.u32 v7, v41  }
0x1c0: {  	v6 =	vadd.s32 v9, v6;
	v45 =	vshrl.u32 v9, $0x13;
	v9 =	vshll.u32 v9, $0xD  }
0x1c1: {  	v10 =	vadd.s32 $0x1BD11BF4, v10;
	v6 =	vadd.s32 $0x2A, v6;
	v9 =	vor.u32 v45, v9  }
0x1c2: {  	v7 =	vadd.s32 v10, v7;
	v44 =	vshrl.u32 v10, $0x13;
	v10 =	vshll.u32 v10, $0xD  }
0x1c3: {  	v9 =	vxor.u32 v6, v9;
	v7 =	vadd.s32 $0x2A, v7;
	v10 =	vor.u32 v44, v10  }
0x1c4: {  	v48 =	vshrl.u32 v9, $0x11;
	v49 =	vshll.u32 v9, $0xF;
	v10 =	vxor.u32 v7, v10  }
0x1c5: {  	v6 =	vadd.s32 v6, v9;
	v50 =	vor.u32 v48, v49;
	v46 =	vshrl.u32 v10, $0x11  }
0x1c6: {  	v47 =	vshll.u32 v10, $0xF;
	v7 =	vadd.s32 v7, v10;
	v9 =	vxor.u32 v6, v50  }
0x1c7: {  	v11 =	vor.u32 v46, v47;
	v52 =	vshrl.u32 v9, $0x6;
	v54 =	vshll.u32 v9, $0x1A  }
0x1c8: {  	v6 =	vadd.s32 v6, v9;
	v10 =	vxor.u32 v7, v11;
	v55 =	vor.u32 v52, v54  }
0x1c9: {  	v11 =	vshrl.u32 v10, $0x6;
	v51 =	vshll.u32 v10, $0x1A;
	v9 =	vxor.u32 v6, v55  }
0x1ca: {  	v7 =	vadd.s32 v7, v10;
	v53 =	vor.u32 v11, v51;
	v58 =	vshrl.u32 v9, $0x1A  }
0x1cb: {  	v59 =	vshll.u32 v9, $0x6;
	v6 =	vadd.s32 v6, v9;
	v10 =	vxor.u32 v7, v53  }
0x1cc: {  	v60 =	vor.u32 v58, v59;
	v56 =	vshrl.u32 v10, $0x1A;
	v57 =	vshll.u32 v10, $0x6  }
0x1cd: {  	v7 =	vadd.s32 v7, v10;
	v9 =	vxor.u32 v6, v60;
	v11 =	vor.u32 v56, v57  }
0x1ce: {  	v6 =	vadd.s32 $0x1BD11BF0, v6;
	v9 =	vadd.s32 $0x5, v9;
	v10 =	vxor.u32 v7, v11  }
0x1cf: {  	v7 =	vadd.s32 $0x1BD11BF0, v7;
	v6 =	vxor.u32 v6, v9;
	v10 =	vadd.s32 $0x5, v10  }
0x1d0: {  	v3 =	vadd.f32 $-1.000000000e+00, v3;
	v6 =	vshrl.u32 v6, $0x9;
	v7 =	vxor.u32 v7, v10  }
0x1d1: {  	v8 =	vadd.f32 $1.175494350e-38, v8;
	v61 =	vor.u32 $0x3F800000, v6;
	v7 =	vshrl.u32 v7, $0x9  }
0x1d2: {  	[tilespmem:s12+$0x8000] =	vst v5;
	s31 =	sshra.s32 s13, $0x2;
	v3 =	vadd.f32 $1.175494350e-38, v3;
	v5 =	vadd.f32 $-1.000000000e+00, v61;
	v7 =	vor.u32 $0x3F800000, v7  }
0x1d3: {  	v4 =	vadd.f32 $1.175494350e-38, v4;
	[tilespmem:s31+$0x10000] =	vst v8;
	v62 =	vadd.f32 $-1.000000000e+00, v7  }
0x1d4: {  	[tilespmem:s14+$0x8000] =	vst v3;
	v3 =	vadd.f32 $1.175494350e-38, v5  }
0x1d5: {  	[tilespmem:s14+$0x0] =	vst v4;
	v63 =	vadd.f32 $1.175494350e-38, v62  }
0x1d6: {  	[tilespmem:s31+$0x8000] =	vst v3  }
0x1d7: {  	[tilespmem:s31+$0x0] =	vst v63  }
0x1d8: {  	[hbm4b:s3+s2] =	stream.linear.scatter [tilespmem:s2], [sflag:$0x1], $0x8000, $0x38;
	[tilespmem:$0x18000] =	vst v63  }
0x1d9: {  	_ =	swait.ge [sflag:s8], $0x8000  }
0x1da: {  	[sflag:s8] =	ssyncset.done $0x0  }
0x1db: {  	[sflag:s8] =	ssyncadd.s32 $0xFFFF8000  }
0x1dc: {  	[hbm4b:s4+s2] =	stream.linear.scatter [tilespmem:s9], [sflag:$0x1], $0x8000, $0x38;
	[tilespmem:$0x18000] =	vst v63  }
0x1dd: {  	s11 =	sadd.s32 $0x1, s11;
	_ =	swait.ge [sflag:s8], $0x8000  }
0x1de: {  	p0 =	sne.s32 s11, s6;
	[sflag:s8] =	ssyncset.done $0x0  }
.Ltmp1:
0x1df: {  	[sflag:s8] =	ssyncadd.s32 $0xFFFF8000;
	(pc) =	sbr.rel @p0 .LBB2_1-.Ltmp1, $4  }
0x1e0: {  	[hbm4b:s5+s2] =	stream.linear.scatter [tilespmem:s10], [sflag:$0x1], $0x8000, $0x38;
	[tilespmem:$0x18000] =	vst v63  }
0x1e1: {  	_ =	swait.ge [sflag:s8], $0x8000  }
0x1e2: {  	[sflag:s8] =	ssyncset.done $0x0  }
0x1e3: {  	[sflag:s8] =	ssyncadd.s32 $0xFFFF8000  }
0x1e4: {  	_ =	sfence.sel $0x180000  }
0x1e5: {  	[bflag:$0x0] =	sbarrier.arrive $0xFFFF  }
0x1e6: {  	p0 =	sne.s32 s1, $0x0;
	_ =	strace $0x90000047  }
0x1e7: {  	s0 =	sadd.s32 @!p0 $0x100000, s0;
	[bflag:$0x2] =	sbarrier.arrive $0xFFFF  }
0x1e8: {  	[sflag:s0] =	ssyncadd.tile.s32 @!p0 $0x1;
	_ =	shalt  }
.Lfunc_end2:
_tile_overlayer_lowered:
.L_overlay_start_2:
0x1e9: {  	(tag) =	ssettag $0x2  }
0x1ea: {  	s0 =	rddreg [dreg:$0x0];
	s2 =	stileid.u32  }
0x1eb: {  	s1 =	rddreg [dreg:$0x1];
	p0 =	sne.s32 s2, $0x0  }
0x1ec: {  	s3 =	rddreg [dreg:$0x2];
	[bflag:$0x3] =	sbarrier.arrive $0xFFFF;
	s2 =	simm.s32 @!p0 $0x1C01  }
0x1ed: {  	[timem:s3], [sflag:s2] =	dma.local @!p0 [hbm:s0], s1  }
0x1ee: {  	s0 =	simm.s32 @!p0 $0x1  }
0x1ef: {  	_ =	swait.ge @!p0 [sflag:s0], s1  }
0x1f0: {  	s1 =	ssub.s32 @!p0 $0x0, s1;
	[sflag:s0] =	ssyncset.done @!p0 $0x0  }
0x1f1: {  	[sflag:s0] =	ssyncadd.s32 @!p0 s1  }
0x1f2: {  	[bflag:$0x3] =	sbarrier.arrive $0xFFFF  }
0x1f3: {  	_ =	shalt  }

</sc_bundles>
